<compile_context>
chip_gen: v7x
topology: tpu7x:2x2x1
jax: 0.10.2.dev20260603
libtpu: 0.0.44.dev20260713+nightly
codegen_flags: <defaults>
</compile_context>

<pallas_src>
import functools

import jax
import jax.numpy as jnp
from jax import lax
from jax.experimental import pallas as pl
from jax.experimental.pallas import tpu as pltpu
from jax.experimental.pallas import tpu_sc as plsc

N_NODES = 10000
N_EDGES = 320000
D = 128

NC = 2
NS = 16
NW = NC * NS

K = 128
N_PAD = 10240
ROWS_PER_TILE = N_PAD // NS

CHUNKS_PER_WORKER = 80
E_PAD = CHUNKS_PER_WORKER * K * NW
N_CHUNKS = E_PAD // K


def _make_sc_agg(width):
    mesh = plsc.VectorSubcoreMesh(core_axis_name="c", subcore_axis_name="s")

    @functools.partial(
        pl.kernel,
        out_type=jax.ShapeDtypeStruct((NC, N_PAD, width), jnp.float32),
        mesh=mesh,
        scratch_types=[
            pltpu.VMEM((K,), jnp.int32),
            pltpu.VMEM((K,), jnp.int32),
            pltpu.VMEM((K,), jnp.int32),
            pltpu.VMEM((K,), jnp.int32),
            pltpu.VMEM((K,), jnp.int32),
            pltpu.VMEM((K,), jnp.int32),
            pltpu.VMEM((K,), jnp.int32),
            pltpu.VMEM((K,), jnp.int32),
            pltpu.VMEM((K, width), jnp.float32),
            pltpu.VMEM((K, width), jnp.float32),
            pltpu.VMEM_SHARED((N_PAD, width), jnp.float32),
            pltpu.SemaphoreType.DMA,
            pltpu.SemaphoreType.DMA,
            pltpu.SemaphoreType.DMA,
            pltpu.SemaphoreType.DMA,
            pltpu.SemaphoreType.DMA,
            pltpu.SemaphoreType.DMA,
            pltpu.SemaphoreType.DMA,
            pltpu.SemaphoreType.DMA,
        ],
    )
    def sc_agg(y_hbm, src_hbm, dst_hbm, out_hbm,
               sb0, sb1, sb2, sb3, db0, db1, db2, db3,
               rows0, rows1, acc_sh,
               si0, si1, si2, si3, sg0, sg1, ss0, ss1):
        cid = lax.axis_index("c")
        sid = lax.axis_index("s")
        wid = sid * NC + cid
        n = CHUNKS_PER_WORKER
        srcb = (sb0, sb1, sb2, sb3)
        dstb = (db0, db1, db2, db3)
        rows = (rows0, rows1)
        si = (si0, si1, si2, si3)
        sg = (sg0, sg1)
        ss = (ss0, ss1)

        def zloop(i, _):
            rows0[i // (width // 16), pl.ds((i % (width // 16)) * 16, 16)] = (
                jnp.zeros((16,), jnp.float32))
            return 0
        lax.fori_loop(0, K * (width // 16), zloop, 0)
        def zcopy(j, _):
            pltpu.sync_copy(rows0, acc_sh.at[pl.ds(sid * ROWS_PER_TILE + j * K, K)])
            return 0
        lax.fori_loop(0, ROWS_PER_TILE // K, zcopy, 0)
        plsc.subcore_barrier()

        def idesc_s(c, b4):
            return pltpu.make_async_copy(src_hbm.at[wid * n + c], srcb[b4],
                                         si[b4])

        def idesc_d(c, b4):
            return pltpu.make_async_copy(dst_hbm.at[wid * n + c], dstb[b4],
                                         si[b4])

        def istart(c, b4):
            pltpu.async_copy(src_hbm.at[wid * n + c], srcb[b4], si[b4])
            pltpu.async_copy(dst_hbm.at[wid * n + c], dstb[b4], si[b4])

        def iwait(c, b4):
            idesc_s(c, b4).wait()
            idesc_d(c, b4).wait()

        def gstart(b4, b2):
            pltpu.async_copy(y_hbm.at[srcb[b4]], rows[b2], sg[b2])

        def gdesc(b4, b2):
            return pltpu.make_async_copy(y_hbm.at[srcb[b4]], rows[b2], sg[b2])

        def sdesc(b4, b2):
            return pltpu.make_async_copy(rows[b2], acc_sh.at[dstb[b4]],
                                         ss[b2])

        def sstart(b4, b2):
            pltpu.async_copy(rows[b2], acc_sh.at[dstb[b4]], ss[b2], add=True)

        def step(c, b4, b2):
            gdesc(b4, b2).wait()
            sdesc((b4 + 3) % 4, 1 - b2).wait()
            c1 = jnp.minimum(c + 1, n - 1)
            iwait(c1, (b4 + 1) % 4)
            gstart((b4 + 1) % 4, 1 - b2)
            sstart(b4, b2)
            c2 = jnp.minimum(c + 2, n - 1)
            istart(c2, (b4 + 2) % 4)

        istart(0, 0)
        istart(1, 1)
        iota16 = lax.iota(jnp.int32, 16)
        for j in range(K // 16):
            dstb[3][pl.ds(16 * j, 16)] = N_NODES + 16 + 16 * j + iota16
        iwait(0, 0)
        gstart(0, 0)
        sstart(3, 1)

        def body(o, _):
            c = 4 * o
            step(c, 0, 0)
            step(c + 1, 1, 1)
            step(c + 2, 2, 0)
            step(c + 3, 3, 1)
            return 0
        lax.fori_loop(0, n // 4, body, 0)

        gdesc(0, 0).wait()
        iwait(n - 1, 1)
        sdesc(3, 1).wait()
        plsc.subcore_barrier()

        pltpu.sync_copy(
            acc_sh.at[pl.ds(sid * ROWS_PER_TILE, ROWS_PER_TILE)],
            out_hbm.at[cid, pl.ds(sid * ROWS_PER_TILE, ROWS_PER_TILE)],
        )

    return sc_agg


_BLK = 512


def _dinv_of(h_ref):
    return lax.rsqrt(h_ref[0, :, 0:1] + h_ref[1, :, 0:1] + 1.0)


def _tc_scale_matmul_kernel(h_ref, x_ref, w_ref, o_ref):
    o_ref[...] = _dinv_of(h_ref) * jnp.dot(x_ref[...], w_ref[...],
                                           preferred_element_type=jnp.float32)


def _tc_scale_matmul(hist, x, w):
    n = x.shape[0]
    grid = (n // _BLK,)
    return pl.pallas_call(
        _tc_scale_matmul_kernel,
        grid=grid,
        in_specs=[
            pl.BlockSpec((NC, _BLK, D), lambda i: (0, i, 0)),
            pl.BlockSpec((_BLK, D), lambda i: (i, 0)),
            pl.BlockSpec((D, D), lambda i: (0, 0)),
        ],
        out_specs=pl.BlockSpec((_BLK, D), lambda i: (i, 0)),
        out_shape=jax.ShapeDtypeStruct((n, D), jnp.float32),
    )(hist, x, w)


def _tc_mid_kernel(h_ref, p_ref, y_ref, b_ref, w_ref, o_ref):
    dinv = _dinv_of(h_ref)
    h = jax.nn.relu(dinv * (p_ref[0] + p_ref[1] + y_ref[...]) + b_ref[...])
    o_ref[...] = dinv * jnp.dot(h, w_ref[...], preferred_element_type=jnp.float32)


def _tc_mid(hist, parts, y, b, w):
    n = y.shape[0]
    grid = (n // _BLK,)
    return pl.pallas_call(
        _tc_mid_kernel,
        grid=grid,
        in_specs=[
            pl.BlockSpec((NC, _BLK, D), lambda i: (0, i, 0)),
            pl.BlockSpec((NC, _BLK, D), lambda i: (0, i, 0)),
            pl.BlockSpec((_BLK, D), lambda i: (i, 0)),
            pl.BlockSpec((1, D), lambda i: (0, 0)),
            pl.BlockSpec((D, D), lambda i: (0, 0)),
        ],
        out_specs=pl.BlockSpec((_BLK, D), lambda i: (i, 0)),
        out_shape=jax.ShapeDtypeStruct((n, D), jnp.float32),
    )(hist, parts, y, b, w)


_BLKF = 400


def _tc_final_kernel(h_ref, p_ref, y_ref, b_ref, o_ref):
    dinv = _dinv_of(h_ref)
    o_ref[...] = jax.nn.relu(dinv * (p_ref[0] + p_ref[1] + y_ref[...]) + b_ref[...])


def _tc_final(hist, parts, y, b):
    grid = (N_NODES // _BLKF,)
    return pl.pallas_call(
        _tc_final_kernel,
        grid=grid,
        in_specs=[
            pl.BlockSpec((NC, _BLKF, D), lambda i: (0, i, 0)),
            pl.BlockSpec((NC, _BLKF, D), lambda i: (0, i, 0)),
            pl.BlockSpec((_BLKF, D), lambda i: (i, 0)),
            pl.BlockSpec((1, D), lambda i: (0, 0)),
        ],
        out_specs=pl.BlockSpec((_BLKF, D), lambda i: (i, 0)),
        out_shape=jax.ShapeDtypeStruct((N_NODES, D), jnp.float32),
    )(hist, parts, y, b)


def kernel(x, edge_index, W1, b1, W2, b2):
    src = edge_index[0].astype(jnp.int32)
    dst = edge_index[1].astype(jnp.int32)

    pad = E_PAD - N_EDGES
    pad_i = jnp.arange(pad, dtype=jnp.int32)
    src_p = jnp.concatenate([src, pad_i % 16]).reshape(N_CHUNKS, K)
    dst_p = jnp.concatenate([dst, N_NODES + (pad_i % 16)]).reshape(N_CHUNKS, K)

    x_p = jnp.zeros((N_PAD, D), jnp.float32).at[:N_NODES].set(x)

    sc_agg = _make_sc_agg(D)

    ones_tab = jnp.ones((N_PAD, D), jnp.float32)
    hist = sc_agg(ones_tab, src_p, dst_p)
    y1 = _tc_scale_matmul(hist, x_p, W1)
    p1 = sc_agg(y1, src_p, dst_p)
    y2 = _tc_mid(hist, p1, y1, b1.reshape(1, D), W2)
    p2 = sc_agg(y2, src_p, dst_p)
    return _tc_final(hist, p2, y2, b2.reshape(1, D))

# --- scband reference (transcript-rebuilt; emitter-appended) ---
"""Pipeline reference for scband-gnnpolicy-9835475107962 (READ-ONLY COPY).

The authoritative reference and input builder live on the scoring server;
editing this copy changes nothing except your own understanding.
"""

import jax, jax.numpy as jnp
import numpy as np

N_NODES = 10000
N_EDGES = 320000
NODE_DIM = 128
HIDDEN_DIM = 128


def gcn_conv(x, edge_index, W, b):
    # Faithful PyG GCNConv: add self-loops, symmetric deg^{-1/2} normalization,
    # linear transform, scatter-add aggregation, plus bias.
    N = x.shape[0]
    src = edge_index[0]
    dst = edge_index[1]
    loop = jnp.arange(N, dtype=edge_index.dtype)
    src = jnp.concatenate([src, loop])
    dst = jnp.concatenate([dst, loop])
    deg = jnp.zeros((N,), dtype=x.dtype).at[dst].add(1.0)
    deg_inv_sqrt = jnp.where(deg > 0, jax.lax.rsqrt(jnp.maximum(deg, 1e-12)), 0.0)
    norm = deg_inv_sqrt[src] * deg_inv_sqrt[dst]
    xw = x @ W
    msg = xw[src] * norm[:, None]
    out = jnp.zeros((N, W.shape[1]), dtype=x.dtype).at[dst].add(msg)
    return out + b


def setup_inputs(seed: int = 0) -> dict:
    key = jax.random.key(seed)
    k1, k2, k3, k4, k5, k6 = jax.random.split(key, 6)
    x = jax.random.normal(k1, (N_NODES, NODE_DIM), dtype=jnp.float32)
    edge_index = jax.random.randint(k2, (2, N_EDGES), 0, N_NODES, dtype=jnp.int64) if jax.config.jax_enable_x64 else jax.random.randint(k2, (2, N_EDGES), 0, N_NODES).astype(jnp.int32)
    s1 = 1.0 / np.sqrt(NODE_DIM)
    s2 = 1.0 / np.sqrt(HIDDEN_DIM)
    W1 = jax.random.uniform(k3, (NODE_DIM, HIDDEN_DIM), jnp.float32, -s1, s1)
    b1 = jax.random.uniform(k4, (HIDDEN_DIM,), jnp.float32, -s1, s1)
    W2 = jax.random.uniform(k5, (HIDDEN_DIM, HIDDEN_DIM), jnp.float32, -s2, s2)
    b2 = jax.random.uniform(k6, (HIDDEN_DIM,), jnp.float32, -s2, s2)
    return {"x": x, "edge_index": edge_index, "W1": W1, "b1": b1, "W2": W2, "b2": b2}


def reference(x, edge_index, W1, b1, W2, b2):
    h = jax.nn.relu(gcn_conv(x, edge_index, W1, b1))
    h = jax.nn.relu(gcn_conv(h, edge_index, W2, b2))
    return h

if __name__ == "__main__":
    import jax
    _d = setup_inputs()
    print(jax.jit(kernel)(*tuple(_d.values())))

</pallas_src>

<mosaic_0001>
#map = affine_map<(d0, d1) -> (0, 0)>
#map1 = affine_map<(d0, d1) -> (0, 0, 0)>
module attributes {stable_mosaic.version = 14 : i64} {
  func.func @sc_agg(%arg0: i32, %arg1: i32, %arg2: memref<10240x128xf32, #tpu.memory_space<hbm>>, %arg3: memref<2560x128xi32, #tpu.memory_space<hbm>>, %arg4: memref<2560x128xi32, #tpu.memory_space<hbm>>, %arg5: memref<2x10240x128xf32, #tpu.memory_space<hbm>>, %arg6: memref<128xi32, #tpu.memory_space<vmem>>, %arg7: memref<128xi32, #tpu.memory_space<vmem>>, %arg8: memref<128xi32, #tpu.memory_space<vmem>>, %arg9: memref<128xi32, #tpu.memory_space<vmem>>, %arg10: memref<128xi32, #tpu.memory_space<vmem>>, %arg11: memref<128xi32, #tpu.memory_space<vmem>>, %arg12: memref<128xi32, #tpu.memory_space<vmem>>, %arg13: memref<128xi32, #tpu.memory_space<vmem>>, %arg14: memref<128x128xf32, #tpu.memory_space<vmem>>, %arg15: memref<128x128xf32, #tpu.memory_space<vmem>>, %arg16: memref<10240x128xf32, #tpu.memory_space<vmem_shared>>, %arg17: memref<!tpu.dma_semaphore, #tpu.memory_space<semaphore_mem>>, %arg18: memref<!tpu.dma_semaphore, #tpu.memory_space<semaphore_mem>>, %arg19: memref<!tpu.dma_semaphore, #tpu.memory_space<semaphore_mem>>, %arg20: memref<!tpu.dma_semaphore, #tpu.memory_space<semaphore_mem>>, %arg21: memref<!tpu.dma_semaphore, #tpu.memory_space<semaphore_mem>>, %arg22: memref<!tpu.dma_semaphore, #tpu.memory_space<semaphore_mem>>, %arg23: memref<!tpu.dma_semaphore, #tpu.memory_space<semaphore_mem>>, %arg24: memref<!tpu.dma_semaphore, #tpu.memory_space<semaphore_mem>>) attributes {dimension_semantics = [#tpu.dimension_semantics<core_parallel>, #tpu.dimension_semantics<subcore_parallel>], iteration_bounds = array<i64: 2, 16>, scalar_prefetch = 0 : i64, scratch_operands = 19 : i64, tpu.core_type = #tpu.core_type<sc_vector_subcore>, window_params = [{transform_indices = #map}, {transform_indices = #map}, {transform_indices = #map}, {transform_indices = #map1}]} {
    %mul3A = arith.constant 2 : i32
    %mul3A_0 = arith.muli %arg1, %mul3A : i32
    %add3A = arith.addi %mul3A_0, %arg0 : i32
    %scan3A = arith.constant 0 : i32
    %scan3A_1 = arith.constant 0 : i32
    %scan3A_2 = arith.constant 1024 : i32
    %scan3A_3 = arith.addi %scan3A_1, %scan3A_2 : i32
    %scan3A_4 = arith.constant 1 : i32
    %scan3A_5 = scf.for %scan3A_171 = %scan3A_1 to %scan3A_3 step %scan3A_4 iter_args(%scan3A_172 = %scan3A) -> (i32)  : i32 {
      %broadcast_in_dim3A = arith.constant 0.000000e+00 : f32
      %broadcast_in_dim3A_173 = vector.broadcast %broadcast_in_dim3A : f32 to vector<16xf32>
      %jit3A = arith.constant 8 : i32
      %div3A = arith.divsi %scan3A_171, %jit3A : i32
      %sign3A = arith.constant 0 : i32
      %sign3A_174 = arith.cmpi sgt, %scan3A_171, %sign3A : i32
      %sign3A_175 = arith.extui %sign3A_174 : i1 to i32
      %sign3A_176 = arith.constant 0 : i32
      %sign3A_177 = arith.cmpi slt, %scan3A_171, %sign3A_176 : i32
      %sign3A_178 = arith.extui %sign3A_177 : i1 to i32
      %sign3A_179 = arith.subi %sign3A_175, %sign3A_178 : i32
      %sign3A_180 = arith.constant 0 : i32
      %sign3A_181 = arith.cmpi sgt, %jit3A, %sign3A_180 : i32
      %sign3A_182 = arith.extui %sign3A_181 : i1 to i32
      %sign3A_183 = arith.constant 0 : i32
      %sign3A_184 = arith.cmpi slt, %jit3A, %sign3A_183 : i32
      %sign3A_185 = arith.extui %sign3A_184 : i1 to i32
      %sign3A_186 = arith.subi %sign3A_182, %sign3A_185 : i32
      %ne3A = arith.cmpi ne, %sign3A_179, %sign3A_186 : i32
      %rem3A = arith.remsi %scan3A_171, %jit3A : i32
      %ne3A_187 = arith.constant 0 : i32
      %ne3A_188 = arith.cmpi ne, %rem3A, %ne3A_187 : i32
      %and3A = arith.andi %ne3A, %ne3A_188 : i1
      %sub3A = arith.constant 1 : i32
      %sub3A_189 = arith.subi %div3A, %sub3A : i32
      %select_n3A = arith.select %and3A, %sub3A_189, %div3A : i32
      %jit3A_190 = arith.constant 8 : i32
      %eq3A = arith.constant 0 : i32
      %eq3A_191 = arith.cmpi eq, %jit3A_190, %eq3A : i32
      %jit3A_192 = arith.constant 1 : i32
      %select_n3A_193 = arith.select %eq3A_191, %jit3A_192, %jit3A_190 : i32
      %rem3A_194 = arith.remsi %scan3A_171, %select_n3A_193 : i32
      %ne3A_195 = arith.constant 0 : i32
      %ne3A_196 = arith.cmpi ne, %rem3A_194, %ne3A_195 : i32
      %lt3A = arith.constant 0 : i32
      %lt3A_197 = arith.cmpi slt, %rem3A_194, %lt3A : i32
      %lt3A_198 = arith.constant 0 : i32
      %lt3A_199 = arith.cmpi slt, %select_n3A_193, %lt3A_198 : i32
      %ne3A_200 = arith.xori %lt3A_197, %lt3A_199 : i1
      %and3A_201 = arith.andi %ne3A_200, %ne3A_196 : i1
      %add3A_202 = arith.addi %rem3A_194, %select_n3A_193 : i32
      %select_n3A_203 = arith.select %and3A_201, %add3A_202, %rem3A_194 : i32
      %mul3A_204 = arith.constant 16 : i32
      %mul3A_205 = arith.muli %select_n3A_203, %mul3A_204 : i32
      %swap3A_206 = arith.index_cast %select_n3A : i32 to index
      %swap3A_207 = arith.index_cast %mul3A_205 : i32 to index
      %swap3A_208 = tpu.vector_load %arg14[%swap3A_206, %swap3A_207] {strides = array<i32>} : memref<128x128xf32, #tpu.memory_space<vmem>>, vector<1x16xf32>,
      %swap3A_209 = vector.shape_cast %swap3A_208 : vector<1x16xf32> to vector<16xf32>
      %swap3A_210 = vector.shape_cast %broadcast_in_dim3A_173 : vector<16xf32> to vector<1x16xf32>
      tpu.vector_store %arg14[%swap3A_206, %swap3A_207], %swap3A_210 {strides = array<i32>} : memref<128x128xf32, #tpu.memory_space<vmem>>, vector<1x16xf32>,
      %scan3A_211 = arith.constant 0 : i32
      scf.yield %scan3A_211 : i32
    }
    %scan3A_6 = arith.constant 1024 : i32
    %scan3A_7 = arith.constant 0 : i32
    %scan3A_8 = arith.constant 0 : i32
    %scan3A_9 = arith.constant 5 : i32
    %scan3A_10 = arith.addi %scan3A_8, %scan3A_9 : i32
    %scan3A_11 = arith.constant 1 : i32
    %scan3A_12 = scf.for %scan3A_171 = %scan3A_8 to %scan3A_10 step %scan3A_11 iter_args(%scan3A_172 = %scan3A_7) -> (i32)  : i32 {
      %mul3A_173 = arith.constant 640 : i32
      %mul3A_174 = arith.muli %arg1, %mul3A_173 : i32
      %mul3A_175 = arith.constant 128 : i32
      %mul3A_176 = arith.muli %scan3A_171, %mul3A_175 : i32
      %add3A_177 = arith.addi %mul3A_174, %mul3A_176 : i32
      "tpu.region"() ({
        %run_scoped3A = tpu.sem_alloc : memref<!tpu.dma_semaphore, #tpu.memory_space<semaphore_mem>>
        %dma_start3A_179 = arith.constant 0 : i32
        %dma_start3A_180 = tpu.memref_slice %arg16[%add3A_177, %dma_start3A_179] : memref<10240x128xf32, #tpu.memory_space<vmem_shared>> -> memref<128x128xf32, #tpu.memory_space<vmem_shared>>
        %dma_start3A_181 = arith.constant 0 : i32
        %dma_start3A_182 = tpu.memref_slice %arg16[%add3A_177, %dma_start3A_181] : memref<10240x128xf32, #tpu.memory_space<vmem_shared>> -> memref<128x128xf32, #tpu.memory_space<vmem_shared>>
        tpu.enqueue_dma source(%arg14 : memref<128x128xf32, #tpu.memory_space<vmem>>) target(%dma_start3A_182 : memref<128x128xf32, #tpu.memory_space<vmem_shared>>) target_semaphore(%run_scoped3A : memref<!tpu.dma_semaphore, #tpu.memory_space<semaphore_mem>>)
        %dma_wait3A_183 = arith.constant 0 : i32
        %dma_wait3A_184 = tpu.memref_slice %arg16[%add3A_177, %dma_wait3A_183] : memref<10240x128xf32, #tpu.memory_space<vmem_shared>> -> memref<128x128xf32, #tpu.memory_space<vmem_shared>>
        %dma_wait3A_185 = arith.constant 0 : i32
        %dma_wait3A_186 = tpu.memref_slice %arg16[%add3A_177, %dma_wait3A_185] : memref<10240x128xf32, #tpu.memory_space<vmem_shared>> -> memref<128x128xf32, #tpu.memory_space<vmem_shared>>
        tpu.wait_dma2 semaphore(%run_scoped3A : memref<!tpu.dma_semaphore, #tpu.memory_space<semaphore_mem>>) src(%arg14 : memref<128x128xf32, #tpu.memory_space<vmem>>) dst(%dma_wait3A_186 : memref<128x128xf32, #tpu.memory_space<vmem_shared>>)
        tpu.yield
      }) : () -> ()
      %scan3A_178 = arith.constant 0 : i32
      scf.yield %scan3A_178 : i32
    }
    %scan3A_13 = arith.constant 5 : i32
    %barrier3A = arith.constant 0 : index
    tpu.barrier barrier_id(%barrier3A)
    %mul3A_14 = arith.constant 80 : i32
    %mul3A_15 = arith.muli %add3A, %mul3A_14 : i32
    %add3A_16 = arith.constant 0 : i32
    %add3A_17 = arith.addi %mul3A_15, %add3A_16 : i32
    %dma_start3A = arith.constant 0 : i32
    %dma_start3A_18 = tpu.memref_slice %arg3[%add3A_17, %dma_start3A] : memref<2560x128xi32, #tpu.memory_space<hbm>> -> memref<1x128xi32, #tpu.memory_space<hbm>>
    %dma_start3A_19 = tpu.memref_squeeze %dma_start3A_18 : memref<1x128xi32, #tpu.memory_space<hbm>> -> memref<128xi32, #tpu.memory_space<hbm>>
    %dma_start3A_20 = arith.constant 0 : i32
    %dma_start3A_21 = tpu.memref_slice %arg3[%add3A_17, %dma_start3A_20] : memref<2560x128xi32, #tpu.memory_space<hbm>> -> memref<1x128xi32, #tpu.memory_space<hbm>>
    %dma_start3A_22 = tpu.memref_squeeze %dma_start3A_21 : memref<1x128xi32, #tpu.memory_space<hbm>> -> memref<128xi32, #tpu.memory_space<hbm>>
    tpu.enqueue_dma source(%dma_start3A_22 : memref<128xi32, #tpu.memory_space<hbm>>) target(%arg6 : memref<128xi32, #tpu.memory_space<vmem>>) target_semaphore(%arg17 : memref<!tpu.dma_semaphore, #tpu.memory_space<semaphore_mem>>)
    %mul3A_23 = arith.constant 80 : i32
    %mul3A_24 = arith.muli %add3A, %mul3A_23 : i32
    %add3A_25 = arith.constant 0 : i32
    %add3A_26 = arith.addi %mul3A_24, %add3A_25 : i32
    %dma_start3A_27 = arith.constant 0 : i32
    %dma_start3A_28 = tpu.memref_slice %arg4[%add3A_26, %dma_start3A_27] : memref<2560x128xi32, #tpu.memory_space<hbm>> -> memref<1x128xi32, #tpu.memory_space<hbm>>
    %dma_start3A_29 = tpu.memref_squeeze %dma_start3A_28 : memref<1x128xi32, #tpu.memory_space<hbm>> -> memref<128xi32, #tpu.memory_space<hbm>>
    %dma_start3A_30 = arith.constant 0 : i32
    %dma_start3A_31 = tpu.memref_slice %arg4[%add3A_26, %dma_start3A_30] : memref<2560x128xi32, #tpu.memory_space<hbm>> -> memref<1x128xi32, #tpu.memory_space<hbm>>
    %dma_start3A_32 = tpu.memref_squeeze %dma_start3A_31 : memref<1x128xi32, #tpu.memory_space<hbm>> -> memref<128xi32, #tpu.memory_space<hbm>>
    tpu.enqueue_dma source(%dma_start3A_32 : memref<128xi32, #tpu.memory_space<hbm>>) target(%arg10 : memref<128xi32, #tpu.memory_space<vmem>>) target_semaphore(%arg17 : memref<!tpu.dma_semaphore, #tpu.memory_space<semaphore_mem>>)
    %mul3A_33 = arith.constant 80 : i32
    %mul3A_34 = arith.muli %add3A, %mul3A_33 : i32
    %add3A_35 = arith.constant 1 : i32
    %add3A_36 = arith.addi %mul3A_34, %add3A_35 : i32
    %dma_start3A_37 = arith.constant 0 : i32
    %dma_start3A_38 = tpu.memref_slice %arg3[%add3A_36, %dma_start3A_37] : memref<2560x128xi32, #tpu.memory_space<hbm>> -> memref<1x128xi32, #tpu.memory_space<hbm>>
    %dma_start3A_39 = tpu.memref_squeeze %dma_start3A_38 : memref<1x128xi32, #tpu.memory_space<hbm>> -> memref<128xi32, #tpu.memory_space<hbm>>
    %dma_start3A_40 = arith.constant 0 : i32
    %dma_start3A_41 = tpu.memref_slice %arg3[%add3A_36, %dma_start3A_40] : memref<2560x128xi32, #tpu.memory_space<hbm>> -> memref<1x128xi32, #tpu.memory_space<hbm>>
    %dma_start3A_42 = tpu.memref_squeeze %dma_start3A_41 : memref<1x128xi32, #tpu.memory_space<hbm>> -> memref<128xi32, #tpu.memory_space<hbm>>
    tpu.enqueue_dma source(%dma_start3A_42 : memref<128xi32, #tpu.memory_space<hbm>>) target(%arg7 : memref<128xi32, #tpu.memory_space<vmem>>) target_semaphore(%arg18 : memref<!tpu.dma_semaphore, #tpu.memory_space<semaphore_mem>>)
    %mul3A_43 = arith.constant 80 : i32
    %mul3A_44 = arith.muli %add3A, %mul3A_43 : i32
    %add3A_45 = arith.constant 1 : i32
    %add3A_46 = arith.addi %mul3A_44, %add3A_45 : i32
    %dma_start3A_47 = arith.constant 0 : i32
    %dma_start3A_48 = tpu.memref_slice %arg4[%add3A_46, %dma_start3A_47] : memref<2560x128xi32, #tpu.memory_space<hbm>> -> memref<1x128xi32, #tpu.memory_space<hbm>>
    %dma_start3A_49 = tpu.memref_squeeze %dma_start3A_48 : memref<1x128xi32, #tpu.memory_space<hbm>> -> memref<128xi32, #tpu.memory_space<hbm>>
    %dma_start3A_50 = arith.constant 0 : i32
    %dma_start3A_51 = tpu.memref_slice %arg4[%add3A_46, %dma_start3A_50] : memref<2560x128xi32, #tpu.memory_space<hbm>> -> memref<1x128xi32, #tpu.memory_space<hbm>>
    %dma_start3A_52 = tpu.memref_squeeze %dma_start3A_51 : memref<1x128xi32, #tpu.memory_space<hbm>> -> memref<128xi32, #tpu.memory_space<hbm>>
    tpu.enqueue_dma source(%dma_start3A_52 : memref<128xi32, #tpu.memory_space<hbm>>) target(%arg11 : memref<128xi32, #tpu.memory_space<vmem>>) target_semaphore(%arg18 : memref<!tpu.dma_semaphore, #tpu.memory_space<semaphore_mem>>)
    %iota3A = tpu.iota {dimensions = array<i32: 0>} : vector<16xi32>
    %add3A_53 = arith.constant 10016 : i32
    %add3A_54 = vector.broadcast %add3A_53 : i32 to vector<16xi32>
    %add3A_55 = arith.addi %add3A_54, %iota3A : vector<16xi32>
    %swap3A = arith.constant 0 : index
    %swap3A_56 = tpu.vector_load %arg13[%swap3A] {strides = array<i32>} : memref<128xi32, #tpu.memory_space<vmem>>, vector<16xi32>,
    %swap3A_57 = vector.shape_cast %swap3A_56 : vector<16xi32> to vector<16xi32>
    %swap3A_58 = vector.shape_cast %add3A_55 : vector<16xi32> to vector<16xi32>
    tpu.vector_store %arg13[%swap3A], %swap3A_58 {strides = array<i32>} : memref<128xi32, #tpu.memory_space<vmem>>, vector<16xi32>,
    %add3A_59 = arith.constant 10032 : i32
    %add3A_60 = vector.broadcast %add3A_59 : i32 to vector<16xi32>
    %add3A_61 = arith.addi %add3A_60, %iota3A : vector<16xi32>
    %swap3A_62 = arith.constant 16 : index
    %swap3A_63 = tpu.vector_load %arg13[%swap3A_62] {strides = array<i32>} : memref<128xi32, #tpu.memory_space<vmem>>, vector<16xi32>,
    %swap3A_64 = vector.shape_cast %swap3A_63 : vector<16xi32> to vector<16xi32>
    %swap3A_65 = vector.shape_cast %add3A_61 : vector<16xi32> to vector<16xi32>
    tpu.vector_store %arg13[%swap3A_62], %swap3A_65 {strides = array<i32>} : memref<128xi32, #tpu.memory_space<vmem>>, vector<16xi32>,
    %add3A_66 = arith.constant 10048 : i32
    %add3A_67 = vector.broadcast %add3A_66 : i32 to vector<16xi32>
    %add3A_68 = arith.addi %add3A_67, %iota3A : vector<16xi32>
    %swap3A_69 = arith.constant 32 : index
    %swap3A_70 = tpu.vector_load %arg13[%swap3A_69] {strides = array<i32>} : memref<128xi32, #tpu.memory_space<vmem>>, vector<16xi32>,
    %swap3A_71 = vector.shape_cast %swap3A_70 : vector<16xi32> to vector<16xi32>
    %swap3A_72 = vector.shape_cast %add3A_68 : vector<16xi32> to vector<16xi32>
    tpu.vector_store %arg13[%swap3A_69], %swap3A_72 {strides = array<i32>} : memref<128xi32, #tpu.memory_space<vmem>>, vector<16xi32>,
    %add3A_73 = arith.constant 10064 : i32
    %add3A_74 = vector.broadcast %add3A_73 : i32 to vector<16xi32>
    %add3A_75 = arith.addi %add3A_74, %iota3A : vector<16xi32>
    %swap3A_76 = arith.constant 48 : index
    %swap3A_77 = tpu.vector_load %arg13[%swap3A_76] {strides = array<i32>} : memref<128xi32, #tpu.memory_space<vmem>>, vector<16xi32>,
    %swap3A_78 = vector.shape_cast %swap3A_77 : vector<16xi32> to vector<16xi32>
    %swap3A_79 = vector.shape_cast %add3A_75 : vector<16xi32> to vector<16xi32>
    tpu.vector_store %arg13[%swap3A_76], %swap3A_79 {strides = array<i32>} : memref<128xi32, #tpu.memory_space<vmem>>, vector<16xi32>,
    %add3A_80 = arith.constant 10080 : i32
    %add3A_81 = vector.broadcast %add3A_80 : i32 to vector<16xi32>
    %add3A_82 = arith.addi %add3A_81, %iota3A : vector<16xi32>
    %swap3A_83 = arith.constant 64 : index
    %swap3A_84 = tpu.vector_load %arg13[%swap3A_83] {strides = array<i32>} : memref<128xi32, #tpu.memory_space<vmem>>, vector<16xi32>,
    %swap3A_85 = vector.shape_cast %swap3A_84 : vector<16xi32> to vector<16xi32>
    %swap3A_86 = vector.shape_cast %add3A_82 : vector<16xi32> to vector<16xi32>
    tpu.vector_store %arg13[%swap3A_83], %swap3A_86 {strides = array<i32>} : memref<128xi32, #tpu.memory_space<vmem>>, vector<16xi32>,
    %add3A_87 = arith.constant 10096 : i32
    %add3A_88 = vector.broadcast %add3A_87 : i32 to vector<16xi32>
    %add3A_89 = arith.addi %add3A_88, %iota3A : vector<16xi32>
    %swap3A_90 = arith.constant 80 : index
    %swap3A_91 = tpu.vector_load %arg13[%swap3A_90] {strides = array<i32>} : memref<128xi32, #tpu.memory_space<vmem>>, vector<16xi32>,
    %swap3A_92 = vector.shape_cast %swap3A_91 : vector<16xi32> to vector<16xi32>
    %swap3A_93 = vector.shape_cast %add3A_89 : vector<16xi32> to vector<16xi32>
    tpu.vector_store %arg13[%swap3A_90], %swap3A_93 {strides = array<i32>} : memref<128xi32, #tpu.memory_space<vmem>>, vector<16xi32>,
    %add3A_94 = arith.constant 10112 : i32
    %add3A_95 = vector.broadcast %add3A_94 : i32 to vector<16xi32>
    %add3A_96 = arith.addi %add3A_95, %iota3A : vector<16xi32>
    %swap3A_97 = arith.constant 96 : index
    %swap3A_98 = tpu.vector_load %arg13[%swap3A_97] {strides = array<i32>} : memref<128xi32, #tpu.memory_space<vmem>>, vector<16xi32>,
    %swap3A_99 = vector.shape_cast %swap3A_98 : vector<16xi32> to vector<16xi32>
    %swap3A_100 = vector.shape_cast %add3A_96 : vector<16xi32> to vector<16xi32>
    tpu.vector_store %arg13[%swap3A_97], %swap3A_100 {strides = array<i32>} : memref<128xi32, #tpu.memory_space<vmem>>, vector<16xi32>,
    %add3A_101 = arith.constant 10128 : i32
    %add3A_102 = vector.broadcast %add3A_101 : i32 to vector<16xi32>
    %add3A_103 = arith.addi %add3A_102, %iota3A : vector<16xi32>
    %swap3A_104 = arith.constant 112 : index
    %swap3A_105 = tpu.vector_load %arg13[%swap3A_104] {strides = array<i32>} : memref<128xi32, #tpu.memory_space<vmem>>, vector<16xi32>,
    %swap3A_106 = vector.shape_cast %swap3A_105 : vector<16xi32> to vector<16xi32>
    %swap3A_107 = vector.shape_cast %add3A_103 : vector<16xi32> to vector<16xi32>
    tpu.vector_store %arg13[%swap3A_104], %swap3A_107 {strides = array<i32>} : memref<128xi32, #tpu.memory_space<vmem>>, vector<16xi32>,
    %mul3A_108 = arith.constant 80 : i32
    %mul3A_109 = arith.muli %add3A, %mul3A_108 : i32
    %add3A_110 = arith.constant 0 : i32
    %add3A_111 = arith.addi %mul3A_109, %add3A_110 : i32
    %dma_wait3A = arith.constant 0 : i32
    %dma_wait3A_112 = tpu.memref_slice %arg3[%add3A_111, %dma_wait3A] : memref<2560x128xi32, #tpu.memory_space<hbm>> -> memref<1x128xi32, #tpu.memory_space<hbm>>
    %dma_wait3A_113 = tpu.memref_squeeze %dma_wait3A_112 : memref<1x128xi32, #tpu.memory_space<hbm>> -> memref<128xi32, #tpu.memory_space<hbm>>
    %dma_wait3A_114 = arith.constant 0 : i32
    %dma_wait3A_115 = tpu.memref_slice %arg3[%add3A_111, %dma_wait3A_114] : memref<2560x128xi32, #tpu.memory_space<hbm>> -> memref<1x128xi32, #tpu.memory_space<hbm>>
    %dma_wait3A_116 = tpu.memref_squeeze %dma_wait3A_115 : memref<1x128xi32, #tpu.memory_space<hbm>> -> memref<128xi32, #tpu.memory_space<hbm>>
    tpu.wait_dma2 semaphore(%arg17 : memref<!tpu.dma_semaphore, #tpu.memory_space<semaphore_mem>>) src(%dma_wait3A_116 : memref<128xi32, #tpu.memory_space<hbm>>) dst(%arg6 : memref<128xi32, #tpu.memory_space<vmem>>)
    %mul3A_117 = arith.constant 80 : i32
    %mul3A_118 = arith.muli %add3A, %mul3A_117 : i32
    %add3A_119 = arith.constant 0 : i32
    %add3A_120 = arith.addi %mul3A_118, %add3A_119 : i32
    %dma_wait3A_121 = arith.constant 0 : i32
    %dma_wait3A_122 = tpu.memref_slice %arg4[%add3A_120, %dma_wait3A_121] : memref<2560x128xi32, #tpu.memory_space<hbm>> -> memref<1x128xi32, #tpu.memory_space<hbm>>
    %dma_wait3A_123 = tpu.memref_squeeze %dma_wait3A_122 : memref<1x128xi32, #tpu.memory_space<hbm>> -> memref<128xi32, #tpu.memory_space<hbm>>
    %dma_wait3A_124 = arith.constant 0 : i32
    %dma_wait3A_125 = tpu.memref_slice %arg4[%add3A_120, %dma_wait3A_124] : memref<2560x128xi32, #tpu.memory_space<hbm>> -> memref<1x128xi32, #tpu.memory_space<hbm>>
    %dma_wait3A_126 = tpu.memref_squeeze %dma_wait3A_125 : memref<1x128xi32, #tpu.memory_space<hbm>> -> memref<128xi32, #tpu.memory_space<hbm>>
    tpu.wait_dma2 semaphore(%arg17 : memref<!tpu.dma_semaphore, #tpu.memory_space<semaphore_mem>>) src(%dma_wait3A_126 : memref<128xi32, #tpu.memory_space<hbm>>) dst(%arg10 : memref<128xi32, #tpu.memory_space<vmem>>)
    %dma_start3A_127 = arith.constant 0 : i32
    %dma_start3A_128 = arith.constant 0 : i32
    %dma_start3A_129 = tpu.memref_slice %arg2[%dma_start3A_127, %dma_start3A_128] : memref<10240x128xf32, #tpu.memory_space<hbm>> -> memref<10240x128xf32, #tpu.memory_space<hbm>>
    tpu.enqueue_indirect_dma source(%dma_start3A_129 : memref<10240x128xf32, #tpu.memory_space<hbm>>) target(%arg14 : memref<128x128xf32, #tpu.memory_space<vmem>>) offsets(%arg6 : memref<128xi32, #tpu.memory_space<vmem>>) semaphore(%arg21 : memref<!tpu.dma_semaphore, #tpu.memory_space<semaphore_mem>>)
    %dma_start3A_130 = arith.constant 0 : i32
    %dma_start3A_131 = arith.constant 0 : i32
    %dma_start3A_132 = tpu.memref_slice %arg16[%dma_start3A_130, %dma_start3A_131] : memref<10240x128xf32, #tpu.memory_space<vmem_shared>> -> memref<10240x128xf32, #tpu.memory_space<vmem_shared>>
    tpu.enqueue_indirect_dma source(%arg15 : memref<128x128xf32, #tpu.memory_space<vmem>>) target(%dma_start3A_132 : memref<10240x128xf32, #tpu.memory_space<vmem_shared>>) offsets(%arg13 : memref<128xi32, #tpu.memory_space<vmem>>) semaphore(%arg24 : memref<!tpu.dma_semaphore, #tpu.memory_space<semaphore_mem>>) {add = true}
    %scan3A_133 = arith.constant 0 : i32
    %scan3A_134 = arith.constant 0 : i32
    %scan3A_135 = arith.constant 20 : i32
    %scan3A_136 = arith.addi %scan3A_134, %scan3A_135 : i32
    %scan3A_137 = arith.constant 1 : i32
    %scan3A_138 = scf.for %scan3A_171 = %scan3A_134 to %scan3A_136 step %scan3A_137 iter_args(%scan3A_172 = %scan3A_133) -> (i32)  : i32 {
      %mul3A_173 = arith.constant 4 : i32
      %mul3A_174 = arith.muli %mul3A_173, %scan3A_171 : i32
      %dma_wait3A_175 = arith.constant 0 : i32
      %dma_wait3A_176 = arith.constant 0 : i32
      %dma_wait3A_177 = tpu.memref_slice %arg2[%dma_wait3A_175, %dma_wait3A_176] : memref<10240x128xf32, #tpu.memory_space<hbm>> -> memref<10240x128xf32, #tpu.memory_space<hbm>>
      tpu.wait_indirect_dma semaphore(%arg21 : memref<!tpu.dma_semaphore, #tpu.memory_space<semaphore_mem>>) src(%dma_wait3A_177 : memref<10240x128xf32, #tpu.memory_space<hbm>>) dst(%arg14 : memref<128x128xf32, #tpu.memory_space<vmem>>)
      %dma_wait3A_178 = arith.constant 0 : i32
      %dma_wait3A_179 = arith.constant 0 : i32
      %dma_wait3A_180 = tpu.memref_slice %arg16[%dma_wait3A_178, %dma_wait3A_179] : memref<10240x128xf32, #tpu.memory_space<vmem_shared>> -> memref<10240x128xf32, #tpu.memory_space<vmem_shared>>
      tpu.wait_indirect_dma semaphore(%arg24 : memref<!tpu.dma_semaphore, #tpu.memory_space<semaphore_mem>>) src(%arg15 : memref<128x128xf32, #tpu.memory_space<vmem>>) dst(%dma_wait3A_180 : memref<10240x128xf32, #tpu.memory_space<vmem_shared>>)
      %add3A_181 = arith.constant 1 : i32
      %add3A_182 = arith.addi %mul3A_174, %add3A_181 : i32
      %min3A = arith.constant 79 : i32
      %min3A_183 = arith.minsi %add3A_182, %min3A : i32
      %mul3A_184 = arith.constant 80 : i32
      %mul3A_185 = arith.muli %add3A, %mul3A_184 : i32
      %add3A_186 = arith.addi %mul3A_185, %min3A_183 : i32
      %dma_wait3A_187 = arith.constant 0 : i32
      %dma_wait3A_188 = tpu.memref_slice %arg3[%add3A_186, %dma_wait3A_187] : memref<2560x128xi32, #tpu.memory_space<hbm>> -> memref<1x128xi32, #tpu.memory_space<hbm>>
      %dma_wait3A_189 = tpu.memref_squeeze %dma_wait3A_188 : memref<1x128xi32, #tpu.memory_space<hbm>> -> memref<128xi32, #tpu.memory_space<hbm>>
      %dma_wait3A_190 = arith.constant 0 : i32
      %dma_wait3A_191 = tpu.memref_slice %arg3[%add3A_186, %dma_wait3A_190] : memref<2560x128xi32, #tpu.memory_space<hbm>> -> memref<1x128xi32, #tpu.memory_space<hbm>>
      %dma_wait3A_192 = tpu.memref_squeeze %dma_wait3A_191 : memref<1x128xi32, #tpu.memory_space<hbm>> -> memref<128xi32, #tpu.memory_space<hbm>>
      tpu.wait_dma2 semaphore(%arg18 : memref<!tpu.dma_semaphore, #tpu.memory_space<semaphore_mem>>) src(%dma_wait3A_192 : memref<128xi32, #tpu.memory_space<hbm>>) dst(%arg7 : memref<128xi32, #tpu.memory_space<vmem>>)
      %mul3A_193 = arith.constant 80 : i32
      %mul3A_194 = arith.muli %add3A, %mul3A_193 : i32
      %add3A_195 = arith.addi %mul3A_194, %min3A_183 : i32
      %dma_wait3A_196 = arith.constant 0 : i32
      %dma_wait3A_197 = tpu.memref_slice %arg4[%add3A_195, %dma_wait3A_196] : memref<2560x128xi32, #tpu.memory_space<hbm>> -> memref<1x128xi32, #tpu.memory_space<hbm>>
      %dma_wait3A_198 = tpu.memref_squeeze %dma_wait3A_197 : memref<1x128xi32, #tpu.memory_space<hbm>> -> memref<128xi32, #tpu.memory_space<hbm>>
      %dma_wait3A_199 = arith.constant 0 : i32
      %dma_wait3A_200 = tpu.memref_slice %arg4[%add3A_195, %dma_wait3A_199] : memref<2560x128xi32, #tpu.memory_space<hbm>> -> memref<1x128xi32, #tpu.memory_space<hbm>>
      %dma_wait3A_201 = tpu.memref_squeeze %dma_wait3A_200 : memref<1x128xi32, #tpu.memory_space<hbm>> -> memref<128xi32, #tpu.memory_space<hbm>>
      tpu.wait_dma2 semaphore(%arg18 : memref<!tpu.dma_semaphore, #tpu.memory_space<semaphore_mem>>) src(%dma_wait3A_201 : memref<128xi32, #tpu.memory_space<hbm>>) dst(%arg11 : memref<128xi32, #tpu.memory_space<vmem>>)
      %dma_start3A_202 = arith.constant 0 : i32
      %dma_start3A_203 = arith.constant 0 : i32
      %dma_start3A_204 = tpu.memref_slice %arg2[%dma_start3A_202, %dma_start3A_203] : memref<10240x128xf32, #tpu.memory_space<hbm>> -> memref<10240x128xf32, #tpu.memory_space<hbm>>
      tpu.enqueue_indirect_dma source(%dma_start3A_204 : memref<10240x128xf32, #tpu.memory_space<hbm>>) target(%arg15 : memref<128x128xf32, #tpu.memory_space<vmem>>) offsets(%arg7 : memref<128xi32, #tpu.memory_space<vmem>>) semaphore(%arg22 : memref<!tpu.dma_semaphore, #tpu.memory_space<semaphore_mem>>)
      %dma_start3A_205 = arith.constant 0 : i32
      %dma_start3A_206 = arith.constant 0 : i32
      %dma_start3A_207 = tpu.memref_slice %arg16[%dma_start3A_205, %dma_start3A_206] : memref<10240x128xf32, #tpu.memory_space<vmem_shared>> -> memref<10240x128xf32, #tpu.memory_space<vmem_shared>>
      tpu.enqueue_indirect_dma source(%arg14 : memref<128x128xf32, #tpu.memory_space<vmem>>) target(%dma_start3A_207 : memref<10240x128xf32, #tpu.memory_space<vmem_shared>>) offsets(%arg10 : memref<128xi32, #tpu.memory_space<vmem>>) semaphore(%arg23 : memref<!tpu.dma_semaphore, #tpu.memory_space<semaphore_mem>>) {add = true}
      %add3A_208 = arith.constant 2 : i32
      %add3A_209 = arith.addi %mul3A_174, %add3A_208 : i32
      %min3A_210 = arith.constant 79 : i32
      %min3A_211 = arith.minsi %add3A_209, %min3A_210 : i32
      %mul3A_212 = arith.constant 80 : i32
      %mul3A_213 = arith.muli %add3A, %mul3A_212 : i32
      %add3A_214 = arith.addi %mul3A_213, %min3A_211 : i32
      %dma_start3A_215 = arith.constant 0 : i32
      %dma_start3A_216 = tpu.memref_slice %arg3[%add3A_214, %dma_start3A_215] : memref<2560x128xi32, #tpu.memory_space<hbm>> -> memref<1x128xi32, #tpu.memory_space<hbm>>
      %dma_start3A_217 = tpu.memref_squeeze %dma_start3A_216 : memref<1x128xi32, #tpu.memory_space<hbm>> -> memref<128xi32, #tpu.memory_space<hbm>>
      %dma_start3A_218 = arith.constant 0 : i32
      %dma_start3A_219 = tpu.memref_slice %arg3[%add3A_214, %dma_start3A_218] : memref<2560x128xi32, #tpu.memory_space<hbm>> -> memref<1x128xi32, #tpu.memory_space<hbm>>
      %dma_start3A_220 = tpu.memref_squeeze %dma_start3A_219 : memref<1x128xi32, #tpu.memory_space<hbm>> -> memref<128xi32, #tpu.memory_space<hbm>>
      tpu.enqueue_dma source(%dma_start3A_220 : memref<128xi32, #tpu.memory_space<hbm>>) target(%arg8 : memref<128xi32, #tpu.memory_space<vmem>>) target_semaphore(%arg19 : memref<!tpu.dma_semaphore, #tpu.memory_space<semaphore_mem>>)
      %mul3A_221 = arith.constant 80 : i32
      %mul3A_222 = arith.muli %add3A, %mul3A_221 : i32
      %add3A_223 = arith.addi %mul3A_222, %min3A_211 : i32
      %dma_start3A_224 = arith.constant 0 : i32
      %dma_start3A_225 = tpu.memref_slice %arg4[%add3A_223, %dma_start3A_224] : memref<2560x128xi32, #tpu.memory_space<hbm>> -> memref<1x128xi32, #tpu.memory_space<hbm>>
      %dma_start3A_226 = tpu.memref_squeeze %dma_start3A_225 : memref<1x128xi32, #tpu.memory_space<hbm>> -> memref<128xi32, #tpu.memory_space<hbm>>
      %dma_start3A_227 = arith.constant 0 : i32
      %dma_start3A_228 = tpu.memref_slice %arg4[%add3A_223, %dma_start3A_227] : memref<2560x128xi32, #tpu.memory_space<hbm>> -> memref<1x128xi32, #tpu.memory_space<hbm>>
      %dma_start3A_229 = tpu.memref_squeeze %dma_start3A_228 : memref<1x128xi32, #tpu.memory_space<hbm>> -> memref<128xi32, #tpu.memory_space<hbm>>
      tpu.enqueue_dma source(%dma_start3A_229 : memref<128xi32, #tpu.memory_space<hbm>>) target(%arg12 : memref<128xi32, #tpu.memory_space<vmem>>) target_semaphore(%arg19 : memref<!tpu.dma_semaphore, #tpu.memory_space<semaphore_mem>>)
      %add3A_230 = arith.constant 1 : i32
      %add3A_231 = arith.addi %mul3A_174, %add3A_230 : i32
      %dma_wait3A_232 = arith.constant 0 : i32
      %dma_wait3A_233 = arith.constant 0 : i32
      %dma_wait3A_234 = tpu.memref_slice %arg2[%dma_wait3A_232, %dma_wait3A_233] : memref<10240x128xf32, #tpu.memory_space<hbm>> -> memref<10240x128xf32, #tpu.memory_space<hbm>>
      tpu.wait_indirect_dma semaphore(%arg22 : memref<!tpu.dma_semaphore, #tpu.memory_space<semaphore_mem>>) src(%dma_wait3A_234 : memref<10240x128xf32, #tpu.memory_space<hbm>>) dst(%arg15 : memref<128x128xf32, #tpu.memory_space<vmem>>)
      %dma_wait3A_235 = arith.constant 0 : i32
      %dma_wait3A_236 = arith.constant 0 : i32
      %dma_wait3A_237 = tpu.memref_slice %arg16[%dma_wait3A_235, %dma_wait3A_236] : memref<10240x128xf32, #tpu.memory_space<vmem_shared>> -> memref<10240x128xf32, #tpu.memory_space<vmem_shared>>
      tpu.wait_indirect_dma semaphore(%arg23 : memref<!tpu.dma_semaphore, #tpu.memory_space<semaphore_mem>>) src(%arg14 : memref<128x128xf32, #tpu.memory_space<vmem>>) dst(%dma_wait3A_237 : memref<10240x128xf32, #tpu.memory_space<vmem_shared>>)
      %add3A_238 = arith.constant 1 : i32
      %add3A_239 = arith.addi %add3A_231, %add3A_238 : i32
      %min3A_240 = arith.constant 79 : i32
      %min3A_241 = arith.minsi %add3A_239, %min3A_240 : i32
      %mul3A_242 = arith.constant 80 : i32
      %mul3A_243 = arith.muli %add3A, %mul3A_242 : i32
      %add3A_244 = arith.addi %mul3A_243, %min3A_241 : i32
      %dma_wait3A_245 = arith.constant 0 : i32
      %dma_wait3A_246 = tpu.memref_slice %arg3[%add3A_244, %dma_wait3A_245] : memref<2560x128xi32, #tpu.memory_space<hbm>> -> memref<1x128xi32, #tpu.memory_space<hbm>>
      %dma_wait3A_247 = tpu.memref_squeeze %dma_wait3A_246 : memref<1x128xi32, #tpu.memory_space<hbm>> -> memref<128xi32, #tpu.memory_space<hbm>>
      %dma_wait3A_248 = arith.constant 0 : i32
      %dma_wait3A_249 = tpu.memref_slice %arg3[%add3A_244, %dma_wait3A_248] : memref<2560x128xi32, #tpu.memory_space<hbm>> -> memref<1x128xi32, #tpu.memory_space<hbm>>
      %dma_wait3A_250 = tpu.memref_squeeze %dma_wait3A_249 : memref<1x128xi32, #tpu.memory_space<hbm>> -> memref<128xi32, #tpu.memory_space<hbm>>
      tpu.wait_dma2 semaphore(%arg19 : memref<!tpu.dma_semaphore, #tpu.memory_space<semaphore_mem>>) src(%dma_wait3A_250 : memref<128xi32, #tpu.memory_space<hbm>>) dst(%arg8 : memref<128xi32, #tpu.memory_space<vmem>>)
      %mul3A_251 = arith.constant 80 : i32
      %mul3A_252 = arith.muli %add3A, %mul3A_251 : i32
      %add3A_253 = arith.addi %mul3A_252, %min3A_241 : i32
      %dma_wait3A_254 = arith.constant 0 : i32
      %dma_wait3A_255 = tpu.memref_slice %arg4[%add3A_253, %dma_wait3A_254] : memref<2560x128xi32, #tpu.memory_space<hbm>> -> memref<1x128xi32, #tpu.memory_space<hbm>>
      %dma_wait3A_256 = tpu.memref_squeeze %dma_wait3A_255 : memref<1x128xi32, #tpu.memory_space<hbm>> -> memref<128xi32, #tpu.memory_space<hbm>>
      %dma_wait3A_257 = arith.constant 0 : i32
      %dma_wait3A_258 = tpu.memref_slice %arg4[%add3A_253, %dma_wait3A_257] : memref<2560x128xi32, #tpu.memory_space<hbm>> -> memref<1x128xi32, #tpu.memory_space<hbm>>
      %dma_wait3A_259 = tpu.memref_squeeze %dma_wait3A_258 : memref<1x128xi32, #tpu.memory_space<hbm>> -> memref<128xi32, #tpu.memory_space<hbm>>
      tpu.wait_dma2 semaphore(%arg19 : memref<!tpu.dma_semaphore, #tpu.memory_space<semaphore_mem>>) src(%dma_wait3A_259 : memref<128xi32, #tpu.memory_space<hbm>>) dst(%arg12 : memref<128xi32, #tpu.memory_space<vmem>>)
      %dma_start3A_260 = arith.constant 0 : i32
      %dma_start3A_261 = arith.constant 0 : i32
      %dma_start3A_262 = tpu.memref_slice %arg2[%dma_start3A_260, %dma_start3A_261] : memref<10240x128xf32, #tpu.memory_space<hbm>> -> memref<10240x128xf32, #tpu.memory_space<hbm>>
      tpu.enqueue_indirect_dma source(%dma_start3A_262 : memref<10240x128xf32, #tpu.memory_space<hbm>>) target(%arg14 : memref<128x128xf32, #tpu.memory_space<vmem>>) offsets(%arg8 : memref<128xi32, #tpu.memory_space<vmem>>) semaphore(%arg21 : memref<!tpu.dma_semaphore, #tpu.memory_space<semaphore_mem>>)
      %dma_start3A_263 = arith.constant 0 : i32
      %dma_start3A_264 = arith.constant 0 : i32
      %dma_start3A_265 = tpu.memref_slice %arg16[%dma_start3A_263, %dma_start3A_264] : memref<10240x128xf32, #tpu.memory_space<vmem_shared>> -> memref<10240x128xf32, #tpu.memory_space<vmem_shared>>
      tpu.enqueue_indirect_dma source(%arg15 : memref<128x128xf32, #tpu.memory_space<vmem>>) target(%dma_start3A_265 : memref<10240x128xf32, #tpu.memory_space<vmem_shared>>) offsets(%arg11 : memref<128xi32, #tpu.memory_space<vmem>>) semaphore(%arg24 : memref<!tpu.dma_semaphore, #tpu.memory_space<semaphore_mem>>) {add = true}
      %add3A_266 = arith.constant 2 : i32
      %add3A_267 = arith.addi %add3A_231, %add3A_266 : i32
      %min3A_268 = arith.constant 79 : i32
      %min3A_269 = arith.minsi %add3A_267, %min3A_268 : i32
      %mul3A_270 = arith.constant 80 : i32
      %mul3A_271 = arith.muli %add3A, %mul3A_270 : i32
      %add3A_272 = arith.addi %mul3A_271, %min3A_269 : i32
      %dma_start3A_273 = arith.constant 0 : i32
      %dma_start3A_274 = tpu.memref_slice %arg3[%add3A_272, %dma_start3A_273] : memref<2560x128xi32, #tpu.memory_space<hbm>> -> memref<1x128xi32, #tpu.memory_space<hbm>>
      %dma_start3A_275 = tpu.memref_squeeze %dma_start3A_274 : memref<1x128xi32, #tpu.memory_space<hbm>> -> memref<128xi32, #tpu.memory_space<hbm>>
      %dma_start3A_276 = arith.constant 0 : i32
      %dma_start3A_277 = tpu.memref_slice %arg3[%add3A_272, %dma_start3A_276] : memref<2560x128xi32, #tpu.memory_space<hbm>> -> memref<1x128xi32, #tpu.memory_space<hbm>>
      %dma_start3A_278 = tpu.memref_squeeze %dma_start3A_277 : memref<1x128xi32, #tpu.memory_space<hbm>> -> memref<128xi32, #tpu.memory_space<hbm>>
      tpu.enqueue_dma source(%dma_start3A_278 : memref<128xi32, #tpu.memory_space<hbm>>) target(%arg9 : memref<128xi32, #tpu.memory_space<vmem>>) target_semaphore(%arg20 : memref<!tpu.dma_semaphore, #tpu.memory_space<semaphore_mem>>)
      %mul3A_279 = arith.constant 80 : i32
      %mul3A_280 = arith.muli %add3A, %mul3A_279 : i32
      %add3A_281 = arith.addi %mul3A_280, %min3A_269 : i32
      %dma_start3A_282 = arith.constant 0 : i32
      %dma_start3A_283 = tpu.memref_slice %arg4[%add3A_281, %dma_start3A_282] : memref<2560x128xi32, #tpu.memory_space<hbm>> -> memref<1x128xi32, #tpu.memory_space<hbm>>
      %dma_start3A_284 = tpu.memref_squeeze %dma_start3A_283 : memref<1x128xi32, #tpu.memory_space<hbm>> -> memref<128xi32, #tpu.memory_space<hbm>>
      %dma_start3A_285 = arith.constant 0 : i32
      %dma_start3A_286 = tpu.memref_slice %arg4[%add3A_281, %dma_start3A_285] : memref<2560x128xi32, #tpu.memory_space<hbm>> -> memref<1x128xi32, #tpu.memory_space<hbm>>
      %dma_start3A_287 = tpu.memref_squeeze %dma_start3A_286 : memref<1x128xi32, #tpu.memory_space<hbm>> -> memref<128xi32, #tpu.memory_space<hbm>>
      tpu.enqueue_dma source(%dma_start3A_287 : memref<128xi32, #tpu.memory_space<hbm>>) target(%arg13 : memref<128xi32, #tpu.memory_space<vmem>>) target_semaphore(%arg20 : memref<!tpu.dma_semaphore, #tpu.memory_space<semaphore_mem>>)
      %add3A_288 = arith.constant 2 : i32
      %add3A_289 = arith.addi %mul3A_174, %add3A_288 : i32
      %dma_wait3A_290 = arith.constant 0 : i32
      %dma_wait3A_291 = arith.constant 0 : i32
      %dma_wait3A_292 = tpu.memref_slice %arg2[%dma_wait3A_290, %dma_wait3A_291] : memref<10240x128xf32, #tpu.memory_space<hbm>> -> memref<10240x128xf32, #tpu.memory_space<hbm>>
      tpu.wait_indirect_dma semaphore(%arg21 : memref<!tpu.dma_semaphore, #tpu.memory_space<semaphore_mem>>) src(%dma_wait3A_292 : memref<10240x128xf32, #tpu.memory_space<hbm>>) dst(%arg14 : memref<128x128xf32, #tpu.memory_space<vmem>>)
      %dma_wait3A_293 = arith.constant 0 : i32
      %dma_wait3A_294 = arith.constant 0 : i32
      %dma_wait3A_295 = tpu.memref_slice %arg16[%dma_wait3A_293, %dma_wait3A_294] : memref<10240x128xf32, #tpu.memory_space<vmem_shared>> -> memref<10240x128xf32, #tpu.memory_space<vmem_shared>>
      tpu.wait_indirect_dma semaphore(%arg24 : memref<!tpu.dma_semaphore, #tpu.memory_space<semaphore_mem>>) src(%arg15 : memref<128x128xf32, #tpu.memory_space<vmem>>) dst(%dma_wait3A_295 : memref<10240x128xf32, #tpu.memory_space<vmem_shared>>)
      %add3A_296 = arith.constant 1 : i32
      %add3A_297 = arith.addi %add3A_289, %add3A_296 : i32
      %min3A_298 = arith.constant 79 : i32
      %min3A_299 = arith.minsi %add3A_297, %min3A_298 : i32
      %mul3A_300 = arith.constant 80 : i32
      %mul3A_301 = arith.muli %add3A, %mul3A_300 : i32
      %add3A_302 = arith.addi %mul3A_301, %min3A_299 : i32
      %dma_wait3A_303 = arith.constant 0 : i32
      %dma_wait3A_304 = tpu.memref_slice %arg3[%add3A_302, %dma_wait3A_303] : memref<2560x128xi32, #tpu.memory_space<hbm>> -> memref<1x128xi32, #tpu.memory_space<hbm>>
      %dma_wait3A_305 = tpu.memref_squeeze %dma_wait3A_304 : memref<1x128xi32, #tpu.memory_space<hbm>> -> memref<128xi32, #tpu.memory_space<hbm>>
      %dma_wait3A_306 = arith.constant 0 : i32
      %dma_wait3A_307 = tpu.memref_slice %arg3[%add3A_302, %dma_wait3A_306] : memref<2560x128xi32, #tpu.memory_space<hbm>> -> memref<1x128xi32, #tpu.memory_space<hbm>>
      %dma_wait3A_308 = tpu.memref_squeeze %dma_wait3A_307 : memref<1x128xi32, #tpu.memory_space<hbm>> -> memref<128xi32, #tpu.memory_space<hbm>>
      tpu.wait_dma2 semaphore(%arg20 : memref<!tpu.dma_semaphore, #tpu.memory_space<semaphore_mem>>) src(%dma_wait3A_308 : memref<128xi32, #tpu.memory_space<hbm>>) dst(%arg9 : memref<128xi32, #tpu.memory_space<vmem>>)
      %mul3A_309 = arith.constant 80 : i32
      %mul3A_310 = arith.muli %add3A, %mul3A_309 : i32
      %add3A_311 = arith.addi %mul3A_310, %min3A_299 : i32
      %dma_wait3A_312 = arith.constant 0 : i32
      %dma_wait3A_313 = tpu.memref_slice %arg4[%add3A_311, %dma_wait3A_312] : memref<2560x128xi32, #tpu.memory_space<hbm>> -> memref<1x128xi32, #tpu.memory_space<hbm>>
      %dma_wait3A_314 = tpu.memref_squeeze %dma_wait3A_313 : memref<1x128xi32, #tpu.memory_space<hbm>> -> memref<128xi32, #tpu.memory_space<hbm>>
      %dma_wait3A_315 = arith.constant 0 : i32
      %dma_wait3A_316 = tpu.memref_slice %arg4[%add3A_311, %dma_wait3A_315] : memref<2560x128xi32, #tpu.memory_space<hbm>> -> memref<1x128xi32, #tpu.memory_space<hbm>>
      %dma_wait3A_317 = tpu.memref_squeeze %dma_wait3A_316 : memref<1x128xi32, #tpu.memory_space<hbm>> -> memref<128xi32, #tpu.memory_space<hbm>>
      tpu.wait_dma2 semaphore(%arg20 : memref<!tpu.dma_semaphore, #tpu.memory_space<semaphore_mem>>) src(%dma_wait3A_317 : memref<128xi32, #tpu.memory_space<hbm>>) dst(%arg13 : memref<128xi32, #tpu.memory_space<vmem>>)
      %dma_start3A_318 = arith.constant 0 : i32
      %dma_start3A_319 = arith.constant 0 : i32
      %dma_start3A_320 = tpu.memref_slice %arg2[%dma_start3A_318, %dma_start3A_319] : memref<10240x128xf32, #tpu.memory_space<hbm>> -> memref<10240x128xf32, #tpu.memory_space<hbm>>
      tpu.enqueue_indirect_dma source(%dma_start3A_320 : memref<10240x128xf32, #tpu.memory_space<hbm>>) target(%arg15 : memref<128x128xf32, #tpu.memory_space<vmem>>) offsets(%arg9 : memref<128xi32, #tpu.memory_space<vmem>>) semaphore(%arg22 : memref<!tpu.dma_semaphore, #tpu.memory_space<semaphore_mem>>)
      %dma_start3A_321 = arith.constant 0 : i32
      %dma_start3A_322 = arith.constant 0 : i32
      %dma_start3A_323 = tpu.memref_slice %arg16[%dma_start3A_321, %dma_start3A_322] : memref<10240x128xf32, #tpu.memory_space<vmem_shared>> -> memref<10240x128xf32, #tpu.memory_space<vmem_shared>>
      tpu.enqueue_indirect_dma source(%arg14 : memref<128x128xf32, #tpu.memory_space<vmem>>) target(%dma_start3A_323 : memref<10240x128xf32, #tpu.memory_space<vmem_shared>>) offsets(%arg12 : memref<128xi32, #tpu.memory_space<vmem>>) semaphore(%arg23 : memref<!tpu.dma_semaphore, #tpu.memory_space<semaphore_mem>>) {add = true}
      %add3A_324 = arith.constant 2 : i32
      %add3A_325 = arith.addi %add3A_289, %add3A_324 : i32
      %min3A_326 = arith.constant 79 : i32
      %min3A_327 = arith.minsi %add3A_325, %min3A_326 : i32
      %mul3A_328 = arith.constant 80 : i32
      %mul3A_329 = arith.muli %add3A, %mul3A_328 : i32
      %add3A_330 = arith.addi %mul3A_329, %min3A_327 : i32
      %dma_start3A_331 = arith.constant 0 : i32
      %dma_start3A_332 = tpu.memref_slice %arg3[%add3A_330, %dma_start3A_331] : memref<2560x128xi32, #tpu.memory_space<hbm>> -> memref<1x128xi32, #tpu.memory_space<hbm>>
      %dma_start3A_333 = tpu.memref_squeeze %dma_start3A_332 : memref<1x128xi32, #tpu.memory_space<hbm>> -> memref<128xi32, #tpu.memory_space<hbm>>
      %dma_start3A_334 = arith.constant 0 : i32
      %dma_start3A_335 = tpu.memref_slice %arg3[%add3A_330, %dma_start3A_334] : memref<2560x128xi32, #tpu.memory_space<hbm>> -> memref<1x128xi32, #tpu.memory_space<hbm>>
      %dma_start3A_336 = tpu.memref_squeeze %dma_start3A_335 : memref<1x128xi32, #tpu.memory_space<hbm>> -> memref<128xi32, #tpu.memory_space<hbm>>
      tpu.enqueue_dma source(%dma_start3A_336 : memref<128xi32, #tpu.memory_space<hbm>>) target(%arg6 : memref<128xi32, #tpu.memory_space<vmem>>) target_semaphore(%arg17 : memref<!tpu.dma_semaphore, #tpu.memory_space<semaphore_mem>>)
      %mul3A_337 = arith.constant 80 : i32
      %mul3A_338 = arith.muli %add3A, %mul3A_337 : i32
      %add3A_339 = arith.addi %mul3A_338, %min3A_327 : i32
      %dma_start3A_340 = arith.constant 0 : i32
      %dma_start3A_341 = tpu.memref_slice %arg4[%add3A_339, %dma_start3A_340] : memref<2560x128xi32, #tpu.memory_space<hbm>> -> memref<1x128xi32, #tpu.memory_space<hbm>>
      %dma_start3A_342 = tpu.memref_squeeze %dma_start3A_341 : memref<1x128xi32, #tpu.memory_space<hbm>> -> memref<128xi32, #tpu.memory_space<hbm>>
      %dma_start3A_343 = arith.constant 0 : i32
      %dma_start3A_344 = tpu.memref_slice %arg4[%add3A_339, %dma_start3A_343] : memref<2560x128xi32, #tpu.memory_space<hbm>> -> memref<1x128xi32, #tpu.memory_space<hbm>>
      %dma_start3A_345 = tpu.memref_squeeze %dma_start3A_344 : memref<1x128xi32, #tpu.memory_space<hbm>> -> memref<128xi32, #tpu.memory_space<hbm>>
      tpu.enqueue_dma source(%dma_start3A_345 : memref<128xi32, #tpu.memory_space<hbm>>) target(%arg10 : memref<128xi32, #tpu.memory_space<vmem>>) target_semaphore(%arg17 : memref<!tpu.dma_semaphore, #tpu.memory_space<semaphore_mem>>)
      %add3A_346 = arith.constant 3 : i32
      %add3A_347 = arith.addi %mul3A_174, %add3A_346 : i32
      %dma_wait3A_348 = arith.constant 0 : i32
      %dma_wait3A_349 = arith.constant 0 : i32
      %dma_wait3A_350 = tpu.memref_slice %arg2[%dma_wait3A_348, %dma_wait3A_349] : memref<10240x128xf32, #tpu.memory_space<hbm>> -> memref<10240x128xf32, #tpu.memory_space<hbm>>
      tpu.wait_indirect_dma semaphore(%arg22 : memref<!tpu.dma_semaphore, #tpu.memory_space<semaphore_mem>>) src(%dma_wait3A_350 : memref<10240x128xf32, #tpu.memory_space<hbm>>) dst(%arg15 : memref<128x128xf32, #tpu.memory_space<vmem>>)
      %dma_wait3A_351 = arith.constant 0 : i32
      %dma_wait3A_352 = arith.constant 0 : i32
      %dma_wait3A_353 = tpu.memref_slice %arg16[%dma_wait3A_351, %dma_wait3A_352] : memref<10240x128xf32, #tpu.memory_space<vmem_shared>> -> memref<10240x128xf32, #tpu.memory_space<vmem_shared>>
      tpu.wait_indirect_dma semaphore(%arg23 : memref<!tpu.dma_semaphore, #tpu.memory_space<semaphore_mem>>) src(%arg14 : memref<128x128xf32, #tpu.memory_space<vmem>>) dst(%dma_wait3A_353 : memref<10240x128xf32, #tpu.memory_space<vmem_shared>>)
      %add3A_354 = arith.constant 1 : i32
      %add3A_355 = arith.addi %add3A_347, %add3A_354 : i32
      %min3A_356 = arith.constant 79 : i32
      %min3A_357 = arith.minsi %add3A_355, %min3A_356 : i32
      %mul3A_358 = arith.constant 80 : i32
      %mul3A_359 = arith.muli %add3A, %mul3A_358 : i32
      %add3A_360 = arith.addi %mul3A_359, %min3A_357 : i32
      %dma_wait3A_361 = arith.constant 0 : i32
      %dma_wait3A_362 = tpu.memref_slice %arg3[%add3A_360, %dma_wait3A_361] : memref<2560x128xi32, #tpu.memory_space<hbm>> -> memref<1x128xi32, #tpu.memory_space<hbm>>
      %dma_wait3A_363 = tpu.memref_squeeze %dma_wait3A_362 : memref<1x128xi32, #tpu.memory_space<hbm>> -> memref<128xi32, #tpu.memory_space<hbm>>
      %dma_wait3A_364 = arith.constant 0 : i32
      %dma_wait3A_365 = tpu.memref_slice %arg3[%add3A_360, %dma_wait3A_364] : memref<2560x128xi32, #tpu.memory_space<hbm>> -> memref<1x128xi32, #tpu.memory_space<hbm>>
      %dma_wait3A_366 = tpu.memref_squeeze %dma_wait3A_365 : memref<1x128xi32, #tpu.memory_space<hbm>> -> memref<128xi32, #tpu.memory_space<hbm>>
      tpu.wait_dma2 semaphore(%arg17 : memref<!tpu.dma_semaphore, #tpu.memory_space<semaphore_mem>>) src(%dma_wait3A_366 : memref<128xi32, #tpu.memory_space<hbm>>) dst(%arg6 : memref<128xi32, #tpu.memory_space<vmem>>)
      %mul3A_367 = arith.constant 80 : i32
      %mul3A_368 = arith.muli %add3A, %mul3A_367 : i32
      %add3A_369 = arith.addi %mul3A_368, %min3A_357 : i32
      %dma_wait3A_370 = arith.constant 0 : i32
      %dma_wait3A_371 = tpu.memref_slice %arg4[%add3A_369, %dma_wait3A_370] : memref<2560x128xi32, #tpu.memory_space<hbm>> -> memref<1x128xi32, #tpu.memory_space<hbm>>
      %dma_wait3A_372 = tpu.memref_squeeze %dma_wait3A_371 : memref<1x128xi32, #tpu.memory_space<hbm>> -> memref<128xi32, #tpu.memory_space<hbm>>
      %dma_wait3A_373 = arith.constant 0 : i32
      %dma_wait3A_374 = tpu.memref_slice %arg4[%add3A_369, %dma_wait3A_373] : memref<2560x128xi32, #tpu.memory_space<hbm>> -> memref<1x128xi32, #tpu.memory_space<hbm>>
      %dma_wait3A_375 = tpu.memref_squeeze %dma_wait3A_374 : memref<1x128xi32, #tpu.memory_space<hbm>> -> memref<128xi32, #tpu.memory_space<hbm>>
      tpu.wait_dma2 semaphore(%arg17 : memref<!tpu.dma_semaphore, #tpu.memory_space<semaphore_mem>>) src(%dma_wait3A_375 : memref<128xi32, #tpu.memory_space<hbm>>) dst(%arg10 : memref<128xi32, #tpu.memory_space<vmem>>)
      %dma_start3A_376 = arith.constant 0 : i32
      %dma_start3A_377 = arith.constant 0 : i32
      %dma_start3A_378 = tpu.memref_slice %arg2[%dma_start3A_376, %dma_start3A_377] : memref<10240x128xf32, #tpu.memory_space<hbm>> -> memref<10240x128xf32, #tpu.memory_space<hbm>>
      tpu.enqueue_indirect_dma source(%dma_start3A_378 : memref<10240x128xf32, #tpu.memory_space<hbm>>) target(%arg14 : memref<128x128xf32, #tpu.memory_space<vmem>>) offsets(%arg6 : memref<128xi32, #tpu.memory_space<vmem>>) semaphore(%arg21 : memref<!tpu.dma_semaphore, #tpu.memory_space<semaphore_mem>>)
      %dma_start3A_379 = arith.constant 0 : i32
      %dma_start3A_380 = arith.constant 0 : i32
      %dma_start3A_381 = tpu.memref_slice %arg16[%dma_start3A_379, %dma_start3A_380] : memref<10240x128xf32, #tpu.memory_space<vmem_shared>> -> memref<10240x128xf32, #tpu.memory_space<vmem_shared>>
      tpu.enqueue_indirect_dma source(%arg15 : memref<128x128xf32, #tpu.memory_space<vmem>>) target(%dma_start3A_381 : memref<10240x128xf32, #tpu.memory_space<vmem_shared>>) offsets(%arg13 : memref<128xi32, #tpu.memory_space<vmem>>) semaphore(%arg24 : memref<!tpu.dma_semaphore, #tpu.memory_space<semaphore_mem>>) {add = true}
      %add3A_382 = arith.constant 2 : i32
      %add3A_383 = arith.addi %add3A_347, %add3A_382 : i32
      %min3A_384 = arith.constant 79 : i32
      %min3A_385 = arith.minsi %add3A_383, %min3A_384 : i32
      %mul3A_386 = arith.constant 80 : i32
      %mul3A_387 = arith.muli %add3A, %mul3A_386 : i32
      %add3A_388 = arith.addi %mul3A_387, %min3A_385 : i32
      %dma_start3A_389 = arith.constant 0 : i32
      %dma_start3A_390 = tpu.memref_slice %arg3[%add3A_388, %dma_start3A_389] : memref<2560x128xi32, #tpu.memory_space<hbm>> -> memref<1x128xi32, #tpu.memory_space<hbm>>
      %dma_start3A_391 = tpu.memref_squeeze %dma_start3A_390 : memref<1x128xi32, #tpu.memory_space<hbm>> -> memref<128xi32, #tpu.memory_space<hbm>>
      %dma_start3A_392 = arith.constant 0 : i32
      %dma_start3A_393 = tpu.memref_slice %arg3[%add3A_388, %dma_start3A_392] : memref<2560x128xi32, #tpu.memory_space<hbm>> -> memref<1x128xi32, #tpu.memory_space<hbm>>
      %dma_start3A_394 = tpu.memref_squeeze %dma_start3A_393 : memref<1x128xi32, #tpu.memory_space<hbm>> -> memref<128xi32, #tpu.memory_space<hbm>>
      tpu.enqueue_dma source(%dma_start3A_394 : memref<128xi32, #tpu.memory_space<hbm>>) target(%arg7 : memref<128xi32, #tpu.memory_space<vmem>>) target_semaphore(%arg18 : memref<!tpu.dma_semaphore, #tpu.memory_space<semaphore_mem>>)
      %mul3A_395 = arith.constant 80 : i32
      %mul3A_396 = arith.muli %add3A, %mul3A_395 : i32
      %add3A_397 = arith.addi %mul3A_396, %min3A_385 : i32
      %dma_start3A_398 = arith.constant 0 : i32
      %dma_start3A_399 = tpu.memref_slice %arg4[%add3A_397, %dma_start3A_398] : memref<2560x128xi32, #tpu.memory_space<hbm>> -> memref<1x128xi32, #tpu.memory_space<hbm>>
      %dma_start3A_400 = tpu.memref_squeeze %dma_start3A_399 : memref<1x128xi32, #tpu.memory_space<hbm>> -> memref<128xi32, #tpu.memory_space<hbm>>
      %dma_start3A_401 = arith.constant 0 : i32
      %dma_start3A_402 = tpu.memref_slice %arg4[%add3A_397, %dma_start3A_401] : memref<2560x128xi32, #tpu.memory_space<hbm>> -> memref<1x128xi32, #tpu.memory_space<hbm>>
      %dma_start3A_403 = tpu.memref_squeeze %dma_start3A_402 : memref<1x128xi32, #tpu.memory_space<hbm>> -> memref<128xi32, #tpu.memory_space<hbm>>
      tpu.enqueue_dma source(%dma_start3A_403 : memref<128xi32, #tpu.memory_space<hbm>>) target(%arg11 : memref<128xi32, #tpu.memory_space<vmem>>) target_semaphore(%arg18 : memref<!tpu.dma_semaphore, #tpu.memory_space<semaphore_mem>>)
      %scan3A_404 = arith.constant 0 : i32
      scf.yield %scan3A_404 : i32
    }
    %scan3A_139 = arith.constant 20 : i32
    %dma_wait3A_140 = arith.constant 0 : i32
    %dma_wait3A_141 = arith.constant 0 : i32
    %dma_wait3A_142 = tpu.memref_slice %arg2[%dma_wait3A_140, %dma_wait3A_141] : memref<10240x128xf32, #tpu.memory_space<hbm>> -> memref<10240x128xf32, #tpu.memory_space<hbm>>
    tpu.wait_indirect_dma semaphore(%arg21 : memref<!tpu.dma_semaphore, #tpu.memory_space<semaphore_mem>>) src(%dma_wait3A_142 : memref<10240x128xf32, #tpu.memory_space<hbm>>) dst(%arg14 : memref<128x128xf32, #tpu.memory_space<vmem>>)
    %mul3A_143 = arith.constant 80 : i32
    %mul3A_144 = arith.muli %add3A, %mul3A_143 : i32
    %add3A_145 = arith.constant 79 : i32
    %add3A_146 = arith.addi %mul3A_144, %add3A_145 : i32
    %dma_wait3A_147 = arith.constant 0 : i32
    %dma_wait3A_148 = tpu.memref_slice %arg3[%add3A_146, %dma_wait3A_147] : memref<2560x128xi32, #tpu.memory_space<hbm>> -> memref<1x128xi32, #tpu.memory_space<hbm>>
    %dma_wait3A_149 = tpu.memref_squeeze %dma_wait3A_148 : memref<1x128xi32, #tpu.memory_space<hbm>> -> memref<128xi32, #tpu.memory_space<hbm>>
    %dma_wait3A_150 = arith.constant 0 : i32
    %dma_wait3A_151 = tpu.memref_slice %arg3[%add3A_146, %dma_wait3A_150] : memref<2560x128xi32, #tpu.memory_space<hbm>> -> memref<1x128xi32, #tpu.memory_space<hbm>>
    %dma_wait3A_152 = tpu.memref_squeeze %dma_wait3A_151 : memref<1x128xi32, #tpu.memory_space<hbm>> -> memref<128xi32, #tpu.memory_space<hbm>>
    tpu.wait_dma2 semaphore(%arg18 : memref<!tpu.dma_semaphore, #tpu.memory_space<semaphore_mem>>) src(%dma_wait3A_152 : memref<128xi32, #tpu.memory_space<hbm>>) dst(%arg7 : memref<128xi32, #tpu.memory_space<vmem>>)
    %mul3A_153 = arith.constant 80 : i32
    %mul3A_154 = arith.muli %add3A, %mul3A_153 : i32
    %add3A_155 = arith.constant 79 : i32
    %add3A_156 = arith.addi %mul3A_154, %add3A_155 : i32
    %dma_wait3A_157 = arith.constant 0 : i32
    %dma_wait3A_158 = tpu.memref_slice %arg4[%add3A_156, %dma_wait3A_157] : memref<2560x128xi32, #tpu.memory_space<hbm>> -> memref<1x128xi32, #tpu.memory_space<hbm>>
    %dma_wait3A_159 = tpu.memref_squeeze %dma_wait3A_158 : memref<1x128xi32, #tpu.memory_space<hbm>> -> memref<128xi32, #tpu.memory_space<hbm>>
    %dma_wait3A_160 = arith.constant 0 : i32
    %dma_wait3A_161 = tpu.memref_slice %arg4[%add3A_156, %dma_wait3A_160] : memref<2560x128xi32, #tpu.memory_space<hbm>> -> memref<1x128xi32, #tpu.memory_space<hbm>>
    %dma_wait3A_162 = tpu.memref_squeeze %dma_wait3A_161 : memref<1x128xi32, #tpu.memory_space<hbm>> -> memref<128xi32, #tpu.memory_space<hbm>>
    tpu.wait_dma2 semaphore(%arg18 : memref<!tpu.dma_semaphore, #tpu.memory_space<semaphore_mem>>) src(%dma_wait3A_162 : memref<128xi32, #tpu.memory_space<hbm>>) dst(%arg11 : memref<128xi32, #tpu.memory_space<vmem>>)
    %dma_wait3A_163 = arith.constant 0 : i32
    %dma_wait3A_164 = arith.constant 0 : i32
    %dma_wait3A_165 = tpu.memref_slice %arg16[%dma_wait3A_163, %dma_wait3A_164] : memref<10240x128xf32, #tpu.memory_space<vmem_shared>> -> memref<10240x128xf32, #tpu.memory_space<vmem_shared>>
    tpu.wait_indirect_dma semaphore(%arg24 : memref<!tpu.dma_semaphore, #tpu.memory_space<semaphore_mem>>) src(%arg15 : memref<128x128xf32, #tpu.memory_space<vmem>>) dst(%dma_wait3A_165 : memref<10240x128xf32, #tpu.memory_space<vmem_shared>>)
    %barrier3A_166 = arith.constant 0 : index
    tpu.barrier barrier_id(%barrier3A_166)
    %mul3A_167 = arith.constant 640 : i32
    %mul3A_168 = arith.muli %arg1, %mul3A_167 : i32
    %mul3A_169 = arith.constant 640 : i32
    %mul3A_170 = arith.muli %arg1, %mul3A_169 : i32
    "tpu.region"() ({
      %run_scoped3A = tpu.sem_alloc : memref<!tpu.dma_semaphore, #tpu.memory_space<semaphore_mem>>
      %dma_start3A_171 = arith.constant 0 : i32
      %dma_start3A_172 = tpu.memref_slice %arg5[%arg0, %mul3A_170, %dma_start3A_171] : memref<2x10240x128xf32, #tpu.memory_space<hbm>> -> memref<1x640x128xf32, #tpu.memory_space<hbm>>
      %dma_start3A_173 = tpu.memref_squeeze %dma_start3A_172 : memref<1x640x128xf32, #tpu.memory_space<hbm>> -> memref<640x128xf32, #tpu.memory_space<hbm>>
      %dma_start3A_174 = arith.constant 0 : i32
      %dma_start3A_175 = tpu.memref_slice %arg16[%mul3A_168, %dma_start3A_174] : memref<10240x128xf32, #tpu.memory_space<vmem_shared>> -> memref<640x128xf32, #tpu.memory_space<vmem_shared>>
      tpu.enqueue_dma source(%dma_start3A_175 : memref<640x128xf32, #tpu.memory_space<vmem_shared>>) target(%dma_start3A_173 : memref<640x128xf32, #tpu.memory_space<hbm>>) target_semaphore(%run_scoped3A : memref<!tpu.dma_semaphore, #tpu.memory_space<semaphore_mem>>)
      %dma_wait3A_176 = arith.constant 0 : i32
      %dma_wait3A_177 = tpu.memref_slice %arg5[%arg0, %mul3A_170, %dma_wait3A_176] : memref<2x10240x128xf32, #tpu.memory_space<hbm>> -> memref<1x640x128xf32, #tpu.memory_space<hbm>>
      %dma_wait3A_178 = tpu.memref_squeeze %dma_wait3A_177 : memref<1x640x128xf32, #tpu.memory_space<hbm>> -> memref<640x128xf32, #tpu.memory_space<hbm>>
      %dma_wait3A_179 = arith.constant 0 : i32
      %dma_wait3A_180 = tpu.memref_slice %arg16[%mul3A_168, %dma_wait3A_179] : memref<10240x128xf32, #tpu.memory_space<vmem_shared>> -> memref<640x128xf32, #tpu.memory_space<vmem_shared>>
      tpu.wait_dma2 semaphore(%run_scoped3A : memref<!tpu.dma_semaphore, #tpu.memory_space<semaphore_mem>>) src(%dma_wait3A_180 : memref<640x128xf32, #tpu.memory_space<vmem_shared>>) dst(%dma_wait3A_178 : memref<640x128xf32, #tpu.memory_space<hbm>>)
      tpu.yield
    }) : () -> ()
    return
  }
}

#map = affine_map<(d0, d1) -> (0, 0)>
#map1 = affine_map<(d0, d1) -> (0, 0, 0)>
module attributes {stable_mosaic.version = 14 : i64} {
  func.func @sc_agg(%arg0: i32, %arg1: i32, %arg2: memref<10240x128xf32, #tpu.memory_space<hbm>>, %arg3: memref<2560x128xi32, #tpu.memory_space<hbm>>, %arg4: memref<2560x128xi32, #tpu.memory_space<hbm>>, %arg5: memref<2x10240x128xf32, #tpu.memory_space<hbm>>, %arg6: memref<128xi32, #tpu.memory_space<vmem>>, %arg7: memref<128xi32, #tpu.memory_space<vmem>>, %arg8: memref<128xi32, #tpu.memory_space<vmem>>, %arg9: memref<128xi32, #tpu.memory_space<vmem>>, %arg10: memref<128xi32, #tpu.memory_space<vmem>>, %arg11: memref<128xi32, #tpu.memory_space<vmem>>, %arg12: memref<128xi32, #tpu.memory_space<vmem>>, %arg13: memref<128xi32, #tpu.memory_space<vmem>>, %arg14: memref<128x128xf32, #tpu.memory_space<vmem>>, %arg15: memref<128x128xf32, #tpu.memory_space<vmem>>, %arg16: memref<10240x128xf32, #tpu.memory_space<vmem_shared>>, %arg17: memref<!tpu.dma_semaphore, #tpu.memory_space<semaphore_mem>>, %arg18: memref<!tpu.dma_semaphore, #tpu.memory_space<semaphore_mem>>, %arg19: memref<!tpu.dma_semaphore, #tpu.memory_space<semaphore_mem>>, %arg20: memref<!tpu.dma_semaphore, #tpu.memory_space<semaphore_mem>>, %arg21: memref<!tpu.dma_semaphore, #tpu.memory_space<semaphore_mem>>, %arg22: memref<!tpu.dma_semaphore, #tpu.memory_space<semaphore_mem>>, %arg23: memref<!tpu.dma_semaphore, #tpu.memory_space<semaphore_mem>>, %arg24: memref<!tpu.dma_semaphore, #tpu.memory_space<semaphore_mem>>) attributes {dimension_semantics = [#tpu.dimension_semantics<core_parallel>, #tpu.dimension_semantics<subcore_parallel>], iteration_bounds = array<i64: 2, 16>, scalar_prefetch = 0 : i64, scratch_operands = 19 : i64, tpu.core_type = #tpu.core_type<sc_vector_subcore>, window_params = [{transform_indices = #map}, {transform_indices = #map}, {transform_indices = #map}, {transform_indices = #map1}]} {
    %mul3A = arith.constant 2 : i32
    %mul3A_0 = arith.muli %arg1, %mul3A : i32
    %add3A = arith.addi %mul3A_0, %arg0 : i32
    %scan3A = arith.constant 0 : i32
    %scan3A_1 = arith.constant 0 : i32
    %scan3A_2 = arith.constant 1024 : i32
    %scan3A_3 = arith.addi %scan3A_1, %scan3A_2 : i32
    %scan3A_4 = arith.constant 1 : i32
    %scan3A_5 = scf.for %scan3A_171 = %scan3A_1 to %scan3A_3 step %scan3A_4 iter_args(%scan3A_172 = %scan3A) -> (i32)  : i32 {
      %broadcast_in_dim3A = arith.constant 0.000000e+00 : f32
      %broadcast_in_dim3A_173 = vector.broadcast %broadcast_in_dim3A : f32 to vector<16xf32>
      %jit3A = arith.constant 8 : i32
      %div3A = arith.divsi %scan3A_171, %jit3A : i32
      %sign3A = arith.constant 0 : i32
      %sign3A_174 = arith.cmpi sgt, %scan3A_171, %sign3A : i32
      %sign3A_175 = arith.extui %sign3A_174 : i1 to i32
      %sign3A_176 = arith.constant 0 : i32
      %sign3A_177 = arith.cmpi slt, %scan3A_171, %sign3A_176 : i32
      %sign3A_178 = arith.extui %sign3A_177 : i1 to i32
      %sign3A_179 = arith.subi %sign3A_175, %sign3A_178 : i32
      %sign3A_180 = arith.constant 0 : i32
      %sign3A_181 = arith.cmpi sgt, %jit3A, %sign3A_180 : i32
      %sign3A_182 = arith.extui %sign3A_181 : i1 to i32
      %sign3A_183 = arith.constant 0 : i32
      %sign3A_184 = arith.cmpi slt, %jit3A, %sign3A_183 : i32
      %sign3A_185 = arith.extui %sign3A_184 : i1 to i32
      %sign3A_186 = arith.subi %sign3A_182, %sign3A_185 : i32
      %ne3A = arith.cmpi ne, %sign3A_179, %sign3A_186 : i32
      %rem3A = arith.remsi %scan3A_171, %jit3A : i32
      %ne3A_187 = arith.constant 0 : i32
      %ne3A_188 = arith.cmpi ne, %rem3A, %ne3A_187 : i32
      %and3A = arith.andi %ne3A, %ne3A_188 : i1
      %sub3A = arith.constant 1 : i32
      %sub3A_189 = arith.subi %div3A, %sub3A : i32
      %select_n3A = arith.select %and3A, %sub3A_189, %div3A : i32
      %jit3A_190 = arith.constant 8 : i32
      %eq3A = arith.constant 0 : i32
      %eq3A_191 = arith.cmpi eq, %jit3A_190, %eq3A : i32
      %jit3A_192 = arith.constant 1 : i32
      %select_n3A_193 = arith.select %eq3A_191, %jit3A_192, %jit3A_190 : i32
      %rem3A_194 = arith.remsi %scan3A_171, %select_n3A_193 : i32
      %ne3A_195 = arith.constant 0 : i32
      %ne3A_196 = arith.cmpi ne, %rem3A_194, %ne3A_195 : i32
      %lt3A = arith.constant 0 : i32
      %lt3A_197 = arith.cmpi slt, %rem3A_194, %lt3A : i32
      %lt3A_198 = arith.constant 0 : i32
      %lt3A_199 = arith.cmpi slt, %select_n3A_193, %lt3A_198 : i32
      %ne3A_200 = arith.xori %lt3A_197, %lt3A_199 : i1
      %and3A_201 = arith.andi %ne3A_200, %ne3A_196 : i1
      %add3A_202 = arith.addi %rem3A_194, %select_n3A_193 : i32
      %select_n3A_203 = arith.select %and3A_201, %add3A_202, %rem3A_194 : i32
      %mul3A_204 = arith.constant 16 : i32
      %mul3A_205 = arith.muli %select_n3A_203, %mul3A_204 : i32
      %swap3A_206 = arith.index_cast %select_n3A : i32 to index
      %swap3A_207 = arith.index_cast %mul3A_205 : i32 to index
      %swap3A_208 = tpu.vector_load %arg14[%swap3A_206, %swap3A_207] {strides = array<i32>} : memref<128x128xf32, #tpu.memory_space<vmem>>, vector<1x16xf32>,
      %swap3A_209 = vector.shape_cast %swap3A_208 : vector<1x16xf32> to vector<16xf32>
      %swap3A_210 = vector.shape_cast %broadcast_in_dim3A_173 : vector<16xf32> to vector<1x16xf32>
      tpu.vector_store %arg14[%swap3A_206, %swap3A_207], %swap3A_210 {strides = array<i32>} : memref<128x128xf32, #tpu.memory_space<vmem>>, vector<1x16xf32>,
      %scan3A_211 = arith.constant 0 : i32
      scf.yield %scan3A_211 : i32
    }
    %scan3A_6 = arith.constant 1024 : i32
    %scan3A_7 = arith.constant 0 : i32
    %scan3A_8 = arith.constant 0 : i32
    %scan3A_9 = arith.constant 5 : i32
    %scan3A_10 = arith.addi %scan3A_8, %scan3A_9 : i32
    %scan3A_11 = arith.constant 1 : i32
    %scan3A_12 = scf.for %scan3A_171 = %scan3A_8 to %scan3A_10 step %scan3A_11 iter_args(%scan3A_172 = %scan3A_7) -> (i32)  : i32 {
      %mul3A_173 = arith.constant 640 : i32
      %mul3A_174 = arith.muli %arg1, %mul3A_173 : i32
      %mul3A_175 = arith.constant 128 : i32
      %mul3A_176 = arith.muli %scan3A_171, %mul3A_175 : i32
      %add3A_177 = arith.addi %mul3A_174, %mul3A_176 : i32
      "tpu.region"() ({
        %run_scoped3A = tpu.sem_alloc : memref<!tpu.dma_semaphore, #tpu.memory_space<semaphore_mem>>
        %dma_start3A_179 = arith.constant 0 : i32
        %dma_start3A_180 = tpu.memref_slice %arg16[%add3A_177, %dma_start3A_179] : memref<10240x128xf32, #tpu.memory_space<vmem_shared>> -> memref<128x128xf32, #tpu.memory_space<vmem_shared>>
        %dma_start3A_181 = arith.constant 0 : i32
        %dma_start3A_182 = tpu.memref_slice %arg16[%add3A_177, %dma_start3A_181] : memref<10240x128xf32, #tpu.memory_space<vmem_shared>> -> memref<128x128xf32, #tpu.memory_space<vmem_shared>>
        tpu.enqueue_dma source(%arg14 : memref<128x128xf32, #tpu.memory_space<vmem>>) target(%dma_start3A_182 : memref<128x128xf32, #tpu.memory_space<vmem_shared>>) target_semaphore(%run_scoped3A : memref<!tpu.dma_semaphore, #tpu.memory_space<semaphore_mem>>)
        %dma_wait3A_183 = arith.constant 0 : i32
        %dma_wait3A_184 = tpu.memref_slice %arg16[%add3A_177, %dma_wait3A_183] : memref<10240x128xf32, #tpu.memory_space<vmem_shared>> -> memref<128x128xf32, #tpu.memory_space<vmem_shared>>
        %dma_wait3A_185 = arith.constant 0 : i32
        %dma_wait3A_186 = tpu.memref_slice %arg16[%add3A_177, %dma_wait3A_185] : memref<10240x128xf32, #tpu.memory_space<vmem_shared>> -> memref<128x128xf32, #tpu.memory_space<vmem_shared>>
        tpu.wait_dma2 semaphore(%run_scoped3A : memref<!tpu.dma_semaphore, #tpu.memory_space<semaphore_mem>>) src(%arg14 : memref<128x128xf32, #tpu.memory_space<vmem>>) dst(%dma_wait3A_186 : memref<128x128xf32, #tpu.memory_space<vmem_shared>>)
        tpu.yield
      }) : () -> ()
      %scan3A_178 = arith.constant 0 : i32
      scf.yield %scan3A_178 : i32
    }
    %scan3A_13 = arith.constant 5 : i32
    %barrier3A = arith.constant 0 : index
    tpu.barrier barrier_id(%barrier3A)
    %mul3A_14 = arith.constant 80 : i32
    %mul3A_15 = arith.muli %add3A, %mul3A_14 : i32
    %add3A_16 = arith.constant 0 : i32
    %add3A_17 = arith.addi %mul3A_15, %add3A_16 : i32
    %dma_start3A = arith.constant 0 : i32
    %dma_start3A_18 = tpu.memref_slice %arg3[%add3A_17, %dma_start3A] : memref<2560x128xi32, #tpu.memory_space<hbm>> -> memref<1x128xi32, #tpu.memory_space<hbm>>
    %dma_start3A_19 = tpu.memref_squeeze %dma_start3A_18 : memref<1x128xi32, #tpu.memory_space<hbm>> -> memref<128xi32, #tpu.memory_space<hbm>>
    %dma_start3A_20 = arith.constant 0 : i32
    %dma_start3A_21 = tpu.memref_slice %arg3[%add3A_17, %dma_start3A_20] : memref<2560x128xi32, #tpu.memory_space<hbm>> -> memref<1x128xi32, #tpu.memory_space<hbm>>
    %dma_start3A_22 = tpu.memref_squeeze %dma_start3A_21 : memref<1x128xi32, #tpu.memory_space<hbm>> -> memref<128xi32, #tpu.memory_space<hbm>>
    tpu.enqueue_dma source(%dma_start3A_22 : memref<128xi32, #tpu.memory_space<hbm>>) target(%arg6 : memref<128xi32, #tpu.memory_space<vmem>>) target_semaphore(%arg17 : memref<!tpu.dma_semaphore, #tpu.memory_space<semaphore_mem>>)
    %mul3A_23 = arith.constant 80 : i32
    %mul3A_24 = arith.muli %add3A, %mul3A_23 : i32
    %add3A_25 = arith.constant 0 : i32
    %add3A_26 = arith.addi %mul3A_24, %add3A_25 : i32
    %dma_start3A_27 = arith.constant 0 : i32
    %dma_start3A_28 = tpu.memref_slice %arg4[%add3A_26, %dma_start3A_27] : memref<2560x128xi32, #tpu.memory_space<hbm>> -> memref<1x128xi32, #tpu.memory_space<hbm>>
    %dma_start3A_29 = tpu.memref_squeeze %dma_start3A_28 : memref<1x128xi32, #tpu.memory_space<hbm>> -> memref<128xi32, #tpu.memory_space<hbm>>
    %dma_start3A_30 = arith.constant 0 : i32
    %dma_start3A_31 = tpu.memref_slice %arg4[%add3A_26, %dma_start3A_30] : memref<2560x128xi32, #tpu.memory_space<hbm>> -> memref<1x128xi32, #tpu.memory_space<hbm>>
    %dma_start3A_32 = tpu.memref_squeeze %dma_start3A_31 : memref<1x128xi32, #tpu.memory_space<hbm>> -> memref<128xi32, #tpu.memory_space<hbm>>
    tpu.enqueue_dma source(%dma_start3A_32 : memref<128xi32, #tpu.memory_space<hbm>>) target(%arg10 : memref<128xi32, #tpu.memory_space<vmem>>) target_semaphore(%arg17 : memref<!tpu.dma_semaphore, #tpu.memory_space<semaphore_mem>>)
    %mul3A_33 = arith.constant 80 : i32
    %mul3A_34 = arith.muli %add3A, %mul3A_33 : i32
    %add3A_35 = arith.constant 1 : i32
    %add3A_36 = arith.addi %mul3A_34, %add3A_35 : i32
    %dma_start3A_37 = arith.constant 0 : i32
    %dma_start3A_38 = tpu.memref_slice %arg3[%add3A_36, %dma_start3A_37] : memref<2560x128xi32, #tpu.memory_space<hbm>> -> memref<1x128xi32, #tpu.memory_space<hbm>>
    %dma_start3A_39 = tpu.memref_squeeze %dma_start3A_38 : memref<1x128xi32, #tpu.memory_space<hbm>> -> memref<128xi32, #tpu.memory_space<hbm>>
    %dma_start3A_40 = arith.constant 0 : i32
    %dma_start3A_41 = tpu.memref_slice %arg3[%add3A_36, %dma_start3A_40] : memref<2560x128xi32, #tpu.memory_space<hbm>> -> memref<1x128xi32, #tpu.memory_space<hbm>>
    %dma_start3A_42 = tpu.memref_squeeze %dma_start3A_41 : memref<1x128xi32, #tpu.memory_space<hbm>> -> memref<128xi32, #tpu.memory_space<hbm>>
    tpu.enqueue_dma source(%dma_start3A_42 : memref<128xi32, #tpu.memory_space<hbm>>) target(%arg7 : memref<128xi32, #tpu.memory_space<vmem>>) target_semaphore(%arg18 : memref<!tpu.dma_semaphore, #tpu.memory_space<semaphore_mem>>)
    %mul3A_43 = arith.constant 80 : i32
    %mul3A_44 = arith.muli %add3A, %mul3A_43 : i32
    %add3A_45 = arith.constant 1 : i32
    %add3A_46 = arith.addi %mul3A_44, %add3A_45 : i32
    %dma_start3A_47 = arith.constant 0 : i32
    %dma_start3A_48 = tpu.memref_slice %arg4[%add3A_46, %dma_start3A_47] : memref<2560x128xi32, #tpu.memory_space<hbm>> -> memref<1x128xi32, #tpu.memory_space<hbm>>
    %dma_start3A_49 = tpu.memref_squeeze %dma_start3A_48 : memref<1x128xi32, #tpu.memory_space<hbm>> -> memref<128xi32, #tpu.memory_space<hbm>>
    %dma_start3A_50 = arith.constant 0 : i32
    %dma_start3A_51 = tpu.memref_slice %arg4[%add3A_46, %dma_start3A_50] : memref<2560x128xi32, #tpu.memory_space<hbm>> -> memref<1x128xi32, #tpu.memory_space<hbm>>
    %dma_start3A_52 = tpu.memref_squeeze %dma_start3A_51 : memref<1x128xi32, #tpu.memory_space<hbm>> -> memref<128xi32, #tpu.memory_space<hbm>>
    tpu.enqueue_dma source(%dma_start3A_52 : memref<128xi32, #tpu.memory_space<hbm>>) target(%arg11 : memref<128xi32, #tpu.memory_space<vmem>>) target_semaphore(%arg18 : memref<!tpu.dma_semaphore, #tpu.memory_space<semaphore_mem>>)
    %iota3A = tpu.iota {dimensions = array<i32: 0>} : vector<16xi32>
    %add3A_53 = arith.constant 10016 : i32
    %add3A_54 = vector.broadcast %add3A_53 : i32 to vector<16xi32>
    %add3A_55 = arith.addi %add3A_54, %iota3A : vector<16xi32>
    %swap3A = arith.constant 0 : index
    %swap3A_56 = tpu.vector_load %arg13[%swap3A] {strides = array<i32>} : memref<128xi32, #tpu.memory_space<vmem>>, vector<16xi32>,
    %swap3A_57 = vector.shape_cast %swap3A_56 : vector<16xi32> to vector<16xi32>
    %swap3A_58 = vector.shape_cast %add3A_55 : vector<16xi32> to vector<16xi32>
    tpu.vector_store %arg13[%swap3A], %swap3A_58 {strides = array<i32>} : memref<128xi32, #tpu.memory_space<vmem>>, vector<16xi32>,
    %add3A_59 = arith.constant 10032 : i32
    %add3A_60 = vector.broadcast %add3A_59 : i32 to vector<16xi32>
    %add3A_61 = arith.addi %add3A_60, %iota3A : vector<16xi32>
    %swap3A_62 = arith.constant 16 : index
    %swap3A_63 = tpu.vector_load %arg13[%swap3A_62] {strides = array<i32>} : memref<128xi32, #tpu.memory_space<vmem>>, vector<16xi32>,
    %swap3A_64 = vector.shape_cast %swap3A_63 : vector<16xi32> to vector<16xi32>
    %swap3A_65 = vector.shape_cast %add3A_61 : vector<16xi32> to vector<16xi32>
    tpu.vector_store %arg13[%swap3A_62], %swap3A_65 {strides = array<i32>} : memref<128xi32, #tpu.memory_space<vmem>>, vector<16xi32>,
    %add3A_66 = arith.constant 10048 : i32
    %add3A_67 = vector.broadcast %add3A_66 : i32 to vector<16xi32>
    %add3A_68 = arith.addi %add3A_67, %iota3A : vector<16xi32>
    %swap3A_69 = arith.constant 32 : index
    %swap3A_70 = tpu.vector_load %arg13[%swap3A_69] {strides = array<i32>} : memref<128xi32, #tpu.memory_space<vmem>>, vector<16xi32>,
    %swap3A_71 = vector.shape_cast %swap3A_70 : vector<16xi32> to vector<16xi32>
    %swap3A_72 = vector.shape_cast %add3A_68 : vector<16xi32> to vector<16xi32>
    tpu.vector_store %arg13[%swap3A_69], %swap3A_72 {strides = array<i32>} : memref<128xi32, #tpu.memory_space<vmem>>, vector<16xi32>,
    %add3A_73 = arith.constant 10064 : i32
    %add3A_74 = vector.broadcast %add3A_73 : i32 to vector<16xi32>
    %add3A_75 = arith.addi %add3A_74, %iota3A : vector<16xi32>
    %swap3A_76 = arith.constant 48 : index
    %swap3A_77 = tpu.vector_load %arg13[%swap3A_76] {strides = array<i32>} : memref<128xi32, #tpu.memory_space<vmem>>, vector<16xi32>,
    %swap3A_78 = vector.shape_cast %swap3A_77 : vector<16xi32> to vector<16xi32>
    %swap3A_79 = vector.shape_cast %add3A_75 : vector<16xi32> to vector<16xi32>
    tpu.vector_store %arg13[%swap3A_76], %swap3A_79 {strides = array<i32>} : memref<128xi32, #tpu.memory_space<vmem>>, vector<16xi32>,
    %add3A_80 = arith.constant 10080 : i32
    %add3A_81 = vector.broadcast %add3A_80 : i32 to vector<16xi32>
    %add3A_82 = arith.addi %add3A_81, %iota3A : vector<16xi32>
    %swap3A_83 = arith.constant 64 : index
    %swap3A_84 = tpu.vector_load %arg13[%swap3A_83] {strides = array<i32>} : memref<128xi32, #tpu.memory_space<vmem>>, vector<16xi32>,
    %swap3A_85 = vector.shape_cast %swap3A_84 : vector<16xi32> to vector<16xi32>
    %swap3A_86 = vector.shape_cast %add3A_82 : vector<16xi32> to vector<16xi32>
    tpu.vector_store %arg13[%swap3A_83], %swap3A_86 {strides = array<i32>} : memref<128xi32, #tpu.memory_space<vmem>>, vector<16xi32>,
    %add3A_87 = arith.constant 10096 : i32
    %add3A_88 = vector.broadcast %add3A_87 : i32 to vector<16xi32>
    %add3A_89 = arith.addi %add3A_88, %iota3A : vector<16xi32>
    %swap3A_90 = arith.constant 80 : index
    %swap3A_91 = tpu.vector_load %arg13[%swap3A_90] {strides = array<i32>} : memref<128xi32, #tpu.memory_space<vmem>>, vector<16xi32>,
    %swap3A_92 = vector.shape_cast %swap3A_91 : vector<16xi32> to vector<16xi32>
    %swap3A_93 = vector.shape_cast %add3A_89 : vector<16xi32> to vector<16xi32>
    tpu.vector_store %arg13[%swap3A_90], %swap3A_93 {strides = array<i32>} : memref<128xi32, #tpu.memory_space<vmem>>, vector<16xi32>,
    %add3A_94 = arith.constant 10112 : i32
    %add3A_95 = vector.broadcast %add3A_94 : i32 to vector<16xi32>
    %add3A_96 = arith.addi %add3A_95, %iota3A : vector<16xi32>
    %swap3A_97 = arith.constant 96 : index
    %swap3A_98 = tpu.vector_load %arg13[%swap3A_97] {strides = array<i32>} : memref<128xi32, #tpu.memory_space<vmem>>, vector<16xi32>,
    %swap3A_99 = vector.shape_cast %swap3A_98 : vector<16xi32> to vector<16xi32>
    %swap3A_100 = vector.shape_cast %add3A_96 : vector<16xi32> to vector<16xi32>
    tpu.vector_store %arg13[%swap3A_97], %swap3A_100 {strides = array<i32>} : memref<128xi32, #tpu.memory_space<vmem>>, vector<16xi32>,
    %add3A_101 = arith.constant 10128 : i32
    %add3A_102 = vector.broadcast %add3A_101 : i32 to vector<16xi32>
    %add3A_103 = arith.addi %add3A_102, %iota3A : vector<16xi32>
    %swap3A_104 = arith.constant 112 : index
    %swap3A_105 = tpu.vector_load %arg13[%swap3A_104] {strides = array<i32>} : memref<128xi32, #tpu.memory_space<vmem>>, vector<16xi32>,
    %swap3A_106 = vector.shape_cast %swap3A_105 : vector<16xi32> to vector<16xi32>
    %swap3A_107 = vector.shape_cast %add3A_103 : vector<16xi32> to vector<16xi32>
    tpu.vector_store %arg13[%swap3A_104], %swap3A_107 {strides = array<i32>} : memref<128xi32, #tpu.memory_space<vmem>>, vector<16xi32>,
    %mul3A_108 = arith.constant 80 : i32
    %mul3A_109 = arith.muli %add3A, %mul3A_108 : i32
    %add3A_110 = arith.constant 0 : i32
    %add3A_111 = arith.addi %mul3A_109, %add3A_110 : i32
    %dma_wait3A = arith.constant 0 : i32
    %dma_wait3A_112 = tpu.memref_slice %arg3[%add3A_111, %dma_wait3A] : memref<2560x128xi32, #tpu.memory_space<hbm>> -> memref<1x128xi32, #tpu.memory_space<hbm>>
    %dma_wait3A_113 = tpu.memref_squeeze %dma_wait3A_112 : memref<1x128xi32, #tpu.memory_space<hbm>> -> memref<128xi32, #tpu.memory_space<hbm>>
    %dma_wait3A_114 = arith.constant 0 : i32
    %dma_wait3A_115 = tpu.memref_slice %arg3[%add3A_111, %dma_wait3A_114] : memref<2560x128xi32, #tpu.memory_space<hbm>> -> memref<1x128xi32, #tpu.memory_space<hbm>>
    %dma_wait3A_116 = tpu.memref_squeeze %dma_wait3A_115 : memref<1x128xi32, #tpu.memory_space<hbm>> -> memref<128xi32, #tpu.memory_space<hbm>>
    tpu.wait_dma2 semaphore(%arg17 : memref<!tpu.dma_semaphore, #tpu.memory_space<semaphore_mem>>) src(%dma_wait3A_116 : memref<128xi32, #tpu.memory_space<hbm>>) dst(%arg6 : memref<128xi32, #tpu.memory_space<vmem>>)
    %mul3A_117 = arith.constant 80 : i32
    %mul3A_118 = arith.muli %add3A, %mul3A_117 : i32
    %add3A_119 = arith.constant 0 : i32
    %add3A_120 = arith.addi %mul3A_118, %add3A_119 : i32
    %dma_wait3A_121 = arith.constant 0 : i32
    %dma_wait3A_122 = tpu.memref_slice %arg4[%add3A_120, %dma_wait3A_121] : memref<2560x128xi32, #tpu.memory_space<hbm>> -> memref<1x128xi32, #tpu.memory_space<hbm>>
    %dma_wait3A_123 = tpu.memref_squeeze %dma_wait3A_122 : memref<1x128xi32, #tpu.memory_space<hbm>> -> memref<128xi32, #tpu.memory_space<hbm>>
    %dma_wait3A_124 = arith.constant 0 : i32
    %dma_wait3A_125 = tpu.memref_slice %arg4[%add3A_120, %dma_wait3A_124] : memref<2560x128xi32, #tpu.memory_space<hbm>> -> memref<1x128xi32, #tpu.memory_space<hbm>>
    %dma_wait3A_126 = tpu.memref_squeeze %dma_wait3A_125 : memref<1x128xi32, #tpu.memory_space<hbm>> -> memref<128xi32, #tpu.memory_space<hbm>>
    tpu.wait_dma2 semaphore(%arg17 : memref<!tpu.dma_semaphore, #tpu.memory_space<semaphore_mem>>) src(%dma_wait3A_126 : memref<128xi32, #tpu.memory_space<hbm>>) dst(%arg10 : memref<128xi32, #tpu.memory_space<vmem>>)
    %dma_start3A_127 = arith.constant 0 : i32
    %dma_start3A_128 = arith.constant 0 : i32
    %dma_start3A_129 = tpu.memref_slice %arg2[%dma_start3A_127, %dma_start3A_128] : memref<10240x128xf32, #tpu.memory_space<hbm>> -> memref<10240x128xf32, #tpu.memory_space<hbm>>
    tpu.enqueue_indirect_dma source(%dma_start3A_129 : memref<10240x128xf32, #tpu.memory_space<hbm>>) target(%arg14 : memref<128x128xf32, #tpu.memory_space<vmem>>) offsets(%arg6 : memref<128xi32, #tpu.memory_space<vmem>>) semaphore(%arg21 : memref<!tpu.dma_semaphore, #tpu.memory_space<semaphore_mem>>)
    %dma_start3A_130 = arith.constant 0 : i32
    %dma_start3A_131 = arith.constant 0 : i32
    %dma_start3A_132 = tpu.memref_slice %arg16[%dma_start3A_130, %dma_start3A_131] : memref<10240x128xf32, #tpu.memory_space<vmem_shared>> -> memref<10240x128xf32, #tpu.memory_space<vmem_shared>>
    tpu.enqueue_indirect_dma source(%arg15 : memref<128x128xf32, #tpu.memory_space<vmem>>) target(%dma_start3A_132 : memref<10240x128xf32, #tpu.memory_space<vmem_shared>>) offsets(%arg13 : memref<128xi32, #tpu.memory_space<vmem>>) semaphore(%arg24 : memref<!tpu.dma_semaphore, #tpu.memory_space<semaphore_mem>>) {add = true}
    %scan3A_133 = arith.constant 0 : i32
    %scan3A_134 = arith.constant 0 : i32
    %scan3A_135 = arith.constant 20 : i32
    %scan3A_136 = arith.addi %scan3A_134, %scan3A_135 : i32
    %scan3A_137 = arith.constant 1 : i32
    %scan3A_138 = scf.for %scan3A_171 = %scan3A_134 to %scan3A_136 step %scan3A_137 iter_args(%scan3A_172 = %scan3A_133) -> (i32)  : i32 {
      %mul3A_173 = arith.constant 4 : i32
      %mul3A_174 = arith.muli %mul3A_173, %scan3A_171 : i32
      %dma_wait3A_175 = arith.constant 0 : i32
      %dma_wait3A_176 = arith.constant 0 : i32
      %dma_wait3A_177 = tpu.memref_slice %arg2[%dma_wait3A_175, %dma_wait3A_176] : memref<10240x128xf32, #tpu.memory_space<hbm>> -> memref<10240x128xf32, #tpu.memory_space<hbm>>
      tpu.wait_indirect_dma semaphore(%arg21 : memref<!tpu.dma_semaphore, #tpu.memory_space<semaphore_mem>>) src(%dma_wait3A_177 : memref<10240x128xf32, #tpu.memory_space<hbm>>) dst(%arg14 : memref<128x128xf32, #tpu.memory_space<vmem>>)
      %dma_wait3A_178 = arith.constant 0 : i32
      %dma_wait3A_179 = arith.constant 0 : i32
      %dma_wait3A_180 = tpu.memref_slice %arg16[%dma_wait3A_178, %dma_wait3A_179] : memref<10240x128xf32, #tpu.memory_space<vmem_shared>> -> memref<10240x128xf32, #tpu.memory_space<vmem_shared>>
      tpu.wait_indirect_dma semaphore(%arg24 : memref<!tpu.dma_semaphore, #tpu.memory_space<semaphore_mem>>) src(%arg15 : memref<128x128xf32, #tpu.memory_space<vmem>>) dst(%dma_wait3A_180 : memref<10240x128xf32, #tpu.memory_space<vmem_shared>>)
      %add3A_181 = arith.constant 1 : i32
      %add3A_182 = arith.addi %mul3A_174, %add3A_181 : i32
      %min3A = arith.constant 79 : i32
      %min3A_183 = arith.minsi %add3A_182, %min3A : i32
      %mul3A_184 = arith.constant 80 : i32
      %mul3A_185 = arith.muli %add3A, %mul3A_184 : i32
      %add3A_186 = arith.addi %mul3A_185, %min3A_183 : i32
      %dma_wait3A_187 = arith.constant 0 : i32
      %dma_wait3A_188 = tpu.memref_slice %arg3[%add3A_186, %dma_wait3A_187] : memref<2560x128xi32, #tpu.memory_space<hbm>> -> memref<1x128xi32, #tpu.memory_space<hbm>>
      %dma_wait3A_189 = tpu.memref_squeeze %dma_wait3A_188 : memref<1x128xi32, #tpu.memory_space<hbm>> -> memref<128xi32, #tpu.memory_space<hbm>>
      %dma_wait3A_190 = arith.constant 0 : i32
      %dma_wait3A_191 = tpu.memref_slice %arg3[%add3A_186, %dma_wait3A_190] : memref<2560x128xi32, #tpu.memory_space<hbm>> -> memref<1x128xi32, #tpu.memory_space<hbm>>
      %dma_wait3A_192 = tpu.memref_squeeze %dma_wait3A_191 : memref<1x128xi32, #tpu.memory_space<hbm>> -> memref<128xi32, #tpu.memory_space<hbm>>
      tpu.wait_dma2 semaphore(%arg18 : memref<!tpu.dma_semaphore, #tpu.memory_space<semaphore_mem>>) src(%dma_wait3A_192 : memref<128xi32, #tpu.memory_space<hbm>>) dst(%arg7 : memref<128xi32, #tpu.memory_space<vmem>>)
      %mul3A_193 = arith.constant 80 : i32
      %mul3A_194 = arith.muli %add3A, %mul3A_193 : i32
      %add3A_195 = arith.addi %mul3A_194, %min3A_183 : i32
      %dma_wait3A_196 = arith.constant 0 : i32
      %dma_wait3A_197 = tpu.memref_slice %arg4[%add3A_195, %dma_wait3A_196] : memref<2560x128xi32, #tpu.memory_space<hbm>> -> memref<1x128xi32, #tpu.memory_space<hbm>>
      %dma_wait3A_198 = tpu.memref_squeeze %dma_wait3A_197 : memref<1x128xi32, #tpu.memory_space<hbm>> -> memref<128xi32, #tpu.memory_space<hbm>>
      %dma_wait3A_199 = arith.constant 0 : i32
      %dma_wait3A_200 = tpu.memref_slice %arg4[%add3A_195, %dma_wait3A_199] : memref<2560x128xi32, #tpu.memory_space<hbm>> -> memref<1x128xi32, #tpu.memory_space<hbm>>
      %dma_wait3A_201 = tpu.memref_squeeze %dma_wait3A_200 : memref<1x128xi32, #tpu.memory_space<hbm>> -> memref<128xi32, #tpu.memory_space<hbm>>
      tpu.wait_dma2 semaphore(%arg18 : memref<!tpu.dma_semaphore, #tpu.memory_space<semaphore_mem>>) src(%dma_wait3A_201 : memref<128xi32, #tpu.memory_space<hbm>>) dst(%arg11 : memref<128xi32, #tpu.memory_space<vmem>>)
      %dma_start3A_202 = arith.constant 0 : i32
      %dma_start3A_203 = arith.constant 0 : i32
      %dma_start3A_204 = tpu.memref_slice %arg2[%dma_start3A_202, %dma_start3A_203] : memref<10240x128xf32, #tpu.memory_space<hbm>> -> memref<10240x128xf32, #tpu.memory_space<hbm>>
      tpu.enqueue_indirect_dma source(%dma_start3A_204 : memref<10240x128xf32, #tpu.memory_space<hbm>>) target(%arg15 : memref<128x128xf32, #tpu.memory_space<vmem>>) offsets(%arg7 : memref<128xi32, #tpu.memory_space<vmem>>) semaphore(%arg22 : memref<!tpu.dma_semaphore, #tpu.memory_space<semaphore_mem>>)
      %dma_start3A_205 = arith.constant 0 : i32
      %dma_start3A_206 = arith.constant 0 : i32
      %dma_start3A_207 = tpu.memref_slice %arg16[%dma_start3A_205, %dma_start3A_206] : memref<10240x128xf32, #tpu.memory_space<vmem_shared>> -> memref<10240x128xf32, #tpu.memory_space<vmem_shared>>
      tpu.enqueue_indirect_dma source(%arg14 : memref<128x128xf32, #tpu.memory_space<vmem>>) target(%dma_start3A_207 : memref<10240x128xf32, #tpu.memory_space<vmem_shared>>) offsets(%arg10 : memref<128xi32, #tpu.memory_space<vmem>>) semaphore(%arg23 : memref<!tpu.dma_semaphore, #tpu.memory_space<semaphore_mem>>) {add = true}
      %add3A_208 = arith.constant 2 : i32
      %add3A_209 = arith.addi %mul3A_174, %add3A_208 : i32
      %min3A_210 = arith.constant 79 : i32
      %min3A_211 = arith.minsi %add3A_209, %min3A_210 : i32
      %mul3A_212 = arith.constant 80 : i32
      %mul3A_213 = arith.muli %add3A, %mul3A_212 : i32
      %add3A_214 = arith.addi %mul3A_213, %min3A_211 : i32
      %dma_start3A_215 = arith.constant 0 : i32
      %dma_start3A_216 = tpu.memref_slice %arg3[%add3A_214, %dma_start3A_215] : memref<2560x128xi32, #tpu.memory_space<hbm>> -> memref<1x128xi32, #tpu.memory_space<hbm>>
      %dma_start3A_217 = tpu.memref_squeeze %dma_start3A_216 : memref<1x128xi32, #tpu.memory_space<hbm>> -> memref<128xi32, #tpu.memory_space<hbm>>
      %dma_start3A_218 = arith.constant 0 : i32
      %dma_start3A_219 = tpu.memref_slice %arg3[%add3A_214, %dma_start3A_218] : memref<2560x128xi32, #tpu.memory_space<hbm>> -> memref<1x128xi32, #tpu.memory_space<hbm>>
      %dma_start3A_220 = tpu.memref_squeeze %dma_start3A_219 : memref<1x128xi32, #tpu.memory_space<hbm>> -> memref<128xi32, #tpu.memory_space<hbm>>
      tpu.enqueue_dma source(%dma_start3A_220 : memref<128xi32, #tpu.memory_space<hbm>>) target(%arg8 : memref<128xi32, #tpu.memory_space<vmem>>) target_semaphore(%arg19 : memref<!tpu.dma_semaphore, #tpu.memory_space<semaphore_mem>>)
      %mul3A_221 = arith.constant 80 : i32
      %mul3A_222 = arith.muli %add3A, %mul3A_221 : i32
      %add3A_223 = arith.addi %mul3A_222, %min3A_211 : i32
      %dma_start3A_224 = arith.constant 0 : i32
      %dma_start3A_225 = tpu.memref_slice %arg4[%add3A_223, %dma_start3A_224] : memref<2560x128xi32, #tpu.memory_space<hbm>> -> memref<1x128xi32, #tpu.memory_space<hbm>>
      %dma_start3A_226 = tpu.memref_squeeze %dma_start3A_225 : memref<1x128xi32, #tpu.memory_space<hbm>> -> memref<128xi32, #tpu.memory_space<hbm>>
      %dma_start3A_227 = arith.constant 0 : i32
      %dma_start3A_228 = tpu.memref_slice %arg4[%add3A_223, %dma_start3A_227] : memref<2560x128xi32, #tpu.memory_space<hbm>> -> memref<1x128xi32, #tpu.memory_space<hbm>>
      %dma_start3A_229 = tpu.memref_squeeze %dma_start3A_228 : memref<1x128xi32, #tpu.memory_space<hbm>> -> memref<128xi32, #tpu.memory_space<hbm>>
      tpu.enqueue_dma source(%dma_start3A_229 : memref<128xi32, #tpu.memory_space<hbm>>) target(%arg12 : memref<128xi32, #tpu.memory_space<vmem>>) target_semaphore(%arg19 : memref<!tpu.dma_semaphore, #tpu.memory_space<semaphore_mem>>)
      %add3A_230 = arith.constant 1 : i32
      %add3A_231 = arith.addi %mul3A_174, %add3A_230 : i32
      %dma_wait3A_232 = arith.constant 0 : i32
      %dma_wait3A_233 = arith.constant 0 : i32
      %dma_wait3A_234 = tpu.memref_slice %arg2[%dma_wait3A_232, %dma_wait3A_233] : memref<10240x128xf32, #tpu.memory_space<hbm>> -> memref<10240x128xf32, #tpu.memory_space<hbm>>
      tpu.wait_indirect_dma semaphore(%arg22 : memref<!tpu.dma_semaphore, #tpu.memory_space<semaphore_mem>>) src(%dma_wait3A_234 : memref<10240x128xf32, #tpu.memory_space<hbm>>) dst(%arg15 : memref<128x128xf32, #tpu.memory_space<vmem>>)
      %dma_wait3A_235 = arith.constant 0 : i32
      %dma_wait3A_236 = arith.constant 0 : i32
      %dma_wait3A_237 = tpu.memref_slice %arg16[%dma_wait3A_235, %dma_wait3A_236] : memref<10240x128xf32, #tpu.memory_space<vmem_shared>> -> memref<10240x128xf32, #tpu.memory_space<vmem_shared>>
      tpu.wait_indirect_dma semaphore(%arg23 : memref<!tpu.dma_semaphore, #tpu.memory_space<semaphore_mem>>) src(%arg14 : memref<128x128xf32, #tpu.memory_space<vmem>>) dst(%dma_wait3A_237 : memref<10240x128xf32, #tpu.memory_space<vmem_shared>>)
      %add3A_238 = arith.constant 1 : i32
      %add3A_239 = arith.addi %add3A_231, %add3A_238 : i32
      %min3A_240 = arith.constant 79 : i32
      %min3A_241 = arith.minsi %add3A_239, %min3A_240 : i32
      %mul3A_242 = arith.constant 80 : i32
      %mul3A_243 = arith.muli %add3A, %mul3A_242 : i32
      %add3A_244 = arith.addi %mul3A_243, %min3A_241 : i32
      %dma_wait3A_245 = arith.constant 0 : i32
      %dma_wait3A_246 = tpu.memref_slice %arg3[%add3A_244, %dma_wait3A_245] : memref<2560x128xi32, #tpu.memory_space<hbm>> -> memref<1x128xi32, #tpu.memory_space<hbm>>
      %dma_wait3A_247 = tpu.memref_squeeze %dma_wait3A_246 : memref<1x128xi32, #tpu.memory_space<hbm>> -> memref<128xi32, #tpu.memory_space<hbm>>
      %dma_wait3A_248 = arith.constant 0 : i32
      %dma_wait3A_249 = tpu.memref_slice %arg3[%add3A_244, %dma_wait3A_248] : memref<2560x128xi32, #tpu.memory_space<hbm>> -> memref<1x128xi32, #tpu.memory_space<hbm>>
      %dma_wait3A_250 = tpu.memref_squeeze %dma_wait3A_249 : memref<1x128xi32, #tpu.memory_space<hbm>> -> memref<128xi32, #tpu.memory_space<hbm>>
      tpu.wait_dma2 semaphore(%arg19 : memref<!tpu.dma_semaphore, #tpu.memory_space<semaphore_mem>>) src(%dma_wait3A_250 : memref<128xi32, #tpu.memory_space<hbm>>) dst(%arg8 : memref<128xi32, #tpu.memory_space<vmem>>)
      %mul3A_251 = arith.constant 80 : i32
      %mul3A_252 = arith.muli %add3A, %mul3A_251 : i32
      %add3A_253 = arith.addi %mul3A_252, %min3A_241 : i32
      %dma_wait3A_254 = arith.constant 0 : i32
      %dma_wait3A_255 = tpu.memref_slice %arg4[%add3A_253, %dma_wait3A_254] : memref<2560x128xi32, #tpu.memory_space<hbm>> -> memref<1x128xi32, #tpu.memory_space<hbm>>
      %dma_wait3A_256 = tpu.memref_squeeze %dma_wait3A_255 : memref<1x128xi32, #tpu.memory_space<hbm>> -> memref<128xi32, #tpu.memory_space<hbm>>
      %dma_wait3A_257 = arith.constant 0 : i32
      %dma_wait3A_258 = tpu.memref_slice %arg4[%add3A_253, %dma_wait3A_257] : memref<2560x128xi32, #tpu.memory_space<hbm>> -> memref<1x128xi32, #tpu.memory_space<hbm>>
      %dma_wait3A_259 = tpu.memref_squeeze %dma_wait3A_258 : memref<1x128xi32, #tpu.memory_space<hbm>> -> memref<128xi32, #tpu.memory_space<hbm>>
      tpu.wait_dma2 semaphore(%arg19 : memref<!tpu.dma_semaphore, #tpu.memory_space<semaphore_mem>>) src(%dma_wait3A_259 : memref<128xi32, #tpu.memory_space<hbm>>) dst(%arg12 : memref<128xi32, #tpu.memory_space<vmem>>)
      %dma_start3A_260 = arith.constant 0 : i32
      %dma_start3A_261 = arith.constant 0 : i32
      %dma_start3A_262 = tpu.memref_slice %arg2[%dma_start3A_260, %dma_start3A_261] : memref<10240x128xf32, #tpu.memory_space<hbm>> -> memref<10240x128xf32, #tpu.memory_space<hbm>>
      tpu.enqueue_indirect_dma source(%dma_start3A_262 : memref<10240x128xf32, #tpu.memory_space<hbm>>) target(%arg14 : memref<128x128xf32, #tpu.memory_space<vmem>>) offsets(%arg8 : memref<128xi32, #tpu.memory_space<vmem>>) semaphore(%arg21 : memref<!tpu.dma_semaphore, #tpu.memory_space<semaphore_mem>>)
      %dma_start3A_263 = arith.constant 0 : i32
      %dma_start3A_264 = arith.constant 0 : i32
      %dma_start3A_265 = tpu.memref_slice %arg16[%dma_start3A_263, %dma_start3A_264] : memref<10240x128xf32, #tpu.memory_space<vmem_shared>> -> memref<10240x128xf32, #tpu.memory_space<vmem_shared>>
      tpu.enqueue_indirect_dma source(%arg15 : memref<128x128xf32, #tpu.memory_space<vmem>>) target(%dma_start3A_265 : memref<10240x128xf32, #tpu.memory_space<vmem_shared>>) offsets(%arg11 : memref<128xi32, #tpu.memory_space<vmem>>) semaphore(%arg24 : memref<!tpu.dma_semaphore, #tpu.memory_space<semaphore_mem>>) {add = true}
      %add3A_266 = arith.constant 2 : i32
      %add3A_267 = arith.addi %add3A_231, %add3A_266 : i32
      %min3A_268 = arith.constant 79 : i32
      %min3A_269 = arith.minsi %add3A_267, %min3A_268 : i32
      %mul3A_270 = arith.constant 80 : i32
      %mul3A_271 = arith.muli %add3A, %mul3A_270 : i32
      %add3A_272 = arith.addi %mul3A_271, %min3A_269 : i32
      %dma_start3A_273 = arith.constant 0 : i32
      %dma_start3A_274 = tpu.memref_slice %arg3[%add3A_272, %dma_start3A_273] : memref<2560x128xi32, #tpu.memory_space<hbm>> -> memref<1x128xi32, #tpu.memory_space<hbm>>
      %dma_start3A_275 = tpu.memref_squeeze %dma_start3A_274 : memref<1x128xi32, #tpu.memory_space<hbm>> -> memref<128xi32, #tpu.memory_space<hbm>>
      %dma_start3A_276 = arith.constant 0 : i32
      %dma_start3A_277 = tpu.memref_slice %arg3[%add3A_272, %dma_start3A_276] : memref<2560x128xi32, #tpu.memory_space<hbm>> -> memref<1x128xi32, #tpu.memory_space<hbm>>
      %dma_start3A_278 = tpu.memref_squeeze %dma_start3A_277 : memref<1x128xi32, #tpu.memory_space<hbm>> -> memref<128xi32, #tpu.memory_space<hbm>>
      tpu.enqueue_dma source(%dma_start3A_278 : memref<128xi32, #tpu.memory_space<hbm>>) target(%arg9 : memref<128xi32, #tpu.memory_space<vmem>>) target_semaphore(%arg20 : memref<!tpu.dma_semaphore, #tpu.memory_space<semaphore_mem>>)
      %mul3A_279 = arith.constant 80 : i32
      %mul3A_280 = arith.muli %add3A, %mul3A_279 : i32
      %add3A_281 = arith.addi %mul3A_280, %min3A_269 : i32
      %dma_start3A_282 = arith.constant 0 : i32
      %dma_start3A_283 = tpu.memref_slice %arg4[%add3A_281, %dma_start3A_282] : memref<2560x128xi32, #tpu.memory_space<hbm>> -> memref<1x128xi32, #tpu.memory_space<hbm>>
      %dma_start3A_284 = tpu.memref_squeeze %dma_start3A_283 : memref<1x128xi32, #tpu.memory_space<hbm>> -> memref<128xi32, #tpu.memory_space<hbm>>
      %dma_start3A_285 = arith.constant 0 : i32
      %dma_start3A_286 = tpu.memref_slice %arg4[%add3A_281, %dma_start3A_285] : memref<2560x128xi32, #tpu.memory_space<hbm>> -> memref<1x128xi32, #tpu.memory_space<hbm>>
      %dma_start3A_287 = tpu.memref_squeeze %dma_start3A_286 : memref<1x128xi32, #tpu.memory_space<hbm>> -> memref<128xi32, #tpu.memory_space<hbm>>
      tpu.enqueue_dma source(%dma_start3A_287 : memref<128xi32, #tpu.memory_space<hbm>>) target(%arg13 : memref<128xi32, #tpu.memory_space<vmem>>) target_semaphore(%arg20 : memref<!tpu.dma_semaphore, #tpu.memory_space<semaphore_mem>>)
      %add3A_288 = arith.constant 2 : i32
      %add3A_289 = arith.addi %mul3A_174, %add3A_288 : i32
      %dma_wait3A_290 = arith.constant 0 : i32
      %dma_wait3A_291 = arith.constant 0 : i32
      %dma_wait3A_292 = tpu.memref_slice %arg2[%dma_wait3A_290, %dma_wait3A_291] : memref<10240x128xf32, #tpu.memory_space<hbm>> -> memref<10240x128xf32, #tpu.memory_space<hbm>>
      tpu.wait_indirect_dma semaphore(%arg21 : memref<!tpu.dma_semaphore, #tpu.memory_space<semaphore_mem>>) src(%dma_wait3A_292 : memref<10240x128xf32, #tpu.memory_space<hbm>>) dst(%arg14 : memref<128x128xf32, #tpu.memory_space<vmem>>)
      %dma_wait3A_293 = arith.constant 0 : i32
      %dma_wait3A_294 = arith.constant 0 : i32
      %dma_wait3A_295 = tpu.memref_slice %arg16[%dma_wait3A_293, %dma_wait3A_294] : memref<10240x128xf32, #tpu.memory_space<vmem_shared>> -> memref<10240x128xf32, #tpu.memory_space<vmem_shared>>
      tpu.wait_indirect_dma semaphore(%arg24 : memref<!tpu.dma_semaphore, #tpu.memory_space<semaphore_mem>>) src(%arg15 : memref<128x128xf32, #tpu.memory_space<vmem>>) dst(%dma_wait3A_295 : memref<10240x128xf32, #tpu.memory_space<vmem_shared>>)
      %add3A_296 = arith.constant 1 : i32
      %add3A_297 = arith.addi %add3A_289, %add3A_296 : i32
      %min3A_298 = arith.constant 79 : i32
      %min3A_299 = arith.minsi %add3A_297, %min3A_298 : i32
      %mul3A_300 = arith.constant 80 : i32
      %mul3A_301 = arith.muli %add3A, %mul3A_300 : i32
      %add3A_302 = arith.addi %mul3A_301, %min3A_299 : i32
      %dma_wait3A_303 = arith.constant 0 : i32
      %dma_wait3A_304 = tpu.memref_slice %arg3[%add3A_302, %dma_wait3A_303] : memref<2560x128xi32, #tpu.memory_space<hbm>> -> memref<1x128xi32, #tpu.memory_space<hbm>>
      %dma_wait3A_305 = tpu.memref_squeeze %dma_wait3A_304 : memref<1x128xi32, #tpu.memory_space<hbm>> -> memref<128xi32, #tpu.memory_space<hbm>>
      %dma_wait3A_306 = arith.constant 0 : i32
      %dma_wait3A_307 = tpu.memref_slice %arg3[%add3A_302, %dma_wait3A_306] : memref<2560x128xi32, #tpu.memory_space<hbm>> -> memref<1x128xi32, #tpu.memory_space<hbm>>
      %dma_wait3A_308 = tpu.memref_squeeze %dma_wait3A_307 : memref<1x128xi32, #tpu.memory_space<hbm>> -> memref<128xi32, #tpu.memory_space<hbm>>
      tpu.wait_dma2 semaphore(%arg20 : memref<!tpu.dma_semaphore, #tpu.memory_space<semaphore_mem>>) src(%dma_wait3A_308 : memref<128xi32, #tpu.memory_space<hbm>>) dst(%arg9 : memref<128xi32, #tpu.memory_space<vmem>>)
      %mul3A_309 = arith.constant 80 : i32
      %mul3A_310 = arith.muli %add3A, %mul3A_309 : i32
      %add3A_311 = arith.addi %mul3A_310, %min3A_299 : i32
      %dma_wait3A_312 = arith.constant 0 : i32
      %dma_wait3A_313 = tpu.memref_slice %arg4[%add3A_311, %dma_wait3A_312] : memref<2560x128xi32, #tpu.memory_space<hbm>> -> memref<1x128xi32, #tpu.memory_space<hbm>>
      %dma_wait3A_314 = tpu.memref_squeeze %dma_wait3A_313 : memref<1x128xi32, #tpu.memory_space<hbm>> -> memref<128xi32, #tpu.memory_space<hbm>>
      %dma_wait3A_315 = arith.constant 0 : i32
      %dma_wait3A_316 = tpu.memref_slice %arg4[%add3A_311, %dma_wait3A_315] : memref<2560x128xi32, #tpu.memory_space<hbm>> -> memref<1x128xi32, #tpu.memory_space<hbm>>
      %dma_wait3A_317 = tpu.memref_squeeze %dma_wait3A_316 : memref<1x128xi32, #tpu.memory_space<hbm>> -> memref<128xi32, #tpu.memory_space<hbm>>
      tpu.wait_dma2 semaphore(%arg20 : memref<!tpu.dma_semaphore, #tpu.memory_space<semaphore_mem>>) src(%dma_wait3A_317 : memref<128xi32, #tpu.memory_space<hbm>>) dst(%arg13 : memref<128xi32, #tpu.memory_space<vmem>>)
      %dma_start3A_318 = arith.constant 0 : i32
      %dma_start3A_319 = arith.constant 0 : i32
      %dma_start3A_320 = tpu.memref_slice %arg2[%dma_start3A_318, %dma_start3A_319] : memref<10240x128xf32, #tpu.memory_space<hbm>> -> memref<10240x128xf32, #tpu.memory_space<hbm>>
      tpu.enqueue_indirect_dma source(%dma_start3A_320 : memref<10240x128xf32, #tpu.memory_space<hbm>>) target(%arg15 : memref<128x128xf32, #tpu.memory_space<vmem>>) offsets(%arg9 : memref<128xi32, #tpu.memory_space<vmem>>) semaphore(%arg22 : memref<!tpu.dma_semaphore, #tpu.memory_space<semaphore_mem>>)
      %dma_start3A_321 = arith.constant 0 : i32
      %dma_start3A_322 = arith.constant 0 : i32
      %dma_start3A_323 = tpu.memref_slice %arg16[%dma_start3A_321, %dma_start3A_322] : memref<10240x128xf32, #tpu.memory_space<vmem_shared>> -> memref<10240x128xf32, #tpu.memory_space<vmem_shared>>
      tpu.enqueue_indirect_dma source(%arg14 : memref<128x128xf32, #tpu.memory_space<vmem>>) target(%dma_start3A_323 : memref<10240x128xf32, #tpu.memory_space<vmem_shared>>) offsets(%arg12 : memref<128xi32, #tpu.memory_space<vmem>>) semaphore(%arg23 : memref<!tpu.dma_semaphore, #tpu.memory_space<semaphore_mem>>) {add = true}
      %add3A_324 = arith.constant 2 : i32
      %add3A_325 = arith.addi %add3A_289, %add3A_324 : i32
      %min3A_326 = arith.constant 79 : i32
      %min3A_327 = arith.minsi %add3A_325, %min3A_326 : i32
      %mul3A_328 = arith.constant 80 : i32
      %mul3A_329 = arith.muli %add3A, %mul3A_328 : i32
      %add3A_330 = arith.addi %mul3A_329, %min3A_327 : i32
      %dma_start3A_331 = arith.constant 0 : i32
      %dma_start3A_332 = tpu.memref_slice %arg3[%add3A_330, %dma_start3A_331] : memref<2560x128xi32, #tpu.memory_space<hbm>> -> memref<1x128xi32, #tpu.memory_space<hbm>>
      %dma_start3A_333 = tpu.memref_squeeze %dma_start3A_332 : memref<1x128xi32, #tpu.memory_space<hbm>> -> memref<128xi32, #tpu.memory_space<hbm>>
      %dma_start3A_334 = arith.constant 0 : i32
      %dma_start3A_335 = tpu.memref_slice %arg3[%add3A_330, %dma_start3A_334] : memref<2560x128xi32, #tpu.memory_space<hbm>> -> memref<1x128xi32, #tpu.memory_space<hbm>>
      %dma_start3A_336 = tpu.memref_squeeze %dma_start3A_335 : memref<1x128xi32, #tpu.memory_space<hbm>> -> memref<128xi32, #tpu.memory_space<hbm>>
      tpu.enqueue_dma source(%dma_start3A_336 : memref<128xi32, #tpu.memory_space<hbm>>) target(%arg6 : memref<128xi32, #tpu.memory_space<vmem>>) target_semaphore(%arg17 : memref<!tpu.dma_semaphore, #tpu.memory_space<semaphore_mem>>)
      %mul3A_337 = arith.constant 80 : i32
      %mul3A_338 = arith.muli %add3A, %mul3A_337 : i32
      %add3A_339 = arith.addi %mul3A_338, %min3A_327 : i32
      %dma_start3A_340 = arith.constant 0 : i32
      %dma_start3A_341 = tpu.memref_slice %arg4[%add3A_339, %dma_start3A_340] : memref<2560x128xi32, #tpu.memory_space<hbm>> -> memref<1x128xi32, #tpu.memory_space<hbm>>
      %dma_start3A_342 = tpu.memref_squeeze %dma_start3A_341 : memref<1x128xi32, #tpu.memory_space<hbm>> -> memref<128xi32, #tpu.memory_space<hbm>>
      %dma_start3A_343 = arith.constant 0 : i32
      %dma_start3A_344 = tpu.memref_slice %arg4[%add3A_339, %dma_start3A_343] : memref<2560x128xi32, #tpu.memory_space<hbm>> -> memref<1x128xi32, #tpu.memory_space<hbm>>
      %dma_start3A_345 = tpu.memref_squeeze %dma_start3A_344 : memref<1x128xi32, #tpu.memory_space<hbm>> -> memref<128xi32, #tpu.memory_space<hbm>>
      tpu.enqueue_dma source(%dma_start3A_345 : memref<128xi32, #tpu.memory_space<hbm>>) target(%arg10 : memref<128xi32, #tpu.memory_space<vmem>>) target_semaphore(%arg17 : memref<!tpu.dma_semaphore, #tpu.memory_space<semaphore_mem>>)
      %add3A_346 = arith.constant 3 : i32
      %add3A_347 = arith.addi %mul3A_174, %add3A_346 : i32
      %dma_wait3A_348 = arith.constant 0 : i32
      %dma_wait3A_349 = arith.constant 0 : i32
      %dma_wait3A_350 = tpu.memref_slice %arg2[%dma_wait3A_348, %dma_wait3A_349] : memref<10240x128xf32, #tpu.memory_space<hbm>> -> memref<10240x128xf32, #tpu.memory_space<hbm>>
      tpu.wait_indirect_dma semaphore(%arg22 : memref<!tpu.dma_semaphore, #tpu.memory_space<semaphore_mem>>) src(%dma_wait3A_350 : memref<10240x128xf32, #tpu.memory_space<hbm>>) dst(%arg15 : memref<128x128xf32, #tpu.memory_space<vmem>>)
      %dma_wait3A_351 = arith.constant 0 : i32
      %dma_wait3A_352 = arith.constant 0 : i32
      %dma_wait3A_353 = tpu.memref_slice %arg16[%dma_wait3A_351, %dma_wait3A_352] : memref<10240x128xf32, #tpu.memory_space<vmem_shared>> -> memref<10240x128xf32, #tpu.memory_space<vmem_shared>>
      tpu.wait_indirect_dma semaphore(%arg23 : memref<!tpu.dma_semaphore, #tpu.memory_space<semaphore_mem>>) src(%arg14 : memref<128x128xf32, #tpu.memory_space<vmem>>) dst(%dma_wait3A_353 : memref<10240x128xf32, #tpu.memory_space<vmem_shared>>)
      %add3A_354 = arith.constant 1 : i32
      %add3A_355 = arith.addi %add3A_347, %add3A_354 : i32
      %min3A_356 = arith.constant 79 : i32
      %min3A_357 = arith.minsi %add3A_355, %min3A_356 : i32
      %mul3A_358 = arith.constant 80 : i32
      %mul3A_359 = arith.muli %add3A, %mul3A_358 : i32
      %add3A_360 = arith.addi %mul3A_359, %min3A_357 : i32
      %dma_wait3A_361 = arith.constant 0 : i32
      %dma_wait3A_362 = tpu.memref_slice %arg3[%add3A_360, %dma_wait3A_361] : memref<2560x128xi32, #tpu.memory_space<hbm>> -> memref<1x128xi32, #tpu.memory_space<hbm>>
      %dma_wait3A_363 = tpu.memref_squeeze %dma_wait3A_362 : memref<1x128xi32, #tpu.memory_space<hbm>> -> memref<128xi32, #tpu.memory_space<hbm>>
      %dma_wait3A_364 = arith.constant 0 : i32
      %dma_wait3A_365 = tpu.memref_slice %arg3[%add3A_360, %dma_wait3A_364] : memref<2560x128xi32, #tpu.memory_space<hbm>> -> memref<1x128xi32, #tpu.memory_space<hbm>>
      %dma_wait3A_366 = tpu.memref_squeeze %dma_wait3A_365 : memref<1x128xi32, #tpu.memory_space<hbm>> -> memref<128xi32, #tpu.memory_space<hbm>>
      tpu.wait_dma2 semaphore(%arg17 : memref<!tpu.dma_semaphore, #tpu.memory_space<semaphore_mem>>) src(%dma_wait3A_366 : memref<128xi32, #tpu.memory_space<hbm>>) dst(%arg6 : memref<128xi32, #tpu.memory_space<vmem>>)
      %mul3A_367 = arith.constant 80 : i32
      %mul3A_368 = arith.muli %add3A, %mul3A_367 : i32
      %add3A_369 = arith.addi %mul3A_368, %min3A_357 : i32
      %dma_wait3A_370 = arith.constant 0 : i32
      %dma_wait3A_371 = tpu.memref_slice %arg4[%add3A_369, %dma_wait3A_370] : memref<2560x128xi32, #tpu.memory_space<hbm>> -> memref<1x128xi32, #tpu.memory_space<hbm>>
      %dma_wait3A_372 = tpu.memref_squeeze %dma_wait3A_371 : memref<1x128xi32, #tpu.memory_space<hbm>> -> memref<128xi32, #tpu.memory_space<hbm>>
      %dma_wait3A_373 = arith.constant 0 : i32
      %dma_wait3A_374 = tpu.memref_slice %arg4[%add3A_369, %dma_wait3A_373] : memref<2560x128xi32, #tpu.memory_space<hbm>> -> memref<1x128xi32, #tpu.memory_space<hbm>>
      %dma_wait3A_375 = tpu.memref_squeeze %dma_wait3A_374 : memref<1x128xi32, #tpu.memory_space<hbm>> -> memref<128xi32, #tpu.memory_space<hbm>>
      tpu.wait_dma2 semaphore(%arg17 : memref<!tpu.dma_semaphore, #tpu.memory_space<semaphore_mem>>) src(%dma_wait3A_375 : memref<128xi32, #tpu.memory_space<hbm>>) dst(%arg10 : memref<128xi32, #tpu.memory_space<vmem>>)
      %dma_start3A_376 = arith.constant 0 : i32
      %dma_start3A_377 = arith.constant 0 : i32
      %dma_start3A_378 = tpu.memref_slice %arg2[%dma_start3A_376, %dma_start3A_377] : memref<10240x128xf32, #tpu.memory_space<hbm>> -> memref<10240x128xf32, #tpu.memory_space<hbm>>
      tpu.enqueue_indirect_dma source(%dma_start3A_378 : memref<10240x128xf32, #tpu.memory_space<hbm>>) target(%arg14 : memref<128x128xf32, #tpu.memory_space<vmem>>) offsets(%arg6 : memref<128xi32, #tpu.memory_space<vmem>>) semaphore(%arg21 : memref<!tpu.dma_semaphore, #tpu.memory_space<semaphore_mem>>)
      %dma_start3A_379 = arith.constant 0 : i32
      %dma_start3A_380 = arith.constant 0 : i32
      %dma_start3A_381 = tpu.memref_slice %arg16[%dma_start3A_379, %dma_start3A_380] : memref<10240x128xf32, #tpu.memory_space<vmem_shared>> -> memref<10240x128xf32, #tpu.memory_space<vmem_shared>>
      tpu.enqueue_indirect_dma source(%arg15 : memref<128x128xf32, #tpu.memory_space<vmem>>) target(%dma_start3A_381 : memref<10240x128xf32, #tpu.memory_space<vmem_shared>>) offsets(%arg13 : memref<128xi32, #tpu.memory_space<vmem>>) semaphore(%arg24 : memref<!tpu.dma_semaphore, #tpu.memory_space<semaphore_mem>>) {add = true}
      %add3A_382 = arith.constant 2 : i32
      %add3A_383 = arith.addi %add3A_347, %add3A_382 : i32
      %min3A_384 = arith.constant 79 : i32
      %min3A_385 = arith.minsi %add3A_383, %min3A_384 : i32
      %mul3A_386 = arith.constant 80 : i32
      %mul3A_387 = arith.muli %add3A, %mul3A_386 : i32
      %add3A_388 = arith.addi %mul3A_387, %min3A_385 : i32
      %dma_start3A_389 = arith.constant 0 : i32
      %dma_start3A_390 = tpu.memref_slice %arg3[%add3A_388, %dma_start3A_389] : memref<2560x128xi32, #tpu.memory_space<hbm>> -> memref<1x128xi32, #tpu.memory_space<hbm>>
      %dma_start3A_391 = tpu.memref_squeeze %dma_start3A_390 : memref<1x128xi32, #tpu.memory_space<hbm>> -> memref<128xi32, #tpu.memory_space<hbm>>
      %dma_start3A_392 = arith.constant 0 : i32
      %dma_start3A_393 = tpu.memref_slice %arg3[%add3A_388, %dma_start3A_392] : memref<2560x128xi32, #tpu.memory_space<hbm>> -> memref<1x128xi32, #tpu.memory_space<hbm>>
      %dma_start3A_394 = tpu.memref_squeeze %dma_start3A_393 : memref<1x128xi32, #tpu.memory_space<hbm>> -> memref<128xi32, #tpu.memory_space<hbm>>
      tpu.enqueue_dma source(%dma_start3A_394 : memref<128xi32, #tpu.memory_space<hbm>>) target(%arg7 : memref<128xi32, #tpu.memory_space<vmem>>) target_semaphore(%arg18 : memref<!tpu.dma_semaphore, #tpu.memory_space<semaphore_mem>>)
      %mul3A_395 = arith.constant 80 : i32
      %mul3A_396 = arith.muli %add3A, %mul3A_395 : i32
      %add3A_397 = arith.addi %mul3A_396, %min3A_385 : i32
      %dma_start3A_398 = arith.constant 0 : i32
      %dma_start3A_399 = tpu.memref_slice %arg4[%add3A_397, %dma_start3A_398] : memref<2560x128xi32, #tpu.memory_space<hbm>> -> memref<1x128xi32, #tpu.memory_space<hbm>>
      %dma_start3A_400 = tpu.memref_squeeze %dma_start3A_399 : memref<1x128xi32, #tpu.memory_space<hbm>> -> memref<128xi32, #tpu.memory_space<hbm>>
      %dma_start3A_401 = arith.constant 0 : i32
      %dma_start3A_402 = tpu.memref_slice %arg4[%add3A_397, %dma_start3A_401] : memref<2560x128xi32, #tpu.memory_space<hbm>> -> memref<1x128xi32, #tpu.memory_space<hbm>>
      %dma_start3A_403 = tpu.memref_squeeze %dma_start3A_402 : memref<1x128xi32, #tpu.memory_space<hbm>> -> memref<128xi32, #tpu.memory_space<hbm>>
      tpu.enqueue_dma source(%dma_start3A_403 : memref<128xi32, #tpu.memory_space<hbm>>) target(%arg11 : memref<128xi32, #tpu.memory_space<vmem>>) target_semaphore(%arg18 : memref<!tpu.dma_semaphore, #tpu.memory_space<semaphore_mem>>)
      %scan3A_404 = arith.constant 0 : i32
      scf.yield %scan3A_404 : i32
    }
    %scan3A_139 = arith.constant 20 : i32
    %dma_wait3A_140 = arith.constant 0 : i32
    %dma_wait3A_141 = arith.constant 0 : i32
    %dma_wait3A_142 = tpu.memref_slice %arg2[%dma_wait3A_140, %dma_wait3A_141] : memref<10240x128xf32, #tpu.memory_space<hbm>> -> memref<10240x128xf32, #tpu.memory_space<hbm>>
    tpu.wait_indirect_dma semaphore(%arg21 : memref<!tpu.dma_semaphore, #tpu.memory_space<semaphore_mem>>) src(%dma_wait3A_142 : memref<10240x128xf32, #tpu.memory_space<hbm>>) dst(%arg14 : memref<128x128xf32, #tpu.memory_space<vmem>>)
    %mul3A_143 = arith.constant 80 : i32
    %mul3A_144 = arith.muli %add3A, %mul3A_143 : i32
    %add3A_145 = arith.constant 79 : i32
    %add3A_146 = arith.addi %mul3A_144, %add3A_145 : i32
    %dma_wait3A_147 = arith.constant 0 : i32
    %dma_wait3A_148 = tpu.memref_slice %arg3[%add3A_146, %dma_wait3A_147] : memref<2560x128xi32, #tpu.memory_space<hbm>> -> memref<1x128xi32, #tpu.memory_space<hbm>>
    %dma_wait3A_149 = tpu.memref_squeeze %dma_wait3A_148 : memref<1x128xi32, #tpu.memory_space<hbm>> -> memref<128xi32, #tpu.memory_space<hbm>>
    %dma_wait3A_150 = arith.constant 0 : i32
    %dma_wait3A_151 = tpu.memref_slice %arg3[%add3A_146, %dma_wait3A_150] : memref<2560x128xi32, #tpu.memory_space<hbm>> -> memref<1x128xi32, #tpu.memory_space<hbm>>
    %dma_wait3A_152 = tpu.memref_squeeze %dma_wait3A_151 : memref<1x128xi32, #tpu.memory_space<hbm>> -> memref<128xi32, #tpu.memory_space<hbm>>
    tpu.wait_dma2 semaphore(%arg18 : memref<!tpu.dma_semaphore, #tpu.memory_space<semaphore_mem>>) src(%dma_wait3A_152 : memref<128xi32, #tpu.memory_space<hbm>>) dst(%arg7 : memref<128xi32, #tpu.memory_space<vmem>>)
    %mul3A_153 = arith.constant 80 : i32
    %mul3A_154 = arith.muli %add3A, %mul3A_153 : i32
    %add3A_155 = arith.constant 79 : i32
    %add3A_156 = arith.addi %mul3A_154, %add3A_155 : i32
    %dma_wait3A_157 = arith.constant 0 : i32
    %dma_wait3A_158 = tpu.memref_slice %arg4[%add3A_156, %dma_wait3A_157] : memref<2560x128xi32, #tpu.memory_space<hbm>> -> memref<1x128xi32, #tpu.memory_space<hbm>>
    %dma_wait3A_159 = tpu.memref_squeeze %dma_wait3A_158 : memref<1x128xi32, #tpu.memory_space<hbm>> -> memref<128xi32, #tpu.memory_space<hbm>>
    %dma_wait3A_160 = arith.constant 0 : i32
    %dma_wait3A_161 = tpu.memref_slice %arg4[%add3A_156, %dma_wait3A_160] : memref<2560x128xi32, #tpu.memory_space<hbm>> -> memref<1x128xi32, #tpu.memory_space<hbm>>
    %dma_wait3A_162 = tpu.memref_squeeze %dma_wait3A_161 : memref<1x128xi32, #tpu.memory_space<hbm>> -> memref<128xi32, #tpu.memory_space<hbm>>
    tpu.wait_dma2 semaphore(%arg18 : memref<!tpu.dma_semaphore, #tpu.memory_space<semaphore_mem>>) src(%dma_wait3A_162 : memref<128xi32, #tpu.memory_space<hbm>>) dst(%arg11 : memref<128xi32, #tpu.memory_space<vmem>>)
    %dma_wait3A_163 = arith.constant 0 : i32
    %dma_wait3A_164 = arith.constant 0 : i32
    %dma_wait3A_165 = tpu.memref_slice %arg16[%dma_wait3A_163, %dma_wait3A_164] : memref<10240x128xf32, #tpu.memory_space<vmem_shared>> -> memref<10240x128xf32, #tpu.memory_space<vmem_shared>>
    tpu.wait_indirect_dma semaphore(%arg24 : memref<!tpu.dma_semaphore, #tpu.memory_space<semaphore_mem>>) src(%arg15 : memref<128x128xf32, #tpu.memory_space<vmem>>) dst(%dma_wait3A_165 : memref<10240x128xf32, #tpu.memory_space<vmem_shared>>)
    %barrier3A_166 = arith.constant 0 : index
    tpu.barrier barrier_id(%barrier3A_166)
    %mul3A_167 = arith.constant 640 : i32
    %mul3A_168 = arith.muli %arg1, %mul3A_167 : i32
    %mul3A_169 = arith.constant 640 : i32
    %mul3A_170 = arith.muli %arg1, %mul3A_169 : i32
    "tpu.region"() ({
      %run_scoped3A = tpu.sem_alloc : memref<!tpu.dma_semaphore, #tpu.memory_space<semaphore_mem>>
      %dma_start3A_171 = arith.constant 0 : i32
      %dma_start3A_172 = tpu.memref_slice %arg5[%arg0, %mul3A_170, %dma_start3A_171] : memref<2x10240x128xf32, #tpu.memory_space<hbm>> -> memref<1x640x128xf32, #tpu.memory_space<hbm>>
      %dma_start3A_173 = tpu.memref_squeeze %dma_start3A_172 : memref<1x640x128xf32, #tpu.memory_space<hbm>> -> memref<640x128xf32, #tpu.memory_space<hbm>>
      %dma_start3A_174 = arith.constant 0 : i32
      %dma_start3A_175 = tpu.memref_slice %arg16[%mul3A_168, %dma_start3A_174] : memref<10240x128xf32, #tpu.memory_space<vmem_shared>> -> memref<640x128xf32, #tpu.memory_space<vmem_shared>>
      tpu.enqueue_dma source(%dma_start3A_175 : memref<640x128xf32, #tpu.memory_space<vmem_shared>>) target(%dma_start3A_173 : memref<640x128xf32, #tpu.memory_space<hbm>>) target_semaphore(%run_scoped3A : memref<!tpu.dma_semaphore, #tpu.memory_space<semaphore_mem>>)
      %dma_wait3A_176 = arith.constant 0 : i32
      %dma_wait3A_177 = tpu.memref_slice %arg5[%arg0, %mul3A_170, %dma_wait3A_176] : memref<2x10240x128xf32, #tpu.memory_space<hbm>> -> memref<1x640x128xf32, #tpu.memory_space<hbm>>
      %dma_wait3A_178 = tpu.memref_squeeze %dma_wait3A_177 : memref<1x640x128xf32, #tpu.memory_space<hbm>> -> memref<640x128xf32, #tpu.memory_space<hbm>>
      %dma_wait3A_179 = arith.constant 0 : i32
      %dma_wait3A_180 = tpu.memref_slice %arg16[%mul3A_168, %dma_wait3A_179] : memref<10240x128xf32, #tpu.memory_space<vmem_shared>> -> memref<640x128xf32, #tpu.memory_space<vmem_shared>>
      tpu.wait_dma2 semaphore(%run_scoped3A : memref<!tpu.dma_semaphore, #tpu.memory_space<semaphore_mem>>) src(%dma_wait3A_180 : memref<640x128xf32, #tpu.memory_space<vmem_shared>>) dst(%dma_wait3A_178 : memref<640x128xf32, #tpu.memory_space<hbm>>)
      tpu.yield
    }) : () -> ()
    return
  }
}

#map = affine_map<(d0, d1) -> (0, 0)>
#map1 = affine_map<(d0, d1) -> (0, 0, 0)>
module attributes {stable_mosaic.version = 14 : i64} {
  func.func @sc_agg(%arg0: i32, %arg1: i32, %arg2: memref<10240x128xf32, #tpu.memory_space<hbm>>, %arg3: memref<2560x128xi32, #tpu.memory_space<hbm>>, %arg4: memref<2560x128xi32, #tpu.memory_space<hbm>>, %arg5: memref<2x10240x128xf32, #tpu.memory_space<hbm>>, %arg6: memref<128xi32, #tpu.memory_space<vmem>>, %arg7: memref<128xi32, #tpu.memory_space<vmem>>, %arg8: memref<128xi32, #tpu.memory_space<vmem>>, %arg9: memref<128xi32, #tpu.memory_space<vmem>>, %arg10: memref<128xi32, #tpu.memory_space<vmem>>, %arg11: memref<128xi32, #tpu.memory_space<vmem>>, %arg12: memref<128xi32, #tpu.memory_space<vmem>>, %arg13: memref<128xi32, #tpu.memory_space<vmem>>, %arg14: memref<128x128xf32, #tpu.memory_space<vmem>>, %arg15: memref<128x128xf32, #tpu.memory_space<vmem>>, %arg16: memref<10240x128xf32, #tpu.memory_space<vmem_shared>>, %arg17: memref<!tpu.dma_semaphore, #tpu.memory_space<semaphore_mem>>, %arg18: memref<!tpu.dma_semaphore, #tpu.memory_space<semaphore_mem>>, %arg19: memref<!tpu.dma_semaphore, #tpu.memory_space<semaphore_mem>>, %arg20: memref<!tpu.dma_semaphore, #tpu.memory_space<semaphore_mem>>, %arg21: memref<!tpu.dma_semaphore, #tpu.memory_space<semaphore_mem>>, %arg22: memref<!tpu.dma_semaphore, #tpu.memory_space<semaphore_mem>>, %arg23: memref<!tpu.dma_semaphore, #tpu.memory_space<semaphore_mem>>, %arg24: memref<!tpu.dma_semaphore, #tpu.memory_space<semaphore_mem>>) attributes {dimension_semantics = [#tpu.dimension_semantics<core_parallel>, #tpu.dimension_semantics<subcore_parallel>], iteration_bounds = array<i64: 2, 16>, scalar_prefetch = 0 : i64, scratch_operands = 19 : i64, tpu.core_type = #tpu.core_type<sc_vector_subcore>, window_params = [{transform_indices = #map}, {transform_indices = #map}, {transform_indices = #map}, {transform_indices = #map1}]} {
    %mul3A = arith.constant 2 : i32
    %mul3A_0 = arith.muli %arg1, %mul3A : i32
    %add3A = arith.addi %mul3A_0, %arg0 : i32
    %scan3A = arith.constant 0 : i32
    %scan3A_1 = arith.constant 0 : i32
    %scan3A_2 = arith.constant 1024 : i32
    %scan3A_3 = arith.addi %scan3A_1, %scan3A_2 : i32
    %scan3A_4 = arith.constant 1 : i32
    %scan3A_5 = scf.for %scan3A_171 = %scan3A_1 to %scan3A_3 step %scan3A_4 iter_args(%scan3A_172 = %scan3A) -> (i32)  : i32 {
      %broadcast_in_dim3A = arith.constant 0.000000e+00 : f32
      %broadcast_in_dim3A_173 = vector.broadcast %broadcast_in_dim3A : f32 to vector<16xf32>
      %jit3A = arith.constant 8 : i32
      %div3A = arith.divsi %scan3A_171, %jit3A : i32
      %sign3A = arith.constant 0 : i32
      %sign3A_174 = arith.cmpi sgt, %scan3A_171, %sign3A : i32
      %sign3A_175 = arith.extui %sign3A_174 : i1 to i32
      %sign3A_176 = arith.constant 0 : i32
      %sign3A_177 = arith.cmpi slt, %scan3A_171, %sign3A_176 : i32
      %sign3A_178 = arith.extui %sign3A_177 : i1 to i32
      %sign3A_179 = arith.subi %sign3A_175, %sign3A_178 : i32
      %sign3A_180 = arith.constant 0 : i32
      %sign3A_181 = arith.cmpi sgt, %jit3A, %sign3A_180 : i32
      %sign3A_182 = arith.extui %sign3A_181 : i1 to i32
      %sign3A_183 = arith.constant 0 : i32
      %sign3A_184 = arith.cmpi slt, %jit3A, %sign3A_183 : i32
      %sign3A_185 = arith.extui %sign3A_184 : i1 to i32
      %sign3A_186 = arith.subi %sign3A_182, %sign3A_185 : i32
      %ne3A = arith.cmpi ne, %sign3A_179, %sign3A_186 : i32
      %rem3A = arith.remsi %scan3A_171, %jit3A : i32
      %ne3A_187 = arith.constant 0 : i32
      %ne3A_188 = arith.cmpi ne, %rem3A, %ne3A_187 : i32
      %and3A = arith.andi %ne3A, %ne3A_188 : i1
      %sub3A = arith.constant 1 : i32
      %sub3A_189 = arith.subi %div3A, %sub3A : i32
      %select_n3A = arith.select %and3A, %sub3A_189, %div3A : i32
      %jit3A_190 = arith.constant 8 : i32
      %eq3A = arith.constant 0 : i32
      %eq3A_191 = arith.cmpi eq, %jit3A_190, %eq3A : i32
      %jit3A_192 = arith.constant 1 : i32
      %select_n3A_193 = arith.select %eq3A_191, %jit3A_192, %jit3A_190 : i32
      %rem3A_194 = arith.remsi %scan3A_171, %select_n3A_193 : i32
      %ne3A_195 = arith.constant 0 : i32
      %ne3A_196 = arith.cmpi ne, %rem3A_194, %ne3A_195 : i32
      %lt3A = arith.constant 0 : i32
      %lt3A_197 = arith.cmpi slt, %rem3A_194, %lt3A : i32
      %lt3A_198 = arith.constant 0 : i32
      %lt3A_199 = arith.cmpi slt, %select_n3A_193, %lt3A_198 : i32
      %ne3A_200 = arith.xori %lt3A_197, %lt3A_199 : i1
      %and3A_201 = arith.andi %ne3A_200, %ne3A_196 : i1
      %add3A_202 = arith.addi %rem3A_194, %select_n3A_193 : i32
      %select_n3A_203 = arith.select %and3A_201, %add3A_202, %rem3A_194 : i32
      %mul3A_204 = arith.constant 16 : i32
      %mul3A_205 = arith.muli %select_n3A_203, %mul3A_204 : i32
      %swap3A_206 = arith.index_cast %select_n3A : i32 to index
      %swap3A_207 = arith.index_cast %mul3A_205 : i32 to index
      %swap3A_208 = tpu.vector_load %arg14[%swap3A_206, %swap3A_207] {strides = array<i32>} : memref<128x128xf32, #tpu.memory_space<vmem>>, vector<1x16xf32>,
      %swap3A_209 = vector.shape_cast %swap3A_208 : vector<1x16xf32> to vector<16xf32>
      %swap3A_210 = vector.shape_cast %broadcast_in_dim3A_173 : vector<16xf32> to vector<1x16xf32>
      tpu.vector_store %arg14[%swap3A_206, %swap3A_207], %swap3A_210 {strides = array<i32>} : memref<128x128xf32, #tpu.memory_space<vmem>>, vector<1x16xf32>,
      %scan3A_211 = arith.constant 0 : i32
      scf.yield %scan3A_211 : i32
    }
    %scan3A_6 = arith.constant 1024 : i32
    %scan3A_7 = arith.constant 0 : i32
    %scan3A_8 = arith.constant 0 : i32
    %scan3A_9 = arith.constant 5 : i32
    %scan3A_10 = arith.addi %scan3A_8, %scan3A_9 : i32
    %scan3A_11 = arith.constant 1 : i32
    %scan3A_12 = scf.for %scan3A_171 = %scan3A_8 to %scan3A_10 step %scan3A_11 iter_args(%scan3A_172 = %scan3A_7) -> (i32)  : i32 {
      %mul3A_173 = arith.constant 640 : i32
      %mul3A_174 = arith.muli %arg1, %mul3A_173 : i32
      %mul3A_175 = arith.constant 128 : i32
      %mul3A_176 = arith.muli %scan3A_171, %mul3A_175 : i32
      %add3A_177 = arith.addi %mul3A_174, %mul3A_176 : i32
      "tpu.region"() ({
        %run_scoped3A = tpu.sem_alloc : memref<!tpu.dma_semaphore, #tpu.memory_space<semaphore_mem>>
        %dma_start3A_179 = arith.constant 0 : i32
        %dma_start3A_180 = tpu.memref_slice %arg16[%add3A_177, %dma_start3A_179] : memref<10240x128xf32, #tpu.memory_space<vmem_shared>> -> memref<128x128xf32, #tpu.memory_space<vmem_shared>>
        %dma_start3A_181 = arith.constant 0 : i32
        %dma_start3A_182 = tpu.memref_slice %arg16[%add3A_177, %dma_start3A_181] : memref<10240x128xf32, #tpu.memory_space<vmem_shared>> -> memref<128x128xf32, #tpu.memory_space<vmem_shared>>
        tpu.enqueue_dma source(%arg14 : memref<128x128xf32, #tpu.memory_space<vmem>>) target(%dma_start3A_182 : memref<128x128xf32, #tpu.memory_space<vmem_shared>>) target_semaphore(%run_scoped3A : memref<!tpu.dma_semaphore, #tpu.memory_space<semaphore_mem>>)
        %dma_wait3A_183 = arith.constant 0 : i32
        %dma_wait3A_184 = tpu.memref_slice %arg16[%add3A_177, %dma_wait3A_183] : memref<10240x128xf32, #tpu.memory_space<vmem_shared>> -> memref<128x128xf32, #tpu.memory_space<vmem_shared>>
        %dma_wait3A_185 = arith.constant 0 : i32
        %dma_wait3A_186 = tpu.memref_slice %arg16[%add3A_177, %dma_wait3A_185] : memref<10240x128xf32, #tpu.memory_space<vmem_shared>> -> memref<128x128xf32, #tpu.memory_space<vmem_shared>>
        tpu.wait_dma2 semaphore(%run_scoped3A : memref<!tpu.dma_semaphore, #tpu.memory_space<semaphore_mem>>) src(%arg14 : memref<128x128xf32, #tpu.memory_space<vmem>>) dst(%dma_wait3A_186 : memref<128x128xf32, #tpu.memory_space<vmem_shared>>)
        tpu.yield
      }) : () -> ()
      %scan3A_178 = arith.constant 0 : i32
      scf.yield %scan3A_178 : i32
    }
    %scan3A_13 = arith.constant 5 : i32
    %barrier3A = arith.constant 0 : index
    tpu.barrier barrier_id(%barrier3A)
    %mul3A_14 = arith.constant 80 : i32
    %mul3A_15 = arith.muli %add3A, %mul3A_14 : i32
    %add3A_16 = arith.constant 0 : i32
    %add3A_17 = arith.addi %mul3A_15, %add3A_16 : i32
    %dma_start3A = arith.constant 0 : i32
    %dma_start3A_18 = tpu.memref_slice %arg3[%add3A_17, %dma_start3A] : memref<2560x128xi32, #tpu.memory_space<hbm>> -> memref<1x128xi32, #tpu.memory_space<hbm>>
    %dma_start3A_19 = tpu.memref_squeeze %dma_start3A_18 : memref<1x128xi32, #tpu.memory_space<hbm>> -> memref<128xi32, #tpu.memory_space<hbm>>
    %dma_start3A_20 = arith.constant 0 : i32
    %dma_start3A_21 = tpu.memref_slice %arg3[%add3A_17, %dma_start3A_20] : memref<2560x128xi32, #tpu.memory_space<hbm>> -> memref<1x128xi32, #tpu.memory_space<hbm>>
    %dma_start3A_22 = tpu.memref_squeeze %dma_start3A_21 : memref<1x128xi32, #tpu.memory_space<hbm>> -> memref<128xi32, #tpu.memory_space<hbm>>
    tpu.enqueue_dma source(%dma_start3A_22 : memref<128xi32, #tpu.memory_space<hbm>>) target(%arg6 : memref<128xi32, #tpu.memory_space<vmem>>) target_semaphore(%arg17 : memref<!tpu.dma_semaphore, #tpu.memory_space<semaphore_mem>>)
    %mul3A_23 = arith.constant 80 : i32
    %mul3A_24 = arith.muli %add3A, %mul3A_23 : i32
    %add3A_25 = arith.constant 0 : i32
    %add3A_26 = arith.addi %mul3A_24, %add3A_25 : i32
    %dma_start3A_27 = arith.constant 0 : i32
    %dma_start3A_28 = tpu.memref_slice %arg4[%add3A_26, %dma_start3A_27] : memref<2560x128xi32, #tpu.memory_space<hbm>> -> memref<1x128xi32, #tpu.memory_space<hbm>>
    %dma_start3A_29 = tpu.memref_squeeze %dma_start3A_28 : memref<1x128xi32, #tpu.memory_space<hbm>> -> memref<128xi32, #tpu.memory_space<hbm>>
    %dma_start3A_30 = arith.constant 0 : i32
    %dma_start3A_31 = tpu.memref_slice %arg4[%add3A_26, %dma_start3A_30] : memref<2560x128xi32, #tpu.memory_space<hbm>> -> memref<1x128xi32, #tpu.memory_space<hbm>>
    %dma_start3A_32 = tpu.memref_squeeze %dma_start3A_31 : memref<1x128xi32, #tpu.memory_space<hbm>> -> memref<128xi32, #tpu.memory_space<hbm>>
    tpu.enqueue_dma source(%dma_start3A_32 : memref<128xi32, #tpu.memory_space<hbm>>) target(%arg10 : memref<128xi32, #tpu.memory_space<vmem>>) target_semaphore(%arg17 : memref<!tpu.dma_semaphore, #tpu.memory_space<semaphore_mem>>)
    %mul3A_33 = arith.constant 80 : i32
    %mul3A_34 = arith.muli %add3A, %mul3A_33 : i32
    %add3A_35 = arith.constant 1 : i32
    %add3A_36 = arith.addi %mul3A_34, %add3A_35 : i32
    %dma_start3A_37 = arith.constant 0 : i32
    %dma_start3A_38 = tpu.memref_slice %arg3[%add3A_36, %dma_start3A_37] : memref<2560x128xi32, #tpu.memory_space<hbm>> -> memref<1x128xi32, #tpu.memory_space<hbm>>
    %dma_start3A_39 = tpu.memref_squeeze %dma_start3A_38 : memref<1x128xi32, #tpu.memory_space<hbm>> -> memref<128xi32, #tpu.memory_space<hbm>>
    %dma_start3A_40 = arith.constant 0 : i32
    %dma_start3A_41 = tpu.memref_slice %arg3[%add3A_36, %dma_start3A_40] : memref<2560x128xi32, #tpu.memory_space<hbm>> -> memref<1x128xi32, #tpu.memory_space<hbm>>
    %dma_start3A_42 = tpu.memref_squeeze %dma_start3A_41 : memref<1x128xi32, #tpu.memory_space<hbm>> -> memref<128xi32, #tpu.memory_space<hbm>>
    tpu.enqueue_dma source(%dma_start3A_42 : memref<128xi32, #tpu.memory_space<hbm>>) target(%arg7 : memref<128xi32, #tpu.memory_space<vmem>>) target_semaphore(%arg18 : memref<!tpu.dma_semaphore, #tpu.memory_space<semaphore_mem>>)
    %mul3A_43 = arith.constant 80 : i32
    %mul3A_44 = arith.muli %add3A, %mul3A_43 : i32
    %add3A_45 = arith.constant 1 : i32
    %add3A_46 = arith.addi %mul3A_44, %add3A_45 : i32
    %dma_start3A_47 = arith.constant 0 : i32
    %dma_start3A_48 = tpu.memref_slice %arg4[%add3A_46, %dma_start3A_47] : memref<2560x128xi32, #tpu.memory_space<hbm>> -> memref<1x128xi32, #tpu.memory_space<hbm>>
    %dma_start3A_49 = tpu.memref_squeeze %dma_start3A_48 : memref<1x128xi32, #tpu.memory_space<hbm>> -> memref<128xi32, #tpu.memory_space<hbm>>
    %dma_start3A_50 = arith.constant 0 : i32
    %dma_start3A_51 = tpu.memref_slice %arg4[%add3A_46, %dma_start3A_50] : memref<2560x128xi32, #tpu.memory_space<hbm>> -> memref<1x128xi32, #tpu.memory_space<hbm>>
    %dma_start3A_52 = tpu.memref_squeeze %dma_start3A_51 : memref<1x128xi32, #tpu.memory_space<hbm>> -> memref<128xi32, #tpu.memory_space<hbm>>
    tpu.enqueue_dma source(%dma_start3A_52 : memref<128xi32, #tpu.memory_space<hbm>>) target(%arg11 : memref<128xi32, #tpu.memory_space<vmem>>) target_semaphore(%arg18 : memref<!tpu.dma_semaphore, #tpu.memory_space<semaphore_mem>>)
    %iota3A = tpu.iota {dimensions = array<i32: 0>} : vector<16xi32>
    %add3A_53 = arith.constant 10016 : i32
    %add3A_54 = vector.broadcast %add3A_53 : i32 to vector<16xi32>
    %add3A_55 = arith.addi %add3A_54, %iota3A : vector<16xi32>
    %swap3A = arith.constant 0 : index
    %swap3A_56 = tpu.vector_load %arg13[%swap3A] {strides = array<i32>} : memref<128xi32, #tpu.memory_space<vmem>>, vector<16xi32>,
    %swap3A_57 = vector.shape_cast %swap3A_56 : vector<16xi32> to vector<16xi32>
    %swap3A_58 = vector.shape_cast %add3A_55 : vector<16xi32> to vector<16xi32>
    tpu.vector_store %arg13[%swap3A], %swap3A_58 {strides = array<i32>} : memref<128xi32, #tpu.memory_space<vmem>>, vector<16xi32>,
    %add3A_59 = arith.constant 10032 : i32
    %add3A_60 = vector.broadcast %add3A_59 : i32 to vector<16xi32>
    %add3A_61 = arith.addi %add3A_60, %iota3A : vector<16xi32>
    %swap3A_62 = arith.constant 16 : index
    %swap3A_63 = tpu.vector_load %arg13[%swap3A_62] {strides = array<i32>} : memref<128xi32, #tpu.memory_space<vmem>>, vector<16xi32>,
    %swap3A_64 = vector.shape_cast %swap3A_63 : vector<16xi32> to vector<16xi32>
    %swap3A_65 = vector.shape_cast %add3A_61 : vector<16xi32> to vector<16xi32>
    tpu.vector_store %arg13[%swap3A_62], %swap3A_65 {strides = array<i32>} : memref<128xi32, #tpu.memory_space<vmem>>, vector<16xi32>,
    %add3A_66 = arith.constant 10048 : i32
    %add3A_67 = vector.broadcast %add3A_66 : i32 to vector<16xi32>
    %add3A_68 = arith.addi %add3A_67, %iota3A : vector<16xi32>
    %swap3A_69 = arith.constant 32 : index
    %swap3A_70 = tpu.vector_load %arg13[%swap3A_69] {strides = array<i32>} : memref<128xi32, #tpu.memory_space<vmem>>, vector<16xi32>,
    %swap3A_71 = vector.shape_cast %swap3A_70 : vector<16xi32> to vector<16xi32>
    %swap3A_72 = vector.shape_cast %add3A_68 : vector<16xi32> to vector<16xi32>
    tpu.vector_store %arg13[%swap3A_69], %swap3A_72 {strides = array<i32>} : memref<128xi32, #tpu.memory_space<vmem>>, vector<16xi32>,
    %add3A_73 = arith.constant 10064 : i32
    %add3A_74 = vector.broadcast %add3A_73 : i32 to vector<16xi32>
    %add3A_75 = arith.addi %add3A_74, %iota3A : vector<16xi32>
    %swap3A_76 = arith.constant 48 : index
    %swap3A_77 = tpu.vector_load %arg13[%swap3A_76] {strides = array<i32>} : memref<128xi32, #tpu.memory_space<vmem>>, vector<16xi32>,
    %swap3A_78 = vector.shape_cast %swap3A_77 : vector<16xi32> to vector<16xi32>
    %swap3A_79 = vector.shape_cast %add3A_75 : vector<16xi32> to vector<16xi32>
    tpu.vector_store %arg13[%swap3A_76], %swap3A_79 {strides = array<i32>} : memref<128xi32, #tpu.memory_space<vmem>>, vector<16xi32>,
    %add3A_80 = arith.constant 10080 : i32
    %add3A_81 = vector.broadcast %add3A_80 : i32 to vector<16xi32>
    %add3A_82 = arith.addi %add3A_81, %iota3A : vector<16xi32>
    %swap3A_83 = arith.constant 64 : index
    %swap3A_84 = tpu.vector_load %arg13[%swap3A_83] {strides = array<i32>} : memref<128xi32, #tpu.memory_space<vmem>>, vector<16xi32>,
    %swap3A_85 = vector.shape_cast %swap3A_84 : vector<16xi32> to vector<16xi32>
    %swap3A_86 = vector.shape_cast %add3A_82 : vector<16xi32> to vector<16xi32>
    tpu.vector_store %arg13[%swap3A_83], %swap3A_86 {strides = array<i32>} : memref<128xi32, #tpu.memory_space<vmem>>, vector<16xi32>,
    %add3A_87 = arith.constant 10096 : i32
    %add3A_88 = vector.broadcast %add3A_87 : i32 to vector<16xi32>
    %add3A_89 = arith.addi %add3A_88, %iota3A : vector<16xi32>
    %swap3A_90 = arith.constant 80 : index
    %swap3A_91 = tpu.vector_load %arg13[%swap3A_90] {strides = array<i32>} : memref<128xi32, #tpu.memory_space<vmem>>, vector<16xi32>,
    %swap3A_92 = vector.shape_cast %swap3A_91 : vector<16xi32> to vector<16xi32>
    %swap3A_93 = vector.shape_cast %add3A_89 : vector<16xi32> to vector<16xi32>
    tpu.vector_store %arg13[%swap3A_90], %swap3A_93 {strides = array<i32>} : memref<128xi32, #tpu.memory_space<vmem>>, vector<16xi32>,
    %add3A_94 = arith.constant 10112 : i32
    %add3A_95 = vector.broadcast %add3A_94 : i32 to vector<16xi32>
    %add3A_96 = arith.addi %add3A_95, %iota3A : vector<16xi32>
    %swap3A_97 = arith.constant 96 : index
    %swap3A_98 = tpu.vector_load %arg13[%swap3A_97] {strides = array<i32>} : memref<128xi32, #tpu.memory_space<vmem>>, vector<16xi32>,
    %swap3A_99 = vector.shape_cast %swap3A_98 : vector<16xi32> to vector<16xi32>
    %swap3A_100 = vector.shape_cast %add3A_96 : vector<16xi32> to vector<16xi32>
    tpu.vector_store %arg13[%swap3A_97], %swap3A_100 {strides = array<i32>} : memref<128xi32, #tpu.memory_space<vmem>>, vector<16xi32>,
    %add3A_101 = arith.constant 10128 : i32
    %add3A_102 = vector.broadcast %add3A_101 : i32 to vector<16xi32>
    %add3A_103 = arith.addi %add3A_102, %iota3A : vector<16xi32>
    %swap3A_104 = arith.constant 112 : index
    %swap3A_105 = tpu.vector_load %arg13[%swap3A_104] {strides = array<i32>} : memref<128xi32, #tpu.memory_space<vmem>>, vector<16xi32>,
    %swap3A_106 = vector.shape_cast %swap3A_105 : vector<16xi32> to vector<16xi32>
    %swap3A_107 = vector.shape_cast %add3A_103 : vector<16xi32> to vector<16xi32>
    tpu.vector_store %arg13[%swap3A_104], %swap3A_107 {strides = array<i32>} : memref<128xi32, #tpu.memory_space<vmem>>, vector<16xi32>,
    %mul3A_108 = arith.constant 80 : i32
    %mul3A_109 = arith.muli %add3A, %mul3A_108 : i32
    %add3A_110 = arith.constant 0 : i32
    %add3A_111 = arith.addi %mul3A_109, %add3A_110 : i32
    %dma_wait3A = arith.constant 0 : i32
    %dma_wait3A_112 = tpu.memref_slice %arg3[%add3A_111, %dma_wait3A] : memref<2560x128xi32, #tpu.memory_space<hbm>> -> memref<1x128xi32, #tpu.memory_space<hbm>>
    %dma_wait3A_113 = tpu.memref_squeeze %dma_wait3A_112 : memref<1x128xi32, #tpu.memory_space<hbm>> -> memref<128xi32, #tpu.memory_space<hbm>>
    %dma_wait3A_114 = arith.constant 0 : i32
    %dma_wait3A_115 = tpu.memref_slice %arg3[%add3A_111, %dma_wait3A_114] : memref<2560x128xi32, #tpu.memory_space<hbm>> -> memref<1x128xi32, #tpu.memory_space<hbm>>
    %dma_wait3A_116 = tpu.memref_squeeze %dma_wait3A_115 : memref<1x128xi32, #tpu.memory_space<hbm>> -> memref<128xi32, #tpu.memory_space<hbm>>
    tpu.wait_dma2 semaphore(%arg17 : memref<!tpu.dma_semaphore, #tpu.memory_space<semaphore_mem>>) src(%dma_wait3A_116 : memref<128xi32, #tpu.memory_space<hbm>>) dst(%arg6 : memref<128xi32, #tpu.memory_space<vmem>>)
    %mul3A_117 = arith.constant 80 : i32
    %mul3A_118 = arith.muli %add3A, %mul3A_117 : i32
    %add3A_119 = arith.constant 0 : i32
    %add3A_120 = arith.addi %mul3A_118, %add3A_119 : i32
    %dma_wait3A_121 = arith.constant 0 : i32
    %dma_wait3A_122 = tpu.memref_slice %arg4[%add3A_120, %dma_wait3A_121] : memref<2560x128xi32, #tpu.memory_space<hbm>> -> memref<1x128xi32, #tpu.memory_space<hbm>>
    %dma_wait3A_123 = tpu.memref_squeeze %dma_wait3A_122 : memref<1x128xi32, #tpu.memory_space<hbm>> -> memref<128xi32, #tpu.memory_space<hbm>>
    %dma_wait3A_124 = arith.constant 0 : i32
    %dma_wait3A_125 = tpu.memref_slice %arg4[%add3A_120, %dma_wait3A_124] : memref<2560x128xi32, #tpu.memory_space<hbm>> -> memref<1x128xi32, #tpu.memory_space<hbm>>
    %dma_wait3A_126 = tpu.memref_squeeze %dma_wait3A_125 : memref<1x128xi32, #tpu.memory_space<hbm>> -> memref<128xi32, #tpu.memory_space<hbm>>
    tpu.wait_dma2 semaphore(%arg17 : memref<!tpu.dma_semaphore, #tpu.memory_space<semaphore_mem>>) src(%dma_wait3A_126 : memref<128xi32, #tpu.memory_space<hbm>>) dst(%arg10 : memref<128xi32, #tpu.memory_space<vmem>>)
    %dma_start3A_127 = arith.constant 0 : i32
    %dma_start3A_128 = arith.constant 0 : i32
    %dma_start3A_129 = tpu.memref_slice %arg2[%dma_start3A_127, %dma_start3A_128] : memref<10240x128xf32, #tpu.memory_space<hbm>> -> memref<10240x128xf32, #tpu.memory_space<hbm>>
    tpu.enqueue_indirect_dma source(%dma_start3A_129 : memref<10240x128xf32, #tpu.memory_space<hbm>>) target(%arg14 : memref<128x128xf32, #tpu.memory_space<vmem>>) offsets(%arg6 : memref<128xi32, #tpu.memory_space<vmem>>) semaphore(%arg21 : memref<!tpu.dma_semaphore, #tpu.memory_space<semaphore_mem>>)
    %dma_start3A_130 = arith.constant 0 : i32
    %dma_start3A_131 = arith.constant 0 : i32
    %dma_start3A_132 = tpu.memref_slice %arg16[%dma_start3A_130, %dma_start3A_131] : memref<10240x128xf32, #tpu.memory_space<vmem_shared>> -> memref<10240x128xf32, #tpu.memory_space<vmem_shared>>
    tpu.enqueue_indirect_dma source(%arg15 : memref<128x128xf32, #tpu.memory_space<vmem>>) target(%dma_start3A_132 : memref<10240x128xf32, #tpu.memory_space<vmem_shared>>) offsets(%arg13 : memref<128xi32, #tpu.memory_space<vmem>>) semaphore(%arg24 : memref<!tpu.dma_semaphore, #tpu.memory_space<semaphore_mem>>) {add = true}
    %scan3A_133 = arith.constant 0 : i32
    %scan3A_134 = arith.constant 0 : i32
    %scan3A_135 = arith.constant 20 : i32
    %scan3A_136 = arith.addi %scan3A_134, %scan3A_135 : i32
    %scan3A_137 = arith.constant 1 : i32
    %scan3A_138 = scf.for %scan3A_171 = %scan3A_134 to %scan3A_136 step %scan3A_137 iter_args(%scan3A_172 = %scan3A_133) -> (i32)  : i32 {
      %mul3A_173 = arith.constant 4 : i32
      %mul3A_174 = arith.muli %mul3A_173, %scan3A_171 : i32
      %dma_wait3A_175 = arith.constant 0 : i32
      %dma_wait3A_176 = arith.constant 0 : i32
      %dma_wait3A_177 = tpu.memref_slice %arg2[%dma_wait3A_175, %dma_wait3A_176] : memref<10240x128xf32, #tpu.memory_space<hbm>> -> memref<10240x128xf32, #tpu.memory_space<hbm>>
      tpu.wait_indirect_dma semaphore(%arg21 : memref<!tpu.dma_semaphore, #tpu.memory_space<semaphore_mem>>) src(%dma_wait3A_177 : memref<10240x128xf32, #tpu.memory_space<hbm>>) dst(%arg14 : memref<128x128xf32, #tpu.memory_space<vmem>>)
      %dma_wait3A_178 = arith.constant 0 : i32
      %dma_wait3A_179 = arith.constant 0 : i32
      %dma_wait3A_180 = tpu.memref_slice %arg16[%dma_wait3A_178, %dma_wait3A_179] : memref<10240x128xf32, #tpu.memory_space<vmem_shared>> -> memref<10240x128xf32, #tpu.memory_space<vmem_shared>>
      tpu.wait_indirect_dma semaphore(%arg24 : memref<!tpu.dma_semaphore, #tpu.memory_space<semaphore_mem>>) src(%arg15 : memref<128x128xf32, #tpu.memory_space<vmem>>) dst(%dma_wait3A_180 : memref<10240x128xf32, #tpu.memory_space<vmem_shared>>)
      %add3A_181 = arith.constant 1 : i32
      %add3A_182 = arith.addi %mul3A_174, %add3A_181 : i32
      %min3A = arith.constant 79 : i32
      %min3A_183 = arith.minsi %add3A_182, %min3A : i32
      %mul3A_184 = arith.constant 80 : i32
      %mul3A_185 = arith.muli %add3A, %mul3A_184 : i32
      %add3A_186 = arith.addi %mul3A_185, %min3A_183 : i32
      %dma_wait3A_187 = arith.constant 0 : i32
      %dma_wait3A_188 = tpu.memref_slice %arg3[%add3A_186, %dma_wait3A_187] : memref<2560x128xi32, #tpu.memory_space<hbm>> -> memref<1x128xi32, #tpu.memory_space<hbm>>
      %dma_wait3A_189 = tpu.memref_squeeze %dma_wait3A_188 : memref<1x128xi32, #tpu.memory_space<hbm>> -> memref<128xi32, #tpu.memory_space<hbm>>
      %dma_wait3A_190 = arith.constant 0 : i32
      %dma_wait3A_191 = tpu.memref_slice %arg3[%add3A_186, %dma_wait3A_190] : memref<2560x128xi32, #tpu.memory_space<hbm>> -> memref<1x128xi32, #tpu.memory_space<hbm>>
      %dma_wait3A_192 = tpu.memref_squeeze %dma_wait3A_191 : memref<1x128xi32, #tpu.memory_space<hbm>> -> memref<128xi32, #tpu.memory_space<hbm>>
      tpu.wait_dma2 semaphore(%arg18 : memref<!tpu.dma_semaphore, #tpu.memory_space<semaphore_mem>>) src(%dma_wait3A_192 : memref<128xi32, #tpu.memory_space<hbm>>) dst(%arg7 : memref<128xi32, #tpu.memory_space<vmem>>)
      %mul3A_193 = arith.constant 80 : i32
      %mul3A_194 = arith.muli %add3A, %mul3A_193 : i32
      %add3A_195 = arith.addi %mul3A_194, %min3A_183 : i32
      %dma_wait3A_196 = arith.constant 0 : i32
      %dma_wait3A_197 = tpu.memref_slice %arg4[%add3A_195, %dma_wait3A_196] : memref<2560x128xi32, #tpu.memory_space<hbm>> -> memref<1x128xi32, #tpu.memory_space<hbm>>
      %dma_wait3A_198 = tpu.memref_squeeze %dma_wait3A_197 : memref<1x128xi32, #tpu.memory_space<hbm>> -> memref<128xi32, #tpu.memory_space<hbm>>
      %dma_wait3A_199 = arith.constant 0 : i32
      %dma_wait3A_200 = tpu.memref_slice %arg4[%add3A_195, %dma_wait3A_199] : memref<2560x128xi32, #tpu.memory_space<hbm>> -> memref<1x128xi32, #tpu.memory_space<hbm>>
      %dma_wait3A_201 = tpu.memref_squeeze %dma_wait3A_200 : memref<1x128xi32, #tpu.memory_space<hbm>> -> memref<128xi32, #tpu.memory_space<hbm>>
      tpu.wait_dma2 semaphore(%arg18 : memref<!tpu.dma_semaphore, #tpu.memory_space<semaphore_mem>>) src(%dma_wait3A_201 : memref<128xi32, #tpu.memory_space<hbm>>) dst(%arg11 : memref<128xi32, #tpu.memory_space<vmem>>)
      %dma_start3A_202 = arith.constant 0 : i32
      %dma_start3A_203 = arith.constant 0 : i32
      %dma_start3A_204 = tpu.memref_slice %arg2[%dma_start3A_202, %dma_start3A_203] : memref<10240x128xf32, #tpu.memory_space<hbm>> -> memref<10240x128xf32, #tpu.memory_space<hbm>>
      tpu.enqueue_indirect_dma source(%dma_start3A_204 : memref<10240x128xf32, #tpu.memory_space<hbm>>) target(%arg15 : memref<128x128xf32, #tpu.memory_space<vmem>>) offsets(%arg7 : memref<128xi32, #tpu.memory_space<vmem>>) semaphore(%arg22 : memref<!tpu.dma_semaphore, #tpu.memory_space<semaphore_mem>>)
      %dma_start3A_205 = arith.constant 0 : i32
      %dma_start3A_206 = arith.constant 0 : i32
      %dma_start3A_207 = tpu.memref_slice %arg16[%dma_start3A_205, %dma_start3A_206] : memref<10240x128xf32, #tpu.memory_space<vmem_shared>> -> memref<10240x128xf32, #tpu.memory_space<vmem_shared>>
      tpu.enqueue_indirect_dma source(%arg14 : memref<128x128xf32, #tpu.memory_space<vmem>>) target(%dma_start3A_207 : memref<10240x128xf32, #tpu.memory_space<vmem_shared>>) offsets(%arg10 : memref<128xi32, #tpu.memory_space<vmem>>) semaphore(%arg23 : memref<!tpu.dma_semaphore, #tpu.memory_space<semaphore_mem>>) {add = true}
      %add3A_208 = arith.constant 2 : i32
      %add3A_209 = arith.addi %mul3A_174, %add3A_208 : i32
      %min3A_210 = arith.constant 79 : i32
      %min3A_211 = arith.minsi %add3A_209, %min3A_210 : i32
      %mul3A_212 = arith.constant 80 : i32
      %mul3A_213 = arith.muli %add3A, %mul3A_212 : i32
      %add3A_214 = arith.addi %mul3A_213, %min3A_211 : i32
      %dma_start3A_215 = arith.constant 0 : i32
      %dma_start3A_216 = tpu.memref_slice %arg3[%add3A_214, %dma_start3A_215] : memref<2560x128xi32, #tpu.memory_space<hbm>> -> memref<1x128xi32, #tpu.memory_space<hbm>>
      %dma_start3A_217 = tpu.memref_squeeze %dma_start3A_216 : memref<1x128xi32, #tpu.memory_space<hbm>> -> memref<128xi32, #tpu.memory_space<hbm>>
      %dma_start3A_218 = arith.constant 0 : i32
      %dma_start3A_219 = tpu.memref_slice %arg3[%add3A_214, %dma_start3A_218] : memref<2560x128xi32, #tpu.memory_space<hbm>> -> memref<1x128xi32, #tpu.memory_space<hbm>>
      %dma_start3A_220 = tpu.memref_squeeze %dma_start3A_219 : memref<1x128xi32, #tpu.memory_space<hbm>> -> memref<128xi32, #tpu.memory_space<hbm>>
      tpu.enqueue_dma source(%dma_start3A_220 : memref<128xi32, #tpu.memory_space<hbm>>) target(%arg8 : memref<128xi32, #tpu.memory_space<vmem>>) target_semaphore(%arg19 : memref<!tpu.dma_semaphore, #tpu.memory_space<semaphore_mem>>)
      %mul3A_221 = arith.constant 80 : i32
      %mul3A_222 = arith.muli %add3A, %mul3A_221 : i32
      %add3A_223 = arith.addi %mul3A_222, %min3A_211 : i32
      %dma_start3A_224 = arith.constant 0 : i32
      %dma_start3A_225 = tpu.memref_slice %arg4[%add3A_223, %dma_start3A_224] : memref<2560x128xi32, #tpu.memory_space<hbm>> -> memref<1x128xi32, #tpu.memory_space<hbm>>
      %dma_start3A_226 = tpu.memref_squeeze %dma_start3A_225 : memref<1x128xi32, #tpu.memory_space<hbm>> -> memref<128xi32, #tpu.memory_space<hbm>>
      %dma_start3A_227 = arith.constant 0 : i32
      %dma_start3A_228 = tpu.memref_slice %arg4[%add3A_223, %dma_start3A_227] : memref<2560x128xi32, #tpu.memory_space<hbm>> -> memref<1x128xi32, #tpu.memory_space<hbm>>
      %dma_start3A_229 = tpu.memref_squeeze %dma_start3A_228 : memref<1x128xi32, #tpu.memory_space<hbm>> -> memref<128xi32, #tpu.memory_space<hbm>>
      tpu.enqueue_dma source(%dma_start3A_229 : memref<128xi32, #tpu.memory_space<hbm>>) target(%arg12 : memref<128xi32, #tpu.memory_space<vmem>>) target_semaphore(%arg19 : memref<!tpu.dma_semaphore, #tpu.memory_space<semaphore_mem>>)
      %add3A_230 = arith.constant 1 : i32
      %add3A_231 = arith.addi %mul3A_174, %add3A_230 : i32
      %dma_wait3A_232 = arith.constant 0 : i32
      %dma_wait3A_233 = arith.constant 0 : i32
      %dma_wait3A_234 = tpu.memref_slice %arg2[%dma_wait3A_232, %dma_wait3A_233] : memref<10240x128xf32, #tpu.memory_space<hbm>> -> memref<10240x128xf32, #tpu.memory_space<hbm>>
      tpu.wait_indirect_dma semaphore(%arg22 : memref<!tpu.dma_semaphore, #tpu.memory_space<semaphore_mem>>) src(%dma_wait3A_234 : memref<10240x128xf32, #tpu.memory_space<hbm>>) dst(%arg15 : memref<128x128xf32, #tpu.memory_space<vmem>>)
      %dma_wait3A_235 = arith.constant 0 : i32
      %dma_wait3A_236 = arith.constant 0 : i32
      %dma_wait3A_237 = tpu.memref_slice %arg16[%dma_wait3A_235, %dma_wait3A_236] : memref<10240x128xf32, #tpu.memory_space<vmem_shared>> -> memref<10240x128xf32, #tpu.memory_space<vmem_shared>>
      tpu.wait_indirect_dma semaphore(%arg23 : memref<!tpu.dma_semaphore, #tpu.memory_space<semaphore_mem>>) src(%arg14 : memref<128x128xf32, #tpu.memory_space<vmem>>) dst(%dma_wait3A_237 : memref<10240x128xf32, #tpu.memory_space<vmem_shared>>)
      %add3A_238 = arith.constant 1 : i32
      %add3A_239 = arith.addi %add3A_231, %add3A_238 : i32
      %min3A_240 = arith.constant 79 : i32
      %min3A_241 = arith.minsi %add3A_239, %min3A_240 : i32
      %mul3A_242 = arith.constant 80 : i32
      %mul3A_243 = arith.muli %add3A, %mul3A_242 : i32
      %add3A_244 = arith.addi %mul3A_243, %min3A_241 : i32
      %dma_wait3A_245 = arith.constant 0 : i32
      %dma_wait3A_246 = tpu.memref_slice %arg3[%add3A_244, %dma_wait3A_245] : memref<2560x128xi32, #tpu.memory_space<hbm>> -> memref<1x128xi32, #tpu.memory_space<hbm>>
      %dma_wait3A_247 = tpu.memref_squeeze %dma_wait3A_246 : memref<1x128xi32, #tpu.memory_space<hbm>> -> memref<128xi32, #tpu.memory_space<hbm>>
      %dma_wait3A_248 = arith.constant 0 : i32
      %dma_wait3A_249 = tpu.memref_slice %arg3[%add3A_244, %dma_wait3A_248] : memref<2560x128xi32, #tpu.memory_space<hbm>> -> memref<1x128xi32, #tpu.memory_space<hbm>>
      %dma_wait3A_250 = tpu.memref_squeeze %dma_wait3A_249 : memref<1x128xi32, #tpu.memory_space<hbm>> -> memref<128xi32, #tpu.memory_space<hbm>>
      tpu.wait_dma2 semaphore(%arg19 : memref<!tpu.dma_semaphore, #tpu.memory_space<semaphore_mem>>) src(%dma_wait3A_250 : memref<128xi32, #tpu.memory_space<hbm>>) dst(%arg8 : memref<128xi32, #tpu.memory_space<vmem>>)
      %mul3A_251 = arith.constant 80 : i32
      %mul3A_252 = arith.muli %add3A, %mul3A_251 : i32
      %add3A_253 = arith.addi %mul3A_252, %min3A_241 : i32
      %dma_wait3A_254 = arith.constant 0 : i32
      %dma_wait3A_255 = tpu.memref_slice %arg4[%add3A_253, %dma_wait3A_254] : memref<2560x128xi32, #tpu.memory_space<hbm>> -> memref<1x128xi32, #tpu.memory_space<hbm>>
      %dma_wait3A_256 = tpu.memref_squeeze %dma_wait3A_255 : memref<1x128xi32, #tpu.memory_space<hbm>> -> memref<128xi32, #tpu.memory_space<hbm>>
      %dma_wait3A_257 = arith.constant 0 : i32
      %dma_wait3A_258 = tpu.memref_slice %arg4[%add3A_253, %dma_wait3A_257] : memref<2560x128xi32, #tpu.memory_space<hbm>> -> memref<1x128xi32, #tpu.memory_space<hbm>>
      %dma_wait3A_259 = tpu.memref_squeeze %dma_wait3A_258 : memref<1x128xi32, #tpu.memory_space<hbm>> -> memref<128xi32, #tpu.memory_space<hbm>>
      tpu.wait_dma2 semaphore(%arg19 : memref<!tpu.dma_semaphore, #tpu.memory_space<semaphore_mem>>) src(%dma_wait3A_259 : memref<128xi32, #tpu.memory_space<hbm>>) dst(%arg12 : memref<128xi32, #tpu.memory_space<vmem>>)
      %dma_start3A_260 = arith.constant 0 : i32
      %dma_start3A_261 = arith.constant 0 : i32
      %dma_start3A_262 = tpu.memref_slice %arg2[%dma_start3A_260, %dma_start3A_261] : memref<10240x128xf32, #tpu.memory_space<hbm>> -> memref<10240x128xf32, #tpu.memory_space<hbm>>
      tpu.enqueue_indirect_dma source(%dma_start3A_262 : memref<10240x128xf32, #tpu.memory_space<hbm>>) target(%arg14 : memref<128x128xf32, #tpu.memory_space<vmem>>) offsets(%arg8 : memref<128xi32, #tpu.memory_space<vmem>>) semaphore(%arg21 : memref<!tpu.dma_semaphore, #tpu.memory_space<semaphore_mem>>)
      %dma_start3A_263 = arith.constant 0 : i32
      %dma_start3A_264 = arith.constant 0 : i32
      %dma_start3A_265 = tpu.memref_slice %arg16[%dma_start3A_263, %dma_start3A_264] : memref<10240x128xf32, #tpu.memory_space<vmem_shared>> -> memref<10240x128xf32, #tpu.memory_space<vmem_shared>>
      tpu.enqueue_indirect_dma source(%arg15 : memref<128x128xf32, #tpu.memory_space<vmem>>) target(%dma_start3A_265 : memref<10240x128xf32, #tpu.memory_space<vmem_shared>>) offsets(%arg11 : memref<128xi32, #tpu.memory_space<vmem>>) semaphore(%arg24 : memref<!tpu.dma_semaphore, #tpu.memory_space<semaphore_mem>>) {add = true}
      %add3A_266 = arith.constant 2 : i32
      %add3A_267 = arith.addi %add3A_231, %add3A_266 : i32
      %min3A_268 = arith.constant 79 : i32
      %min3A_269 = arith.minsi %add3A_267, %min3A_268 : i32
      %mul3A_270 = arith.constant 80 : i32
      %mul3A_271 = arith.muli %add3A, %mul3A_270 : i32
      %add3A_272 = arith.addi %mul3A_271, %min3A_269 : i32
      %dma_start3A_273 = arith.constant 0 : i32
      %dma_start3A_274 = tpu.memref_slice %arg3[%add3A_272, %dma_start3A_273] : memref<2560x128xi32, #tpu.memory_space<hbm>> -> memref<1x128xi32, #tpu.memory_space<hbm>>
      %dma_start3A_275 = tpu.memref_squeeze %dma_start3A_274 : memref<1x128xi32, #tpu.memory_space<hbm>> -> memref<128xi32, #tpu.memory_space<hbm>>
      %dma_start3A_276 = arith.constant 0 : i32
      %dma_start3A_277 = tpu.memref_slice %arg3[%add3A_272, %dma_start3A_276] : memref<2560x128xi32, #tpu.memory_space<hbm>> -> memref<1x128xi32, #tpu.memory_space<hbm>>
      %dma_start3A_278 = tpu.memref_squeeze %dma_start3A_277 : memref<1x128xi32, #tpu.memory_space<hbm>> -> memref<128xi32, #tpu.memory_space<hbm>>
      tpu.enqueue_dma source(%dma_start3A_278 : memref<128xi32, #tpu.memory_space<hbm>>) target(%arg9 : memref<128xi32, #tpu.memory_space<vmem>>) target_semaphore(%arg20 : memref<!tpu.dma_semaphore, #tpu.memory_space<semaphore_mem>>)
      %mul3A_279 = arith.constant 80 : i32
      %mul3A_280 = arith.muli %add3A, %mul3A_279 : i32
      %add3A_281 = arith.addi %mul3A_280, %min3A_269 : i32
      %dma_start3A_282 = arith.constant 0 : i32
      %dma_start3A_283 = tpu.memref_slice %arg4[%add3A_281, %dma_start3A_282] : memref<2560x128xi32, #tpu.memory_space<hbm>> -> memref<1x128xi32, #tpu.memory_space<hbm>>
      %dma_start3A_284 = tpu.memref_squeeze %dma_start3A_283 : memref<1x128xi32, #tpu.memory_space<hbm>> -> memref<128xi32, #tpu.memory_space<hbm>>
      %dma_start3A_285 = arith.constant 0 : i32
      %dma_start3A_286 = tpu.memref_slice %arg4[%add3A_281, %dma_start3A_285] : memref<2560x128xi32, #tpu.memory_space<hbm>> -> memref<1x128xi32, #tpu.memory_space<hbm>>
      %dma_start3A_287 = tpu.memref_squeeze %dma_start3A_286 : memref<1x128xi32, #tpu.memory_space<hbm>> -> memref<128xi32, #tpu.memory_space<hbm>>
      tpu.enqueue_dma source(%dma_start3A_287 : memref<128xi32, #tpu.memory_space<hbm>>) target(%arg13 : memref<128xi32, #tpu.memory_space<vmem>>) target_semaphore(%arg20 : memref<!tpu.dma_semaphore, #tpu.memory_space<semaphore_mem>>)
      %add3A_288 = arith.constant 2 : i32
      %add3A_289 = arith.addi %mul3A_174, %add3A_288 : i32
      %dma_wait3A_290 = arith.constant 0 : i32
      %dma_wait3A_291 = arith.constant 0 : i32
      %dma_wait3A_292 = tpu.memref_slice %arg2[%dma_wait3A_290, %dma_wait3A_291] : memref<10240x128xf32, #tpu.memory_space<hbm>> -> memref<10240x128xf32, #tpu.memory_space<hbm>>
      tpu.wait_indirect_dma semaphore(%arg21 : memref<!tpu.dma_semaphore, #tpu.memory_space<semaphore_mem>>) src(%dma_wait3A_292 : memref<10240x128xf32, #tpu.memory_space<hbm>>) dst(%arg14 : memref<128x128xf32, #tpu.memory_space<vmem>>)
      %dma_wait3A_293 = arith.constant 0 : i32
      %dma_wait3A_294 = arith.constant 0 : i32
      %dma_wait3A_295 = tpu.memref_slice %arg16[%dma_wait3A_293, %dma_wait3A_294] : memref<10240x128xf32, #tpu.memory_space<vmem_shared>> -> memref<10240x128xf32, #tpu.memory_space<vmem_shared>>
      tpu.wait_indirect_dma semaphore(%arg24 : memref<!tpu.dma_semaphore, #tpu.memory_space<semaphore_mem>>) src(%arg15 : memref<128x128xf32, #tpu.memory_space<vmem>>) dst(%dma_wait3A_295 : memref<10240x128xf32, #tpu.memory_space<vmem_shared>>)
      %add3A_296 = arith.constant 1 : i32
      %add3A_297 = arith.addi %add3A_289, %add3A_296 : i32
      %min3A_298 = arith.constant 79 : i32
      %min3A_299 = arith.minsi %add3A_297, %min3A_298 : i32
      %mul3A_300 = arith.constant 80 : i32
      %mul3A_301 = arith.muli %add3A, %mul3A_300 : i32
      %add3A_302 = arith.addi %mul3A_301, %min3A_299 : i32
      %dma_wait3A_303 = arith.constant 0 : i32
      %dma_wait3A_304 = tpu.memref_slice %arg3[%add3A_302, %dma_wait3A_303] : memref<2560x128xi32, #tpu.memory_space<hbm>> -> memref<1x128xi32, #tpu.memory_space<hbm>>
      %dma_wait3A_305 = tpu.memref_squeeze %dma_wait3A_304 : memref<1x128xi32, #tpu.memory_space<hbm>> -> memref<128xi32, #tpu.memory_space<hbm>>
      %dma_wait3A_306 = arith.constant 0 : i32
      %dma_wait3A_307 = tpu.memref_slice %arg3[%add3A_302, %dma_wait3A_306] : memref<2560x128xi32, #tpu.memory_space<hbm>> -> memref<1x128xi32, #tpu.memory_space<hbm>>
      %dma_wait3A_308 = tpu.memref_squeeze %dma_wait3A_307 : memref<1x128xi32, #tpu.memory_space<hbm>> -> memref<128xi32, #tpu.memory_space<hbm>>
      tpu.wait_dma2 semaphore(%arg20 : memref<!tpu.dma_semaphore, #tpu.memory_space<semaphore_mem>>) src(%dma_wait3A_308 : memref<128xi32, #tpu.memory_space<hbm>>) dst(%arg9 : memref<128xi32, #tpu.memory_space<vmem>>)
      %mul3A_309 = arith.constant 80 : i32
      %mul3A_310 = arith.muli %add3A, %mul3A_309 : i32
      %add3A_311 = arith.addi %mul3A_310, %min3A_299 : i32
      %dma_wait3A_312 = arith.constant 0 : i32
      %dma_wait3A_313 = tpu.memref_slice %arg4[%add3A_311, %dma_wait3A_312] : memref<2560x128xi32, #tpu.memory_space<hbm>> -> memref<1x128xi32, #tpu.memory_space<hbm>>
      %dma_wait3A_314 = tpu.memref_squeeze %dma_wait3A_313 : memref<1x128xi32, #tpu.memory_space<hbm>> -> memref<128xi32, #tpu.memory_space<hbm>>
      %dma_wait3A_315 = arith.constant 0 : i32
      %dma_wait3A_316 = tpu.memref_slice %arg4[%add3A_311, %dma_wait3A_315] : memref<2560x128xi32, #tpu.memory_space<hbm>> -> memref<1x128xi32, #tpu.memory_space<hbm>>
      %dma_wait3A_317 = tpu.memref_squeeze %dma_wait3A_316 : memref<1x128xi32, #tpu.memory_space<hbm>> -> memref<128xi32, #tpu.memory_space<hbm>>
      tpu.wait_dma2 semaphore(%arg20 : memref<!tpu.dma_semaphore, #tpu.memory_space<semaphore_mem>>) src(%dma_wait3A_317 : memref<128xi32, #tpu.memory_space<hbm>>) dst(%arg13 : memref<128xi32, #tpu.memory_space<vmem>>)
      %dma_start3A_318 = arith.constant 0 : i32
      %dma_start3A_319 = arith.constant 0 : i32
      %dma_start3A_320 = tpu.memref_slice %arg2[%dma_start3A_318, %dma_start3A_319] : memref<10240x128xf32, #tpu.memory_space<hbm>> -> memref<10240x128xf32, #tpu.memory_space<hbm>>
      tpu.enqueue_indirect_dma source(%dma_start3A_320 : memref<10240x128xf32, #tpu.memory_space<hbm>>) target(%arg15 : memref<128x128xf32, #tpu.memory_space<vmem>>) offsets(%arg9 : memref<128xi32, #tpu.memory_space<vmem>>) semaphore(%arg22 : memref<!tpu.dma_semaphore, #tpu.memory_space<semaphore_mem>>)
      %dma_start3A_321 = arith.constant 0 : i32
      %dma_start3A_322 = arith.constant 0 : i32
      %dma_start3A_323 = tpu.memref_slice %arg16[%dma_start3A_321, %dma_start3A_322] : memref<10240x128xf32, #tpu.memory_space<vmem_shared>> -> memref<10240x128xf32, #tpu.memory_space<vmem_shared>>
      tpu.enqueue_indirect_dma source(%arg14 : memref<128x128xf32, #tpu.memory_space<vmem>>) target(%dma_start3A_323 : memref<10240x128xf32, #tpu.memory_space<vmem_shared>>) offsets(%arg12 : memref<128xi32, #tpu.memory_space<vmem>>) semaphore(%arg23 : memref<!tpu.dma_semaphore, #tpu.memory_space<semaphore_mem>>) {add = true}
      %add3A_324 = arith.constant 2 : i32
      %add3A_325 = arith.addi %add3A_289, %add3A_324 : i32
      %min3A_326 = arith.constant 79 : i32
      %min3A_327 = arith.minsi %add3A_325, %min3A_326 : i32
      %mul3A_328 = arith.constant 80 : i32
      %mul3A_329 = arith.muli %add3A, %mul3A_328 : i32
      %add3A_330 = arith.addi %mul3A_329, %min3A_327 : i32
      %dma_start3A_331 = arith.constant 0 : i32
      %dma_start3A_332 = tpu.memref_slice %arg3[%add3A_330, %dma_start3A_331] : memref<2560x128xi32, #tpu.memory_space<hbm>> -> memref<1x128xi32, #tpu.memory_space<hbm>>
      %dma_start3A_333 = tpu.memref_squeeze %dma_start3A_332 : memref<1x128xi32, #tpu.memory_space<hbm>> -> memref<128xi32, #tpu.memory_space<hbm>>
      %dma_start3A_334 = arith.constant 0 : i32
      %dma_start3A_335 = tpu.memref_slice %arg3[%add3A_330, %dma_start3A_334] : memref<2560x128xi32, #tpu.memory_space<hbm>> -> memref<1x128xi32, #tpu.memory_space<hbm>>
      %dma_start3A_336 = tpu.memref_squeeze %dma_start3A_335 : memref<1x128xi32, #tpu.memory_space<hbm>> -> memref<128xi32, #tpu.memory_space<hbm>>
      tpu.enqueue_dma source(%dma_start3A_336 : memref<128xi32, #tpu.memory_space<hbm>>) target(%arg6 : memref<128xi32, #tpu.memory_space<vmem>>) target_semaphore(%arg17 : memref<!tpu.dma_semaphore, #tpu.memory_space<semaphore_mem>>)
      %mul3A_337 = arith.constant 80 : i32
      %mul3A_338 = arith.muli %add3A, %mul3A_337 : i32
      %add3A_339 = arith.addi %mul3A_338, %min3A_327 : i32
      %dma_start3A_340 = arith.constant 0 : i32
      %dma_start3A_341 = tpu.memref_slice %arg4[%add3A_339, %dma_start3A_340] : memref<2560x128xi32, #tpu.memory_space<hbm>> -> memref<1x128xi32, #tpu.memory_space<hbm>>
      %dma_start3A_342 = tpu.memref_squeeze %dma_start3A_341 : memref<1x128xi32, #tpu.memory_space<hbm>> -> memref<128xi32, #tpu.memory_space<hbm>>
      %dma_start3A_343 = arith.constant 0 : i32
      %dma_start3A_344 = tpu.memref_slice %arg4[%add3A_339, %dma_start3A_343] : memref<2560x128xi32, #tpu.memory_space<hbm>> -> memref<1x128xi32, #tpu.memory_space<hbm>>
      %dma_start3A_345 = tpu.memref_squeeze %dma_start3A_344 : memref<1x128xi32, #tpu.memory_space<hbm>> -> memref<128xi32, #tpu.memory_space<hbm>>
      tpu.enqueue_dma source(%dma_start3A_345 : memref<128xi32, #tpu.memory_space<hbm>>) target(%arg10 : memref<128xi32, #tpu.memory_space<vmem>>) target_semaphore(%arg17 : memref<!tpu.dma_semaphore, #tpu.memory_space<semaphore_mem>>)
      %add3A_346 = arith.constant 3 : i32
      %add3A_347 = arith.addi %mul3A_174, %add3A_346 : i32
      %dma_wait3A_348 = arith.constant 0 : i32
      %dma_wait3A_349 = arith.constant 0 : i32
      %dma_wait3A_350 = tpu.memref_slice %arg2[%dma_wait3A_348, %dma_wait3A_349] : memref<10240x128xf32, #tpu.memory_space<hbm>> -> memref<10240x128xf32, #tpu.memory_space<hbm>>
      tpu.wait_indirect_dma semaphore(%arg22 : memref<!tpu.dma_semaphore, #tpu.memory_space<semaphore_mem>>) src(%dma_wait3A_350 : memref<10240x128xf32, #tpu.memory_space<hbm>>) dst(%arg15 : memref<128x128xf32, #tpu.memory_space<vmem>>)
      %dma_wait3A_351 = arith.constant 0 : i32
      %dma_wait3A_352 = arith.constant 0 : i32
      %dma_wait3A_353 = tpu.memref_slice %arg16[%dma_wait3A_351, %dma_wait3A_352] : memref<10240x128xf32, #tpu.memory_space<vmem_shared>> -> memref<10240x128xf32, #tpu.memory_space<vmem_shared>>
      tpu.wait_indirect_dma semaphore(%arg23 : memref<!tpu.dma_semaphore, #tpu.memory_space<semaphore_mem>>) src(%arg14 : memref<128x128xf32, #tpu.memory_space<vmem>>) dst(%dma_wait3A_353 : memref<10240x128xf32, #tpu.memory_space<vmem_shared>>)
      %add3A_354 = arith.constant 1 : i32
      %add3A_355 = arith.addi %add3A_347, %add3A_354 : i32
      %min3A_356 = arith.constant 79 : i32
      %min3A_357 = arith.minsi %add3A_355, %min3A_356 : i32
      %mul3A_358 = arith.constant 80 : i32
      %mul3A_359 = arith.muli %add3A, %mul3A_358 : i32
      %add3A_360 = arith.addi %mul3A_359, %min3A_357 : i32
      %dma_wait3A_361 = arith.constant 0 : i32
      %dma_wait3A_362 = tpu.memref_slice %arg3[%add3A_360, %dma_wait3A_361] : memref<2560x128xi32, #tpu.memory_space<hbm>> -> memref<1x128xi32, #tpu.memory_space<hbm>>
      %dma_wait3A_363 = tpu.memref_squeeze %dma_wait3A_362 : memref<1x128xi32, #tpu.memory_space<hbm>> -> memref<128xi32, #tpu.memory_space<hbm>>
      %dma_wait3A_364 = arith.constant 0 : i32
      %dma_wait3A_365 = tpu.memref_slice %arg3[%add3A_360, %dma_wait3A_364] : memref<2560x128xi32, #tpu.memory_space<hbm>> -> memref<1x128xi32, #tpu.memory_space<hbm>>
      %dma_wait3A_366 = tpu.memref_squeeze %dma_wait3A_365 : memref<1x128xi32, #tpu.memory_space<hbm>> -> memref<128xi32, #tpu.memory_space<hbm>>
      tpu.wait_dma2 semaphore(%arg17 : memref<!tpu.dma_semaphore, #tpu.memory_space<semaphore_mem>>) src(%dma_wait3A_366 : memref<128xi32, #tpu.memory_space<hbm>>) dst(%arg6 : memref<128xi32, #tpu.memory_space<vmem>>)
      %mul3A_367 = arith.constant 80 : i32
      %mul3A_368 = arith.muli %add3A, %mul3A_367 : i32
      %add3A_369 = arith.addi %mul3A_368, %min3A_357 : i32
      %dma_wait3A_370 = arith.constant 0 : i32
      %dma_wait3A_371 = tpu.memref_slice %arg4[%add3A_369, %dma_wait3A_370] : memref<2560x128xi32, #tpu.memory_space<hbm>> -> memref<1x128xi32, #tpu.memory_space<hbm>>
      %dma_wait3A_372 = tpu.memref_squeeze %dma_wait3A_371 : memref<1x128xi32, #tpu.memory_space<hbm>> -> memref<128xi32, #tpu.memory_space<hbm>>
      %dma_wait3A_373 = arith.constant 0 : i32
      %dma_wait3A_374 = tpu.memref_slice %arg4[%add3A_369, %dma_wait3A_373] : memref<2560x128xi32, #tpu.memory_space<hbm>> -> memref<1x128xi32, #tpu.memory_space<hbm>>
      %dma_wait3A_375 = tpu.memref_squeeze %dma_wait3A_374 : memref<1x128xi32, #tpu.memory_space<hbm>> -> memref<128xi32, #tpu.memory_space<hbm>>
      tpu.wait_dma2 semaphore(%arg17 : memref<!tpu.dma_semaphore, #tpu.memory_space<semaphore_mem>>) src(%dma_wait3A_375 : memref<128xi32, #tpu.memory_space<hbm>>) dst(%arg10 : memref<128xi32, #tpu.memory_space<vmem>>)
      %dma_start3A_376 = arith.constant 0 : i32
      %dma_start3A_377 = arith.constant 0 : i32
      %dma_start3A_378 = tpu.memref_slice %arg2[%dma_start3A_376, %dma_start3A_377] : memref<10240x128xf32, #tpu.memory_space<hbm>> -> memref<10240x128xf32, #tpu.memory_space<hbm>>
      tpu.enqueue_indirect_dma source(%dma_start3A_378 : memref<10240x128xf32, #tpu.memory_space<hbm>>) target(%arg14 : memref<128x128xf32, #tpu.memory_space<vmem>>) offsets(%arg6 : memref<128xi32, #tpu.memory_space<vmem>>) semaphore(%arg21 : memref<!tpu.dma_semaphore, #tpu.memory_space<semaphore_mem>>)
      %dma_start3A_379 = arith.constant 0 : i32
      %dma_start3A_380 = arith.constant 0 : i32
      %dma_start3A_381 = tpu.memref_slice %arg16[%dma_start3A_379, %dma_start3A_380] : memref<10240x128xf32, #tpu.memory_space<vmem_shared>> -> memref<10240x128xf32, #tpu.memory_space<vmem_shared>>
      tpu.enqueue_indirect_dma source(%arg15 : memref<128x128xf32, #tpu.memory_space<vmem>>) target(%dma_start3A_381 : memref<10240x128xf32, #tpu.memory_space<vmem_shared>>) offsets(%arg13 : memref<128xi32, #tpu.memory_space<vmem>>) semaphore(%arg24 : memref<!tpu.dma_semaphore, #tpu.memory_space<semaphore_mem>>) {add = true}
      %add3A_382 = arith.constant 2 : i32
      %add3A_383 = arith.addi %add3A_347, %add3A_382 : i32
      %min3A_384 = arith.constant 79 : i32
      %min3A_385 = arith.minsi %add3A_383, %min3A_384 : i32
      %mul3A_386 = arith.constant 80 : i32
      %mul3A_387 = arith.muli %add3A, %mul3A_386 : i32
      %add3A_388 = arith.addi %mul3A_387, %min3A_385 : i32
      %dma_start3A_389 = arith.constant 0 : i32
      %dma_start3A_390 = tpu.memref_slice %arg3[%add3A_388, %dma_start3A_389] : memref<2560x128xi32, #tpu.memory_space<hbm>> -> memref<1x128xi32, #tpu.memory_space<hbm>>
      %dma_start3A_391 = tpu.memref_squeeze %dma_start3A_390 : memref<1x128xi32, #tpu.memory_space<hbm>> -> memref<128xi32, #tpu.memory_space<hbm>>
      %dma_start3A_392 = arith.constant 0 : i32
      %dma_start3A_393 = tpu.memref_slice %arg3[%add3A_388, %dma_start3A_392] : memref<2560x128xi32, #tpu.memory_space<hbm>> -> memref<1x128xi32, #tpu.memory_space<hbm>>
      %dma_start3A_394 = tpu.memref_squeeze %dma_start3A_393 : memref<1x128xi32, #tpu.memory_space<hbm>> -> memref<128xi32, #tpu.memory_space<hbm>>
      tpu.enqueue_dma source(%dma_start3A_394 : memref<128xi32, #tpu.memory_space<hbm>>) target(%arg7 : memref<128xi32, #tpu.memory_space<vmem>>) target_semaphore(%arg18 : memref<!tpu.dma_semaphore, #tpu.memory_space<semaphore_mem>>)
      %mul3A_395 = arith.constant 80 : i32
      %mul3A_396 = arith.muli %add3A, %mul3A_395 : i32
      %add3A_397 = arith.addi %mul3A_396, %min3A_385 : i32
      %dma_start3A_398 = arith.constant 0 : i32
      %dma_start3A_399 = tpu.memref_slice %arg4[%add3A_397, %dma_start3A_398] : memref<2560x128xi32, #tpu.memory_space<hbm>> -> memref<1x128xi32, #tpu.memory_space<hbm>>
      %dma_start3A_400 = tpu.memref_squeeze %dma_start3A_399 : memref<1x128xi32, #tpu.memory_space<hbm>> -> memref<128xi32, #tpu.memory_space<hbm>>
      %dma_start3A_401 = arith.constant 0 : i32
      %dma_start3A_402 = tpu.memref_slice %arg4[%add3A_397, %dma_start3A_401] : memref<2560x128xi32, #tpu.memory_space<hbm>> -> memref<1x128xi32, #tpu.memory_space<hbm>>
      %dma_start3A_403 = tpu.memref_squeeze %dma_start3A_402 : memref<1x128xi32, #tpu.memory_space<hbm>> -> memref<128xi32, #tpu.memory_space<hbm>>
      tpu.enqueue_dma source(%dma_start3A_403 : memref<128xi32, #tpu.memory_space<hbm>>) target(%arg11 : memref<128xi32, #tpu.memory_space<vmem>>) target_semaphore(%arg18 : memref<!tpu.dma_semaphore, #tpu.memory_space<semaphore_mem>>)
      %scan3A_404 = arith.constant 0 : i32
      scf.yield %scan3A_404 : i32
    }
    %scan3A_139 = arith.constant 20 : i32
    %dma_wait3A_140 = arith.constant 0 : i32
    %dma_wait3A_141 = arith.constant 0 : i32
    %dma_wait3A_142 = tpu.memref_slice %arg2[%dma_wait3A_140, %dma_wait3A_141] : memref<10240x128xf32, #tpu.memory_space<hbm>> -> memref<10240x128xf32, #tpu.memory_space<hbm>>
    tpu.wait_indirect_dma semaphore(%arg21 : memref<!tpu.dma_semaphore, #tpu.memory_space<semaphore_mem>>) src(%dma_wait3A_142 : memref<10240x128xf32, #tpu.memory_space<hbm>>) dst(%arg14 : memref<128x128xf32, #tpu.memory_space<vmem>>)
    %mul3A_143 = arith.constant 80 : i32
    %mul3A_144 = arith.muli %add3A, %mul3A_143 : i32
    %add3A_145 = arith.constant 79 : i32
    %add3A_146 = arith.addi %mul3A_144, %add3A_145 : i32
    %dma_wait3A_147 = arith.constant 0 : i32
    %dma_wait3A_148 = tpu.memref_slice %arg3[%add3A_146, %dma_wait3A_147] : memref<2560x128xi32, #tpu.memory_space<hbm>> -> memref<1x128xi32, #tpu.memory_space<hbm>>
    %dma_wait3A_149 = tpu.memref_squeeze %dma_wait3A_148 : memref<1x128xi32, #tpu.memory_space<hbm>> -> memref<128xi32, #tpu.memory_space<hbm>>
    %dma_wait3A_150 = arith.constant 0 : i32
    %dma_wait3A_151 = tpu.memref_slice %arg3[%add3A_146, %dma_wait3A_150] : memref<2560x128xi32, #tpu.memory_space<hbm>> -> memref<1x128xi32, #tpu.memory_space<hbm>>
    %dma_wait3A_152 = tpu.memref_squeeze %dma_wait3A_151 : memref<1x128xi32, #tpu.memory_space<hbm>> -> memref<128xi32, #tpu.memory_space<hbm>>
    tpu.wait_dma2 semaphore(%arg18 : memref<!tpu.dma_semaphore, #tpu.memory_space<semaphore_mem>>) src(%dma_wait3A_152 : memref<128xi32, #tpu.memory_space<hbm>>) dst(%arg7 : memref<128xi32, #tpu.memory_space<vmem>>)
    %mul3A_153 = arith.constant 80 : i32
    %mul3A_154 = arith.muli %add3A, %mul3A_153 : i32
    %add3A_155 = arith.constant 79 : i32
    %add3A_156 = arith.addi %mul3A_154, %add3A_155 : i32
    %dma_wait3A_157 = arith.constant 0 : i32
    %dma_wait3A_158 = tpu.memref_slice %arg4[%add3A_156, %dma_wait3A_157] : memref<2560x128xi32, #tpu.memory_space<hbm>> -> memref<1x128xi32, #tpu.memory_space<hbm>>
    %dma_wait3A_159 = tpu.memref_squeeze %dma_wait3A_158 : memref<1x128xi32, #tpu.memory_space<hbm>> -> memref<128xi32, #tpu.memory_space<hbm>>
    %dma_wait3A_160 = arith.constant 0 : i32
    %dma_wait3A_161 = tpu.memref_slice %arg4[%add3A_156, %dma_wait3A_160] : memref<2560x128xi32, #tpu.memory_space<hbm>> -> memref<1x128xi32, #tpu.memory_space<hbm>>
    %dma_wait3A_162 = tpu.memref_squeeze %dma_wait3A_161 : memref<1x128xi32, #tpu.memory_space<hbm>> -> memref<128xi32, #tpu.memory_space<hbm>>
    tpu.wait_dma2 semaphore(%arg18 : memref<!tpu.dma_semaphore, #tpu.memory_space<semaphore_mem>>) src(%dma_wait3A_162 : memref<128xi32, #tpu.memory_space<hbm>>) dst(%arg11 : memref<128xi32, #tpu.memory_space<vmem>>)
    %dma_wait3A_163 = arith.constant 0 : i32
    %dma_wait3A_164 = arith.constant 0 : i32
    %dma_wait3A_165 = tpu.memref_slice %arg16[%dma_wait3A_163, %dma_wait3A_164] : memref<10240x128xf32, #tpu.memory_space<vmem_shared>> -> memref<10240x128xf32, #tpu.memory_space<vmem_shared>>
    tpu.wait_indirect_dma semaphore(%arg24 : memref<!tpu.dma_semaphore, #tpu.memory_space<semaphore_mem>>) src(%arg15 : memref<128x128xf32, #tpu.memory_space<vmem>>) dst(%dma_wait3A_165 : memref<10240x128xf32, #tpu.memory_space<vmem_shared>>)
    %barrier3A_166 = arith.constant 0 : index
    tpu.barrier barrier_id(%barrier3A_166)
    %mul3A_167 = arith.constant 640 : i32
    %mul3A_168 = arith.muli %arg1, %mul3A_167 : i32
    %mul3A_169 = arith.constant 640 : i32
    %mul3A_170 = arith.muli %arg1, %mul3A_169 : i32
    "tpu.region"() ({
      %run_scoped3A = tpu.sem_alloc : memref<!tpu.dma_semaphore, #tpu.memory_space<semaphore_mem>>
      %dma_start3A_171 = arith.constant 0 : i32
      %dma_start3A_172 = tpu.memref_slice %arg5[%arg0, %mul3A_170, %dma_start3A_171] : memref<2x10240x128xf32, #tpu.memory_space<hbm>> -> memref<1x640x128xf32, #tpu.memory_space<hbm>>
      %dma_start3A_173 = tpu.memref_squeeze %dma_start3A_172 : memref<1x640x128xf32, #tpu.memory_space<hbm>> -> memref<640x128xf32, #tpu.memory_space<hbm>>
      %dma_start3A_174 = arith.constant 0 : i32
      %dma_start3A_175 = tpu.memref_slice %arg16[%mul3A_168, %dma_start3A_174] : memref<10240x128xf32, #tpu.memory_space<vmem_shared>> -> memref<640x128xf32, #tpu.memory_space<vmem_shared>>
      tpu.enqueue_dma source(%dma_start3A_175 : memref<640x128xf32, #tpu.memory_space<vmem_shared>>) target(%dma_start3A_173 : memref<640x128xf32, #tpu.memory_space<hbm>>) target_semaphore(%run_scoped3A : memref<!tpu.dma_semaphore, #tpu.memory_space<semaphore_mem>>)
      %dma_wait3A_176 = arith.constant 0 : i32
      %dma_wait3A_177 = tpu.memref_slice %arg5[%arg0, %mul3A_170, %dma_wait3A_176] : memref<2x10240x128xf32, #tpu.memory_space<hbm>> -> memref<1x640x128xf32, #tpu.memory_space<hbm>>
      %dma_wait3A_178 = tpu.memref_squeeze %dma_wait3A_177 : memref<1x640x128xf32, #tpu.memory_space<hbm>> -> memref<640x128xf32, #tpu.memory_space<hbm>>
      %dma_wait3A_179 = arith.constant 0 : i32
      %dma_wait3A_180 = tpu.memref_slice %arg16[%mul3A_168, %dma_wait3A_179] : memref<10240x128xf32, #tpu.memory_space<vmem_shared>> -> memref<640x128xf32, #tpu.memory_space<vmem_shared>>
      tpu.wait_dma2 semaphore(%run_scoped3A : memref<!tpu.dma_semaphore, #tpu.memory_space<semaphore_mem>>) src(%dma_wait3A_180 : memref<640x128xf32, #tpu.memory_space<vmem_shared>>) dst(%dma_wait3A_178 : memref<640x128xf32, #tpu.memory_space<hbm>>)
      tpu.yield
    }) : () -> ()
    return
  }
}

module attributes {stable_mosaic.version = 14 : i64} {
  func.func @_tc_scale_matmul_kernel(%arg0: i32, %arg1: memref<2x512x128xf32, #tpu.memory_space<vmem>>, %arg2: memref<512x128xf32, #tpu.memory_space<vmem>>, %arg3: memref<128x128xf32, #tpu.memory_space<vmem>>, %arg4: memref<512x128xf32, #tpu.memory_space<vmem>>) attributes {dimension_semantics = [#tpu.dimension_semantics<arbitrary>], iteration_bounds = array<i64: 20>, scalar_prefetch = 0 : i64, scratch_operands = 0 : i64, tpu.core_type = #tpu.core_type<tc>, window_params = [{transform_indices = @transform_0, window_bounds = array<i64: 2, 512, 128>}, {transform_indices = @transform_1, window_bounds = array<i64: 512, 128>}, {pipeline_mode = #tpu.pipeline_mode<synchronous>, transform_indices = @transform_2, window_bounds = array<i64: 128, 128>}, {transform_indices = @transform_3, window_bounds = array<i64: 512, 128>}]} {
    %get3A = arith.constant 0 : index
    %get3A_0 = arith.constant 0 : index
    %get3A_1 = arith.constant 0 : index
    %get3A_2 = vector.load %arg1[%get3A, %get3A_0, %get3A_1] : memref<2x512x128xf32, #tpu.memory_space<vmem>>, vector<1x512x1xf32>
    %get3A_3 = vector.shape_cast %get3A_2 : vector<1x512x1xf32> to vector<512x1xf32>
    %get3A_4 = arith.constant 1 : index
    %get3A_5 = arith.constant 0 : index
    %get3A_6 = arith.constant 0 : index
    %get3A_7 = vector.load %arg1[%get3A_4, %get3A_5, %get3A_6] : memref<2x512x128xf32, #tpu.memory_space<vmem>>, vector<1x512x1xf32>
    %get3A_8 = vector.shape_cast %get3A_7 : vector<1x512x1xf32> to vector<512x1xf32>
    %add3A = arith.addf %get3A_3, %get3A_8 : vector<512x1xf32>
    %add3A_9 = arith.constant 1.000000e+00 : f32
    %add3A_10 = vector.broadcast %add3A_9 : f32 to vector<512x1xf32>
    %add3A_11 = arith.addf %add3A, %add3A_10 : vector<512x1xf32>
    %rsqrt3A = math.rsqrt %add3A_11 : vector<512x1xf32>
    %get3A_12 = arith.constant 0 : index
    %get3A_13 = arith.constant 0 : index
    %get3A_14 = vector.load %arg2[%get3A_12, %get3A_13] : memref<512x128xf32, #tpu.memory_space<vmem>>, vector<512x128xf32>
    %get3A_15 = arith.constant 0 : index
    %get3A_16 = arith.constant 0 : index
    %get3A_17 = vector.load %arg3[%get3A_15, %get3A_16] : memref<128x128xf32, #tpu.memory_space<vmem>>, vector<128x128xf32>
    %dot_general3A = arith.constant dense<0.000000e+00> : vector<512x128xf32>
    %dot_general3A_18 = tpu.matmul %get3A_14, %get3A_17, %dot_general3A {dimension_numbers = #tpu.dot_dimension_numbers<[1], [0], [0], [1], [0, 0, 1, 1], [], []>, transpose_lhs_hint = false} : vector<512x128xf32>, vector<128x128xf32>, vector<512x128xf32> -> vector<512x128xf32>
    %mul3A = vector.broadcast %rsqrt3A : vector<512x1xf32> to vector<512x128xf32>
    %mul3A_19 = arith.mulf %mul3A, %dot_general3A_18 : vector<512x128xf32>
    %swap3A = arith.constant 0 : index
    %swap3A_20 = arith.constant 0 : index
    %swap3A_21 = vector.load %arg4[%swap3A, %swap3A_20] : memref<512x128xf32, #tpu.memory_space<vmem>>, vector<512x128xf32>
    tpu.vector_store %arg4[%swap3A, %swap3A_20], %mul3A_19 {strides = array<i32>} : memref<512x128xf32, #tpu.memory_space<vmem>>, vector<512x128xf32>,
    return
  }
  func.func @transform_0(%arg0: i32) -> (i32, i32, i32) {
    %c0_i32 = arith.constant 0 : i32
    %c0_i32_0 = arith.constant 0 : i32
    %c0_i32_1 = arith.constant 0 : i32
    return %c0_i32, %arg0, %c0_i32_0 : i32, i32, i32
  }
  func.func @transform_1(%arg0: i32) -> (i32, i32) {
    %c0_i32 = arith.constant 0 : i32
    %c0_i32_0 = arith.constant 0 : i32
    return %arg0, %c0_i32 : i32, i32
  }
  func.func @transform_2(%arg0: i32) -> (i32, i32) {
    %c0_i32 = arith.constant 0 : i32
    %c0_i32_0 = arith.constant 0 : i32
    %c0_i32_1 = arith.constant 0 : i32
    return %c0_i32, %c0_i32_0 : i32, i32
  }
  func.func @transform_3(%arg0: i32) -> (i32, i32) {
    %c0_i32 = arith.constant 0 : i32
    %c0_i32_0 = arith.constant 0 : i32
    return %arg0, %c0_i32 : i32, i32
  }
}

module attributes {stable_mosaic.version = 14 : i64} {
  func.func @_tc_mid_kernel(%arg0: i32, %arg1: memref<2x512x128xf32, #tpu.memory_space<vmem>>, %arg2: memref<2x512x128xf32, #tpu.memory_space<vmem>>, %arg3: memref<512x128xf32, #tpu.memory_space<vmem>>, %arg4: memref<1x128xf32, #tpu.memory_space<vmem>>, %arg5: memref<128x128xf32, #tpu.memory_space<vmem>>, %arg6: memref<512x128xf32, #tpu.memory_space<vmem>>) attributes {dimension_semantics = [#tpu.dimension_semantics<arbitrary>], iteration_bounds = array<i64: 20>, scalar_prefetch = 0 : i64, scratch_operands = 0 : i64, tpu.core_type = #tpu.core_type<tc>, window_params = [{transform_indices = @transform_0, window_bounds = array<i64: 2, 512, 128>}, {transform_indices = @transform_1, window_bounds = array<i64: 2, 512, 128>}, {transform_indices = @transform_2, window_bounds = array<i64: 512, 128>}, {pipeline_mode = #tpu.pipeline_mode<synchronous>, transform_indices = @transform_3, window_bounds = array<i64: 1, 128>}, {pipeline_mode = #tpu.pipeline_mode<synchronous>, transform_indices = @transform_4, window_bounds = array<i64: 128, 128>}, {transform_indices = @transform_5, window_bounds = array<i64: 512, 128>}]} {
    %get3A = arith.constant 0 : index
    %get3A_0 = arith.constant 0 : index
    %get3A_1 = arith.constant 0 : index
    %get3A_2 = vector.load %arg1[%get3A, %get3A_0, %get3A_1] : memref<2x512x128xf32, #tpu.memory_space<vmem>>, vector<1x512x1xf32>
    %get3A_3 = vector.shape_cast %get3A_2 : vector<1x512x1xf32> to vector<512x1xf32>
    %get3A_4 = arith.constant 1 : index
    %get3A_5 = arith.constant 0 : index
    %get3A_6 = arith.constant 0 : index
    %get3A_7 = vector.load %arg1[%get3A_4, %get3A_5, %get3A_6] : memref<2x512x128xf32, #tpu.memory_space<vmem>>, vector<1x512x1xf32>
    %get3A_8 = vector.shape_cast %get3A_7 : vector<1x512x1xf32> to vector<512x1xf32>
    %add3A = arith.addf %get3A_3, %get3A_8 : vector<512x1xf32>
    %add3A_9 = arith.constant 1.000000e+00 : f32
    %add3A_10 = vector.broadcast %add3A_9 : f32 to vector<512x1xf32>
    %add3A_11 = arith.addf %add3A, %add3A_10 : vector<512x1xf32>
    %rsqrt3A = math.rsqrt %add3A_11 : vector<512x1xf32>
    %get3A_12 = arith.constant 0 : index
    %get3A_13 = arith.constant 0 : index
    %get3A_14 = arith.constant 0 : index
    %get3A_15 = vector.load %arg2[%get3A_12, %get3A_13, %get3A_14] : memref<2x512x128xf32, #tpu.memory_space<vmem>>, vector<1x512x128xf32>
    %get3A_16 = vector.shape_cast %get3A_15 : vector<1x512x128xf32> to vector<512x128xf32>
    %get3A_17 = arith.constant 1 : index
    %get3A_18 = arith.constant 0 : index
    %get3A_19 = arith.constant 0 : index
    %get3A_20 = vector.load %arg2[%get3A_17, %get3A_18, %get3A_19] : memref<2x512x128xf32, #tpu.memory_space<vmem>>, vector<1x512x128xf32>
    %get3A_21 = vector.shape_cast %get3A_20 : vector<1x512x128xf32> to vector<512x128xf32>
    %add3A_22 = arith.addf %get3A_16, %get3A_21 : vector<512x128xf32>
    %get3A_23 = arith.constant 0 : index
    %get3A_24 = arith.constant 0 : index
    %get3A_25 = vector.load %arg3[%get3A_23, %get3A_24] : memref<512x128xf32, #tpu.memory_space<vmem>>, vector<512x128xf32>
    %add3A_26 = arith.addf %add3A_22, %get3A_25 : vector<512x128xf32>
    %mul3A = vector.broadcast %rsqrt3A : vector<512x1xf32> to vector<512x128xf32>
    %mul3A_27 = arith.mulf %mul3A, %add3A_26 : vector<512x128xf32>
    %get3A_28 = arith.constant 0 : index
    %get3A_29 = arith.constant 0 : index
    %get3A_30 = vector.load %arg4[%get3A_28, %get3A_29] : memref<1x128xf32, #tpu.memory_space<vmem>>, vector<1x128xf32>
    %add3A_31 = vector.broadcast %get3A_30 : vector<1x128xf32> to vector<512x128xf32>
    %add3A_32 = arith.addf %mul3A_27, %add3A_31 : vector<512x128xf32>
    %max3A = arith.constant 0.000000e+00 : f32
    %max3A_33 = vector.broadcast %max3A : f32 to vector<512x128xf32>
    %max3A_34 = arith.maximumf %add3A_32, %max3A_33 : vector<512x128xf32>
    %get3A_35 = arith.constant 0 : index
    %get3A_36 = arith.constant 0 : index
    %get3A_37 = vector.load %arg5[%get3A_35, %get3A_36] : memref<128x128xf32, #tpu.memory_space<vmem>>, vector<128x128xf32>
    %dot_general3A = arith.constant dense<0.000000e+00> : vector<512x128xf32>
    %dot_general3A_38 = tpu.matmul %max3A_34, %get3A_37, %dot_general3A {dimension_numbers = #tpu.dot_dimension_numbers<[1], [0], [0], [1], [0, 0, 1, 1], [], []>, transpose_lhs_hint = false} : vector<512x128xf32>, vector<128x128xf32>, vector<512x128xf32> -> vector<512x128xf32>
    %mul3A_39 = vector.broadcast %rsqrt3A : vector<512x1xf32> to vector<512x128xf32>
    %mul3A_40 = arith.mulf %mul3A_39, %dot_general3A_38 : vector<512x128xf32>
    %swap3A = arith.constant 0 : index
    %swap3A_41 = arith.constant 0 : index
    %swap3A_42 = vector.load %arg6[%swap3A, %swap3A_41] : memref<512x128xf32, #tpu.memory_space<vmem>>, vector<512x128xf32>
    tpu.vector_store %arg6[%swap3A, %swap3A_41], %mul3A_40 {strides = array<i32>} : memref<512x128xf32, #tpu.memory_space<vmem>>, vector<512x128xf32>,
    return
  }
  func.func @transform_0(%arg0: i32) -> (i32, i32, i32) {
    %c0_i32 = arith.constant 0 : i32
    %c0_i32_0 = arith.constant 0 : i32
    %c0_i32_1 = arith.constant 0 : i32
    return %c0_i32, %arg0, %c0_i32_0 : i32, i32, i32
  }
  func.func @transform_1(%arg0: i32) -> (i32, i32, i32) {
    %c0_i32 = arith.constant 0 : i32
    %c0_i32_0 = arith.constant 0 : i32
    %c0_i32_1 = arith.constant 0 : i32
    return %c0_i32, %arg0, %c0_i32_0 : i32, i32, i32
  }
  func.func @transform_2(%arg0: i32) -> (i32, i32) {
    %c0_i32 = arith.constant 0 : i32
    %c0_i32_0 = arith.constant 0 : i32
    return %arg0, %c0_i32 : i32, i32
  }
  func.func @transform_3(%arg0: i32) -> (i32, i32) {
    %c0_i32 = arith.constant 0 : i32
    %c0_i32_0 = arith.constant 0 : i32
    %c0_i32_1 = arith.constant 0 : i32
    return %c0_i32, %c0_i32_0 : i32, i32
  }
  func.func @transform_4(%arg0: i32) -> (i32, i32) {
    %c0_i32 = arith.constant 0 : i32
    %c0_i32_0 = arith.constant 0 : i32
    %c0_i32_1 = arith.constant 0 : i32
    return %c0_i32, %c0_i32_0 : i32, i32
  }
  func.func @transform_5(%arg0: i32) -> (i32, i32) {
    %c0_i32 = arith.constant 0 : i32
    %c0_i32_0 = arith.constant 0 : i32
    return %arg0, %c0_i32 : i32, i32
  }
}

module attributes {stable_mosaic.version = 14 : i64} {
  func.func @_tc_final_kernel(%arg0: i32, %arg1: memref<2x400x128xf32, #tpu.memory_space<vmem>>, %arg2: memref<2x400x128xf32, #tpu.memory_space<vmem>>, %arg3: memref<400x128xf32, #tpu.memory_space<vmem>>, %arg4: memref<1x128xf32, #tpu.memory_space<vmem>>, %arg5: memref<400x128xf32, #tpu.memory_space<vmem>>) attributes {dimension_semantics = [#tpu.dimension_semantics<arbitrary>], iteration_bounds = array<i64: 25>, scalar_prefetch = 0 : i64, scratch_operands = 0 : i64, tpu.core_type = #tpu.core_type<tc>, window_params = [{transform_indices = @transform_0, window_bounds = array<i64: 2, 400, 128>}, {transform_indices = @transform_1, window_bounds = array<i64: 2, 400, 128>}, {transform_indices = @transform_2, window_bounds = array<i64: 400, 128>}, {pipeline_mode = #tpu.pipeline_mode<synchronous>, transform_indices = @transform_3, window_bounds = array<i64: 1, 128>}, {transform_indices = @transform_4, window_bounds = array<i64: 400, 128>}]} {
    %get3A = arith.constant 0 : index
    %get3A_0 = arith.constant 0 : index
    %get3A_1 = arith.constant 0 : index
    %get3A_2 = vector.load %arg1[%get3A, %get3A_0, %get3A_1] : memref<2x400x128xf32, #tpu.memory_space<vmem>>, vector<1x400x1xf32>
    %get3A_3 = vector.shape_cast %get3A_2 : vector<1x400x1xf32> to vector<400x1xf32>
    %get3A_4 = arith.constant 1 : index
    %get3A_5 = arith.constant 0 : index
    %get3A_6 = arith.constant 0 : index
    %get3A_7 = vector.load %arg1[%get3A_4, %get3A_5, %get3A_6] : memref<2x400x128xf32, #tpu.memory_space<vmem>>, vector<1x400x1xf32>
    %get3A_8 = vector.shape_cast %get3A_7 : vector<1x400x1xf32> to vector<400x1xf32>
    %add3A = arith.addf %get3A_3, %get3A_8 : vector<400x1xf32>
    %add3A_9 = arith.constant 1.000000e+00 : f32
    %add3A_10 = vector.broadcast %add3A_9 : f32 to vector<400x1xf32>
    %add3A_11 = arith.addf %add3A, %add3A_10 : vector<400x1xf32>
    %rsqrt3A = math.rsqrt %add3A_11 : vector<400x1xf32>
    %get3A_12 = arith.constant 0 : index
    %get3A_13 = arith.constant 0 : index
    %get3A_14 = arith.constant 0 : index
    %get3A_15 = vector.load %arg2[%get3A_12, %get3A_13, %get3A_14] : memref<2x400x128xf32, #tpu.memory_space<vmem>>, vector<1x400x128xf32>
    %get3A_16 = vector.shape_cast %get3A_15 : vector<1x400x128xf32> to vector<400x128xf32>
    %get3A_17 = arith.constant 1 : index
    %get3A_18 = arith.constant 0 : index
    %get3A_19 = arith.constant 0 : index
    %get3A_20 = vector.load %arg2[%get3A_17, %get3A_18, %get3A_19] : memref<2x400x128xf32, #tpu.memory_space<vmem>>, vector<1x400x128xf32>
    %get3A_21 = vector.shape_cast %get3A_20 : vector<1x400x128xf32> to vector<400x128xf32>
    %add3A_22 = arith.addf %get3A_16, %get3A_21 : vector<400x128xf32>
    %get3A_23 = arith.constant 0 : index
    %get3A_24 = arith.constant 0 : index
    %get3A_25 = vector.load %arg3[%get3A_23, %get3A_24] : memref<400x128xf32, #tpu.memory_space<vmem>>, vector<400x128xf32>
    %add3A_26 = arith.addf %add3A_22, %get3A_25 : vector<400x128xf32>
    %mul3A = vector.broadcast %rsqrt3A : vector<400x1xf32> to vector<400x128xf32>
    %mul3A_27 = arith.mulf %mul3A, %add3A_26 : vector<400x128xf32>
    %get3A_28 = arith.constant 0 : index
    %get3A_29 = arith.constant 0 : index
    %get3A_30 = vector.load %arg4[%get3A_28, %get3A_29] : memref<1x128xf32, #tpu.memory_space<vmem>>, vector<1x128xf32>
    %add3A_31 = vector.broadcast %get3A_30 : vector<1x128xf32> to vector<400x128xf32>
    %add3A_32 = arith.addf %mul3A_27, %add3A_31 : vector<400x128xf32>
    %max3A = arith.constant 0.000000e+00 : f32
    %max3A_33 = vector.broadcast %max3A : f32 to vector<400x128xf32>
    %max3A_34 = arith.maximumf %add3A_32, %max3A_33 : vector<400x128xf32>
    %swap3A = arith.constant 0 : index
    %swap3A_35 = arith.constant 0 : index
    %swap3A_36 = vector.load %arg5[%swap3A, %swap3A_35] : memref<400x128xf32, #tpu.memory_space<vmem>>, vector<400x128xf32>
    tpu.vector_store %arg5[%swap3A, %swap3A_35], %max3A_34 {strides = array<i32>} : memref<400x128xf32, #tpu.memory_space<vmem>>, vector<400x128xf32>,
    return
  }
  func.func @transform_0(%arg0: i32) -> (i32, i32, i32) {
    %c0_i32 = arith.constant 0 : i32
    %c0_i32_0 = arith.constant 0 : i32
    %c0_i32_1 = arith.constant 0 : i32
    return %c0_i32, %arg0, %c0_i32_0 : i32, i32, i32
  }
  func.func @transform_1(%arg0: i32) -> (i32, i32, i32) {
    %c0_i32 = arith.constant 0 : i32
    %c0_i32_0 = arith.constant 0 : i32
    %c0_i32_1 = arith.constant 0 : i32
    return %c0_i32, %arg0, %c0_i32_0 : i32, i32, i32
  }
  func.func @transform_2(%arg0: i32) -> (i32, i32) {
    %c0_i32 = arith.constant 0 : i32
    %c0_i32_0 = arith.constant 0 : i32
    return %arg0, %c0_i32 : i32, i32
  }
  func.func @transform_3(%arg0: i32) -> (i32, i32) {
    %c0_i32 = arith.constant 0 : i32
    %c0_i32_0 = arith.constant 0 : i32
    %c0_i32_1 = arith.constant 0 : i32
    return %c0_i32, %c0_i32_0 : i32, i32
  }
  func.func @transform_4(%arg0: i32) -> (i32, i32) {
    %c0_i32 = arith.constant 0 : i32
    %c0_i32_0 = arith.constant 0 : i32
    return %arg0, %c0_i32 : i32, i32
  }
}

</mosaic_0001>

<sc_bundles>
// kernel: kernel.11.cloned.1.call-start
scs
__scs_entry_jumppad:
0x0: {  	(pc) =	sbr.rel $0x88, $3  }
0x1: {  	(tag) =	ssettag $0x0;
	lr =	simm.s32 $0x1  }
0x2: {  	[smem:$0x3F9B] =	sst lr;
	_ =	strace $0xD0000000  }
0x3: {  	_ = 	snop  }
0x4: {  	_ = 	snop  }
0x5: {  	_ = 	snop  }
0x6: {  	_ = 	snop  }
0x7: {  	_ = 	snop  }
__scs_overlays_trampoline_lowered:
0x8: {  	[smem:$0x3FAA] =	sst s0  }
0x9: {  	[smem:$0x3FAB] =	sst s1  }
0xa: {  	[smem:$0x3FAC] =	sst s2  }
0xb: {  	[smem:$0x3FAD] =	sst s3  }
0xc: {  	[smem:$0x3FAE] =	sst s4  }
0xd: {  	[smem:$0x3FAF] =	sst s5  }
0xe: {  	[smem:$0x3FB0] =	sst s6  }
0xf: {  	[smem:$0x3FB1] =	sst s7  }
0x10: {  	[smem:$0x3FB2] =	sst s8  }
0x11: {  	[smem:$0x3FB3] =	sst s9;
	s0 =	simm.s32 @!p0 $0x0  }
0x12: {  	s1 =	sld [smem:$0x3F99];
	s0 =	simm.s32 @p0 $0x1  }
0x13: {  	[smem:$0x3FB4] =	sst s0;
	s0 =	simm.s32 @!p1 $0x0  }
0x14: {  	s2 =	sld [smem:$0x3F98];
	s0 =	simm.s32 @p1 $0x1  }
0x15: {  	[smem:$0x3FB5] =	sst s0;
	s0 =	simm.s32 @!p2 $0x0  }
0x16: {  	s3 =	sld [smem:$0x3FDB];
	s0 =	simm.s32 @p2 $0x1  }
0x17: {  	s4 =	simm.s32 $0x1BF5;
	[smem:$0x3FB7] =	sst s0  }
0x18: {  	s0 =	sld [smem:$0x3F9A];
	_ =	swait.ge [sflag:s4], $0x0  }
0x19: {  	s7 =	sld [smem:$0x3F9B]  }
0x1a: {  	s8 =	sadd.s32 $0xFFFFE003, lr  }
0x1b: {  	s9 =	sadd.s32 $0xFFFFFEF7, lr;
	s5 =	simm.s32 $0xFFFFFFFF;
	p2 =	slt.u32 s8, $0xFFFFF086  }
0x1c: {  	p1 =	slt.u32 s9, $0xF7A;
	s5 =	simm.s32 @!p2 $0x0  }
0x1d: {  	s5 =	simm.s32 @p1 $0x1;
	p0 =	seq.s32 s7, s2  }
0x1e: {  	s7 =	smul.u32 @!p0 $0xF7A, s2;
	p2 =	seq.s32 @!p0 s5, $0x0  }
0x1f: {  	s9 =	smul.u32 $0xF7A, s1;
	s8 =	simm.s32 @!p0 $0x1BF5;
	p2 =	por !p2, p0  }
0x20: {  	[sflag:s8] =	ssyncset.s32 @!p0 $0xFFFFF086;
	s6 =	sadd.s32 @!p0 s3, s7;
	s7 =	simm.s32 @!p0 $0x108  }
0x21: {  	s3 =	sadd.s32 s3, s9;
	s6 =	sadd.s32 @!p0 $0x88, s6;
	s7 =	simm.s32 @p2 $0x1082  }
0x22: {  	[simem:s7], [sflag:s8] =	dma.local @!p0 [hbm:s6], $0xF7A  }
0x23: {  	s9 =	sor.u32 $0xD0000000, s2;
	s6 =	simm.s32 $0x108;
	_ =	swait.ge @!p0 [sflag:s8], $0x0  }
0x24: {  	s3 =	sadd.s32 $0x88, s3;
	s6 =	simm.s32 @!p1 $0x1082;
	[sflag:s4] =	ssyncset.s32 $0xFFFFF086  }
0x25: {  	[simem:s6], [sflag:s4] =	dma.local [hbm:s3], $0xF7A  }
0x26: {  	[smem:$0x3F9B] =	sst s1;
	(tag) =	ssettag s2;
	_ =	strace s9  }
0x27: {  	s1 =	sld [smem:$0x3FAB]  }
0x28: {  	s2 =	sld [smem:$0x3FAC]  }
0x29: {  	s4 =	sld [smem:$0x3FAE]  }
0x2a: {  	p0 =	seq.s32 s5, $0x0;
	s5 =	sld [smem:$0x3FAF]  }
0x2b: {  	s6 =	sld [smem:$0x3FB0]  }
0x2c: {  	s7 =	sld [smem:$0x3FB1]  }
0x2d: {  	s3 =	simm.s32 $0x108;
	s8 =	sld [smem:$0x3FB2]  }
0x2e: {  	s3 =	simm.s32 @!p0 $0x1082;
	s9 =	sld [smem:$0x3FB3]  }
0x2f: {  	lr =	sadd.s32 s0, s3;
	s0 =	sld [smem:$0x3FAA]  }
0x30: {  	s3 =	sld [smem:$0x3FAD]  }
0x31: {  	[smem:$0x3FB6] =	sst s10  }
0x32: {  	s10 =	sld [smem:$0x3FB4];
	_ =	sdelay $0x3  }
0x33: {  	p0 =	seq.s32 s10, $0x1;
	s10 =	sld [smem:$0x3FB6];
	_ =	sdelay $0x3  }
0x34: {  	[smem:$0x3FB6] =	sst s10  }
0x35: {  	s10 =	sld [smem:$0x3FB5];
	_ =	sdelay $0x3  }
0x36: {  	p1 =	seq.s32 s10, $0x1;
	s10 =	sld [smem:$0x3FB6];
	_ =	sdelay $0x3  }
0x37: {  	[smem:$0x3FB6] =	sst s10  }
0x38: {  	s10 =	sld [smem:$0x3FB7]  }
0x39: {  	_ = 	snop;
	(pc) =	sbr.ind lr, $3  }
0x3a: {  	_ = 	snop  }
0x3b: {  	_ = 	snop  }
0x3c: {  	p2 =	seq.s32 s10, $0x1;
	s10 =	sld [smem:$0x3FB6]  }
0x3d: {  	_ =	shalt  }
0x3e: {  	_ =	shalt  }
0x3f: {  	_ =	shalt  }
0x40: {  	_ =	shalt  }
0x41: {  	_ =	shalt  }
0x42: {  	_ =	shalt  }
0x43: {  	_ =	shalt  }
0x44: {  	_ =	shalt  }
0x45: {  	_ =	shalt  }
0x46: {  	_ =	shalt  }
0x47: {  	_ =	shalt  }
0x48: {  	_ =	shalt  }
0x49: {  	_ =	shalt  }
0x4a: {  	_ =	shalt  }
0x4b: {  	_ =	shalt  }
0x4c: {  	_ =	shalt  }
0x4d: {  	_ =	shalt  }
0x4e: {  	_ =	shalt  }
0x4f: {  	_ =	shalt  }
0x50: {  	_ =	shalt  }
0x51: {  	_ =	shalt  }
0x52: {  	_ =	shalt  }
0x53: {  	_ =	shalt  }
0x54: {  	_ =	shalt  }
0x55: {  	_ =	shalt  }
0x56: {  	_ =	shalt  }
0x57: {  	_ =	shalt  }
0x58: {  	_ =	shalt  }
0x59: {  	_ =	shalt  }
0x5a: {  	_ =	shalt  }
0x5b: {  	_ =	shalt  }
0x5c: {  	_ =	shalt  }
0x5d: {  	_ =	shalt  }
0x5e: {  	_ =	shalt  }
0x5f: {  	_ =	shalt  }
0x60: {  	_ =	shalt  }
0x61: {  	_ =	shalt  }
0x62: {  	_ =	shalt  }
0x63: {  	_ =	shalt  }
0x64: {  	_ =	shalt  }
0x65: {  	_ =	shalt  }
0x66: {  	_ =	shalt  }
0x67: {  	_ =	shalt  }
0x68: {  	_ =	shalt  }
0x69: {  	_ =	shalt  }
0x6a: {  	_ =	shalt  }
0x6b: {  	_ =	shalt  }
0x6c: {  	_ =	shalt  }
0x6d: {  	_ =	shalt  }
0x6e: {  	_ =	shalt  }
0x6f: {  	_ =	shalt  }
0x70: {  	_ =	shalt  }
0x71: {  	_ =	shalt  }
0x72: {  	_ =	shalt  }
0x73: {  	_ =	shalt  }
0x74: {  	_ =	shalt  }
0x75: {  	_ =	shalt  }
0x76: {  	_ =	shalt  }
0x77: {  	_ =	shalt  }
0x78: {  	_ =	shalt  }
0x79: {  	_ =	shalt  }
0x7a: {  	_ =	shalt  }
0x7b: {  	_ =	shalt  }
0x7c: {  	_ =	shalt  }
0x7d: {  	_ =	shalt  }
0x7e: {  	_ =	shalt  }
0x7f: {  	_ =	shalt  }
0x80: {  	_ =	shalt  }
0x81: {  	_ =	shalt  }
0x82: {  	_ =	shalt  }
0x83: {  	_ =	shalt  }
0x84: {  	_ =	shalt  }
0x85: {  	_ =	shalt  }
0x86: {  	_ =	shalt  }
0x87: {  	_ =	shalt  }
.Lfunc_end0:
.L_simem_size_0:
called_computation.1_lowered:
.L_overlay_start_0:
0x88: {  	s2 =	sld [smem:$0x3FD9]  }
0x89: {  	s3 =	sld [smem:$0x3FFE];
	_ =	sdelay $0x1  }
0x8a: {  	s1 =	srdreg.scid  }
0x8b: {  	s0 =	sand.u32 $0x1, s1  }
0x8c: {  	s17 =	sshll.u32 s0, $0xA;
	s2 =	sadd.s32 s3, s2  }
0x8d: {  	s2 =	sadd.s32 s2, s17  }
0x8e: {  	[smem:$0x3FC2] =	sst s2  }
0x8f: {  	_ = 	snop  }
0x90: {  	s2 =	sld [smem:$0x3FD0];
	(tm) =	ssettm $0x1  }
0x91: {  	s18 =	sld [smem:$0x3FFB];
	_ =	sdelay $0x3  }
0x92: {  	_ =	strace s18  }
0x93: {  	s3 =	sld [smem:$0x3FFC];
	_ =	sdelay $0x3  }
0x94: {  	_ =	strace s3  }
0x95: {  	s3 =	sld [smem:$0x3FFD];
	_ =	sdelay $0x3  }
0x96: {  	_ =	strace s3  }
0x97: {  	_ =	strace $0x8FFFFFFF  }
0x98: {  	s19 =	sld [smem:$0x3FDB];
	_ =	sdelay $0x1  }
0x99: {  	s4 =	simm.s32 $_scs_section_size  }
0x9a: {  	s5 =	simm.s32 $_size__tile_overlayer_lowered;
	s6 =	simm.s32 $_tile_overlayer_lowered  }
0x9b: {  	s22 =	simm.s32 $0x1BFF;
	s21 =	sshll.u32 s6, $0x1;
	s3 =	sadd.s32 s4, s19  }
0x9c: {  	s7 =	simm.s32 $0x0;
	s20 =	sshll.u32 s5, $0x1;
	s5 =	sadd.s32 s21, s3  }
0x9d: {  	[timem:s7], [sflag:s22] =	dma.local [hbm:s5], s20  }
0x9e: {  	_ =	swait.ge [sflag:s22], s20  }
0x9f: {  	s4 =	ssub.s32 $0x0, s20;
	[sflag:s22] =	ssyncset.done $0x0  }
0xa0: {  	[sflag:s22] =	ssyncadd.s32 s4;
	_ =	sdelay $0x1  }
0xa1: {  	s23 =	simm.s32 $0x1B8B  }
0xa2: {  	_ =	swait.ge [sflag:s23], $0x1  }
0xa3: {  	[sflag:s23] =	ssyncset.done $0x0  }
0xa4: {  	s25 =	simm.s32 $0x1B8E;
	s24 =	sld [smem:$0x3FFE];
	[sflag:s23] =	ssyncadd.s32 $0xFFFFFFFF  }
0xa5: {  	s26 =	simm.s32 $execute0_lowered;
	[smem:$0x3FD2] =	sst s25  }
0xa6: {  	s5 =	sshll.u32 s26, $0x1;
	_ =	strace $0x80000049;
	[dreg:$0x1] =	wrdreg $0xFFFFFFFF  }
0xa7: {  	s28 =	simm.s32 $_size_execute0_lowered;
	s3 =	sadd.s32 s3, s5;
	[dreg:$0x0] =	wrdreg $0x0  }
0xa8: {  	s5 =	sshll.u32 s28, $0x1;
	[dreg:$0x2] =	wrdreg s3  }
0xa9: {  	[dreg:$0x3] =	wrdreg s5  }
0xaa: {  	[dreg:$0x4] =	wrdreg $0xC0  }
0xab: {  	_ =	task [dreg:s7], $0x5FFFF  }
0xac: {  	[dreg:$0x1] =	wrdreg $0xFFFFFFFF  }
0xad: {  	[dreg:$0x0] =	wrdreg $0x60  }
0xae: {  	[dreg:$0x2] =	wrdreg s24  }
0xaf: {  	[dreg:$0x3] =	wrdreg s2  }
0xb0: {  	[dreg:$0x4] =	wrdreg $0x84000  }
0xb1: {  	[dreg:$0x5] =	wrdreg $0x9  }
0xb2: {  	_ =	task.clear_ibuf [dreg:s7], $0x6FFFF;
	_ =	strace $0x90000049  }
0xb3: {  	s29 =	simm.s32 $0x9;
	_ =	strace $0x8000004B  }
0xb4: {  	_ =	swait.ge [sflag:s29], $0x1  }
0xb5: {  	[sflag:s29] =	ssyncadd.s32 $0xFFFFFFFF  }
0xb6: {  	_ =	strace $0x9000004B  }
0xb7: {  	_ =	sfence  }
0xb8: {  	s30 =	sld [smem:$0x0];
	_ =	sdelay $0x2  }
0xb9: {  	s31 =	sshll.u32 s1, $0xD;
	s1 =	sshrl.u32 s1, $0x2  }
0xba: {  	s3 =	sand.u32 $0x4000, s31;
	s1 =	sadd.s32 s1, s30  }
0xbb: {  	s0 =	sor.u32 s3, s0;
	s1 =	sshll.u32 s1, $0x11  }
0xbc: {  	s0 =	sor.u32 s1, s0  }
0xbd: {  	s0 =	sadd.s32 $0x8F2B, s0  }
0xbe: {  	[sflag:s0] =	ssyncadd.remote.s32 $0x1  }
0xbf: {  	_ =	sfence.sel $0xFFFF  }
0xc0: {  	[dreg:$0x0] =	wrdreg $0xFFFFFFFF;
	(pc) =	sbr.abs _section_cstart, $3  }
0xc1: {  	[dreg:$0x1] =	wrdreg $0xFFFFFFFF  }
0xc2: {  	_ =	task.clear_ibuf [dreg:s7], $0x2FFFF;
	_ =	strace $0x9FFFFFFF  }
0xc3: {  	(tm) =	ssettm $0x7FFFFFFF  }
tec
execute0_lowered:
.L_overlay_start_1:
0x0: {  	(tag) =	ssettag $0x1  }
0x1: {  	s0 =	rddreg [dreg:$0x0]  }
0x2: {  	s1 =	rddreg [dreg:$0x1]  }
0x3: {  	s2 =	rddreg [dreg:$0x2];
	s3 =	srdreg.scid  }
0x4: {  	s4 =	simm.s32 $0x0;
	s13 =	stileid.u32;
	s28 =	simm.s32 $0x5  }
0x5: {  	s29 =	simm.s32 $0x8;
	s30 =	simm.s32 $0x2;
	s8 =	smul.u32 $0x14000, s13  }
0x6: {  	s31 =	simm.s32 $0x100;
	s3 =	sand.u32 $0x1, s3;
	s10 =	smul.u32 $0x50000, s13  }
0x7: {  	[smem:$0x7FF] =	sst s4;
	s5 =	sadd.s32 $0xC000, s0;
	s20 =	smul.u32 $0xA00, s13  }
0x8: {  	s6 =	sadd.s32 $0x2000, s0;
	s15 =	sshll.u32 s13, $0x1;
	s7 =	smul.u32 $0x140000, s3  }
0x9: {  	s13 =	simm.s32 $0x0;
	_ =	strace $0x8000004A;
	s9 =	ssub.s32 $0x2, s3  }
0xa: {  	s11 =	sshrl.u32 s9, $0x1;
	s16 =	sshrl.u32 s10, $0x2;
	s7 =	sadd.s32 s8, s7  }
0xb: {  	s8 =	sor.u32 s3, s15;
	s9 =	ssub.s32 s9, s11;
	s3 =	smul.u32 $0x500, s3  }
0xc: {  	s11 =	simm.s32 $0x180;
	s7 =	sshrl.u32 s7, $0x3;
	s12 =	smul.u32 $0x500, s8  }
0xd: {  	s8 =	smul.u32 $0x50, s8;
	s21 =	smax.u32 s9, $0x1;
	s9 =	simm.s32 $0x7  }
0xe: {  	s0 =	sadd.s32 s7, s0;
	[dreg:$0xa] =	wrdreg s21;
	s25 =	sadd.s32 s3, s20  }
0xf: {  	s7 =	sadd.s32 s16, s2;
	s17 =	sadd.s32 s1, s12;
	[dreg:$0x4] =	wrdreg s25  }
0x10: {  	s20 =	simm.s32 $0x9;
	s18 =	sadd.s32 s6, s12;
	[dreg:$0x5] =	wrdreg s17  }
0x11: {  	s21 =	simm.s32 $0x200;
	s0 =	sadd.s32 $0x34000, s0;
	[dreg:$0x6] =	wrdreg s18  }
0x12: {  	s3 =	simm.s32 $0x6;
	s22 =	sadd.s32 $0x4000, s7;
	[dreg:$0x9] =	wrdreg s0  }
0x13: {  	s19 =	sor.u32 $0x10, s12;
	s23 =	sadd.s32 $0x8000, s7;
	[dreg:$0xb] =	wrdreg s22  }
0x14: {  	s24 =	sadd.s32 $0xC000, s7;
	s26 =	sadd.s32 $0x10000, s7;
	[dreg:$0xc] =	wrdreg s23  }
0x15: {  	s25 =	simm.s32 $0x380;
	s12 =	sadd.s32 s1, s19;
	[dreg:$0xd] =	wrdreg s24  }
0x16: {  	v8 =	vlaneseq.u32;
	s10 =	sadd.s32 s6, s19;
	[dreg:$0xe] =	wrdreg s26;
	s19 =	simm.s32 $0x400  }
0x17: {  	v0 =	vimm.f32 $0.0e+00;
	v1 =	vor.u32 $0x2720, v8;
	v2 =	vor.u32 $0x2730, v8;
	s22 =	simm.s32 $0x80;
	s23 =	simm.s32 $0x280;
	s24 =	simm.s32 $0x1  }
0x18: {  	v3 =	vor.u32 $0x2740, v8;
	v4 =	vor.u32 $0x2750, v8;
	v5 =	vor.u32 $0x2760, v8;
	s26 =	simm.s32 $0x4400;
	s0 =	simm.s32 $0x300;
	[dreg:$0x7] =	wrdreg s12  }
0x19: {  	v6 =	vor.u32 $0x2770, v8;
	v7 =	vor.u32 $0x2780, v8;
	v8 =	vor.u32 $0x2790, v8;
	[dreg:$0x8] =	wrdreg s10;
	s10 =	simm.s32 $0x3;
	s12 =	simm.s32 $0x4  }
.LBB2_1:
0x1a: {  	s14 =	sand.u32 $0xFE00, s4  }
0x1b: {  	s15 =	sand.u32 $0x70, s4;
	s16 =	sshrl.u32 s14, $0x2  }
0x1c: {  	s14 =	simm.s32 $0x40;
	s16 =	sor.u32 s15, s16;
	s15 =	simm.s32 $0x0  }
.LBB2_2:
0x1d: {  	p0 =	sne.s32 s14, $0xFFC0  }
0x1e: {  	[tilespmem:s16+$0x400] =	vst v0;
	s15 =	sadd.s32 $0x10, s15;
	s16 =	smov.u32 s14;
	s14 =	sadd.s32 $0x40, s14  }
.Ltmp0:
0x1f: {  	(pc) =	sbr.rel @p0 .LBB2_2-.Ltmp0, $4  }
0x20: {  	_ = 	snop  }
0x21: {  	s16 =	sand.u32 $0xFE00, s16  }
0x22: {  	s17 =	sand.u32 $0x70, s15;
	s16 =	sshrl.u32 s16, $0x2  }
0x23: {  	s16 =	sor.u32 s17, s16  }
0x24: {  	[tilespmem:s16+$0x400] =	vst v0  }
0x25: {  	[spmem:s7] =	stream.linear.scatter [tilespmem:s19], [sflag:$0x9], $0x4000, $0x38;
	[tilespmem:$0x1C400] =	vst v63  }
0x26: {  	_ =	swait.ge [sflag:s20], $0x4000  }
0x27: {  	[sflag:s20] =	ssyncset.done $0x0  }
0x28: {  	s14 =	rddreg [dreg:$0xb];
	[sflag:s20] =	ssyncadd.s32 $0xFFFFC000  }
0x29: {  	[spmem:s14] =	stream.linear.scatter [tilespmem:s19], [sflag:$0x9], $0x4000, $0x38;
	[tilespmem:$0x1C400] =	vst v63  }
0x2a: {  	_ =	swait.ge [sflag:s20], $0x4000  }
0x2b: {  	[sflag:s20] =	ssyncset.done $0x0  }
0x2c: {  	s17 =	rddreg [dreg:$0xc];
	[sflag:s20] =	ssyncadd.s32 $0xFFFFC000  }
0x2d: {  	[spmem:s17] =	stream.linear.scatter [tilespmem:s19], [sflag:$0x9], $0x4000, $0x38;
	[tilespmem:$0x1C400] =	vst v63  }
0x2e: {  	_ =	swait.ge [sflag:s20], $0x4000  }
0x2f: {  	[sflag:s20] =	ssyncset.done $0x0  }
0x30: {  	s18 =	rddreg [dreg:$0xd];
	[sflag:s20] =	ssyncadd.s32 $0xFFFFC000  }
0x31: {  	[spmem:s18] =	stream.linear.scatter [tilespmem:s19], [sflag:$0x9], $0x4000, $0x38;
	[tilespmem:$0x1C400] =	vst v63  }
0x32: {  	_ =	swait.ge [sflag:s20], $0x4000  }
0x33: {  	[sflag:s20] =	ssyncset.done $0x0  }
0x34: {  	s15 =	rddreg [dreg:$0xe];
	[sflag:s20] =	ssyncadd.s32 $0xFFFFC000  }
0x35: {  	[spmem:s15] =	stream.linear.scatter [tilespmem:s19], [sflag:$0x9], $0x4000, $0x38;
	[tilespmem:$0x1C400] =	vst v63  }
0x36: {  	_ =	swait.ge [sflag:s20], $0x4000  }
0x37: {  	[sflag:s20] =	ssyncset.done $0x0  }
0x38: {  	[sflag:s20] =	ssyncadd.s32 $0xFFFFC000  }
0x39: {  	[bflag:$0x0] =	sbarrier.arrive $0xFFFF  }
0x3a: {  	s14 =	simm.s32 $0x0;
	s15 =	rddreg [dreg:$0x5]  }
0x3b: {  	[tilespmem:s14], [sflag:$0x1] =	stream.linear.gather [hbm4b:s15+s14], $0x80, $0x38;
	[tilespmem:$0x1C400] =	vst v63  }
0x3c: {  	s16 =	rddreg [dreg:$0x6]  }
0x3d: {  	[tilespmem:s21], [sflag:$0x1] =	stream.linear.gather [hbm4b:s16+s14], $0x80, $0x38;
	[tilespmem:$0x1C400] =	vst v63  }
0x3e: {  	s17 =	rddreg [dreg:$0x7]  }
0x3f: {  	[tilespmem:s22], [sflag:$0x2] =	stream.linear.gather [hbm4b:s17+s14], $0x80, $0x38;
	[tilespmem:$0x1C400] =	vst v63  }
0x40: {  	s18 =	rddreg [dreg:$0x8]  }
0x41: {  	[tilespmem:s23], [sflag:$0x2] =	stream.linear.gather [hbm4b:s18+s14], $0x80, $0x38;
	[tilespmem:$0x1C400] =	vst v63  }
0x42: {  	[tilespmem:$0x380] =	vst v1  }
0x43: {  	[tilespmem:$0x390] =	vst v2  }
0x44: {  	[tilespmem:$0x3A0] =	vst v3  }
0x45: {  	[tilespmem:$0x3B0] =	vst v4  }
0x46: {  	[tilespmem:$0x3C0] =	vst v5  }
0x47: {  	[tilespmem:$0x3D0] =	vst v6  }
0x48: {  	[tilespmem:$0x3E0] =	vst v7  }
0x49: {  	[tilespmem:$0x3F0] =	vst v8  }
0x4a: {  	_ =	swait.ge [sflag:s24], $0x80  }
0x4b: {  	[sflag:s24] =	ssyncset.done $0x0  }
0x4c: {  	[sflag:s24] =	ssyncadd.s32 $0xFFFFFF80  }
0x4d: {  	_ =	swait.ge [sflag:s24], $0x80  }
0x4e: {  	[sflag:s24] =	ssyncset.done $0x0  }
0x4f: {  	[sflag:s24] =	ssyncadd.s32 $0xFFFFFF80  }
0x50: {  	[tilespmem:s19], [sflag:$0x5] =	stream.indirect.gather [hbm4b:s5+s22], $0x80, s14, s22, $0xb8;
	[tilespmem:$0x1C400] =	vst v63  }
0x51: {  	_ = 	snop  }
0x52: {  	[spmem:s2] =	stream.indirect.scatter.add.f32 [tilespmem:s26], [sflag:$0x8], $0x80, s25, s22, $0xb8;
	[tilespmem:$0x1C400] =	vst v63  }
0x53: {  	_ =	swait.ge [sflag:s28], $0x4000  }
0x54: {  	[sflag:s28] =	ssyncset.done $0x0  }
0x55: {  	[sflag:s28] =	ssyncadd.s32 $0xFFFFC000  }
0x56: {  	_ =	swait.ge [sflag:s29], $0x4000  }
0x57: {  	[sflag:s29] =	ssyncset.done $0x0  }
0x58: {  	[sflag:s29] =	ssyncadd.s32 $0xFFFFC000  }
0x59: {  	_ =	swait.ge [sflag:s30], $0x80  }
0x5a: {  	[sflag:s30] =	ssyncset.done $0x0  }
0x5b: {  	[sflag:s30] =	ssyncadd.s32 $0xFFFFFF80  }
0x5c: {  	_ =	swait.ge [sflag:s30], $0x80  }
0x5d: {  	[sflag:s30] =	ssyncset.done $0x0;
	s16 =	rddreg [dreg:$0x4]  }
0x5e: {  	[sflag:s30] =	ssyncadd.s32 $0xFFFFFF80;
	s15 =	sadd.s32 $0x0, s16  }
0x5f: {  	[tilespmem:s26], [sflag:$0x6] =	stream.indirect.gather [hbm4b:s5+s22], $0x80, s22, s22, $0xb8;
	[tilespmem:$0x1C400] =	vst v63  }
0x60: {  	s17 =	sand.u32 $0x40, s14;
	s15 =	sand.u32 $0xFFFFF80, s15  }
0x61: {  	s15 =	sor.u32 s15, s17  }
0x62: {  	[spmem:s2] =	stream.indirect.scatter.add.f32 [tilespmem:s19], [sflag:$0x7], $0x80, s21, s22, $0xb8;
	[tilespmem:$0x1C400] =	vst v63  }
0x63: {  	s16 =	sor.u32 $0x20, s15  }
0x64: {  	s17 =	sadd.s32 s1, s16  }
0x65: {  	[tilespmem:s31], [sflag:$0x3] =	stream.linear.gather [hbm4b:s17+s4], $0x80, $0x38;
	[tilespmem:$0x1C400] =	vst v63  }
0x66: {  	s16 =	sadd.s32 s6, s16  }
0x67: {  	[tilespmem:s0], [sflag:$0x3] =	stream.linear.gather [hbm4b:s16+s4], $0x80, $0x38;
	[tilespmem:$0x1C400] =	vst v63  }
0x68: {  	_ =	swait.ge [sflag:s3], $0x4000  }
0x69: {  	[sflag:s3] =	ssyncset.done $0x0  }
0x6a: {  	[sflag:s3] =	ssyncadd.s32 $0xFFFFC000  }
0x6b: {  	_ =	swait.ge [sflag:s9], $0x4000  }
0x6c: {  	[sflag:s9] =	ssyncset.done $0x0  }
0x6d: {  	[sflag:s9] =	ssyncadd.s32 $0xFFFFC000  }
0x6e: {  	_ =	swait.ge [sflag:s10], $0x80  }
0x6f: {  	[sflag:s10] =	ssyncset.done $0x0  }
0x70: {  	[sflag:s10] =	ssyncadd.s32 $0xFFFFFF80  }
0x71: {  	_ =	swait.ge [sflag:s10], $0x80  }
0x72: {  	[sflag:s10] =	ssyncset.done $0x0  }
0x73: {  	[sflag:s10] =	ssyncadd.s32 $0xFFFFFF80  }
0x74: {  	[tilespmem:s19], [sflag:$0x5] =	stream.indirect.gather [hbm4b:s5+s22], $0x80, s31, s22, $0xb8;
	[tilespmem:$0x1C400] =	vst v63  }
0x75: {  	s15 =	sor.u32 $0x30, s15  }
0x76: {  	[spmem:s2] =	stream.indirect.scatter.add.f32 [tilespmem:s26], [sflag:$0x8], $0x80, s23, s22, $0xb8;
	[tilespmem:$0x1C400] =	vst v63  }
0x77: {  	s18 =	sadd.s32 s1, s15  }
0x78: {  	[tilespmem:s11], [sflag:$0x4] =	stream.linear.gather [hbm4b:s18+s4], $0x80, $0x38;
	[tilespmem:$0x1C400] =	vst v63  }
0x79: {  	s15 =	sadd.s32 s6, s15  }
0x7a: {  	[tilespmem:s25], [sflag:$0x4] =	stream.linear.gather [hbm4b:s15+s4], $0x80, $0x38;
	[tilespmem:$0x1C400] =	vst v63  }
0x7b: {  	_ =	swait.ge [sflag:s28], $0x4000  }
0x7c: {  	[sflag:s28] =	ssyncset.done $0x0  }
0x7d: {  	[sflag:s28] =	ssyncadd.s32 $0xFFFFC000  }
0x7e: {  	_ =	swait.ge [sflag:s29], $0x4000  }
0x7f: {  	[sflag:s29] =	ssyncset.done $0x0  }
0x80: {  	[sflag:s29] =	ssyncadd.s32 $0xFFFFC000  }
0x81: {  	_ =	swait.ge [sflag:s12], $0x80  }
0x82: {  	s16 =	smin.u32 s14, $0x4B;
	[sflag:s12] =	ssyncset.done $0x0  }
0x83: {  	s15 =	sadd.s32 $0x4, s16;
	[sflag:s12] =	ssyncadd.s32 $0xFFFFFF80  }
0x84: {  	s17 =	sadd.s32 s8, s15;
	_ =	swait.ge [sflag:s12], $0x80  }
0x85: {  	s15 =	sshll.u32 s15, $0x4;
	s16 =	sshll.u32 s17, $0x4;
	[sflag:s12] =	ssyncset.done $0x0  }
0x86: {  	s15 =	sand.u32 $0x70, s15;
	s16 =	sand.u32 $0x1FF80, s16;
	[sflag:s12] =	ssyncadd.s32 $0xFFFFFF80  }
0x87: {  	[tilespmem:s26], [sflag:$0x6] =	stream.indirect.gather [hbm4b:s5+s22], $0x80, s11, s22, $0xb8;
	[tilespmem:$0x1C400] =	vst v63  }
0x88: {  	s15 =	sor.u32 s15, s16  }
0x89: {  	[spmem:s2] =	stream.indirect.scatter.add.f32 [tilespmem:s19], [sflag:$0x7], $0x80, s0, s22, $0xb8;
	[tilespmem:$0x1C400] =	vst v63  }
0x8a: {  	s16 =	sadd.s32 s1, s15  }
0x8b: {  	[tilespmem:s4], [sflag:$0x1] =	stream.linear.gather [hbm4b:s16+s4], $0x80, $0x38;
	[tilespmem:$0x1C400] =	vst v63  }
0x8c: {  	s15 =	sadd.s32 s6, s15  }
0x8d: {  	[tilespmem:s21], [sflag:$0x1] =	stream.linear.gather [hbm4b:s15+s4], $0x80, $0x38;
	[tilespmem:$0x1C400] =	vst v63  }
0x8e: {  	_ =	swait.ge [sflag:s3], $0x4000  }
0x8f: {  	[sflag:s3] =	ssyncset.done $0x0  }
0x90: {  	[sflag:s3] =	ssyncadd.s32 $0xFFFFC000  }
0x91: {  	_ =	swait.ge [sflag:s9], $0x4000  }
0x92: {  	s18 =	smin.u32 s14, $0x4A;
	[sflag:s9] =	ssyncset.done $0x0  }
0x93: {  	s16 =	sadd.s32 $0x5, s18;
	[sflag:s9] =	ssyncadd.s32 $0xFFFFC000  }
0x94: {  	s17 =	sadd.s32 s8, s16;
	_ =	swait.ge [sflag:s24], $0x80  }
0x95: {  	s16 =	sshll.u32 s16, $0x4;
	s15 =	simm.s32 $0x40;
	[sflag:s24] =	ssyncset.done $0x0  }
.LBB2_4:
0x96: {  	[sflag:s24] =	ssyncadd.s32 $0xFFFFFF80  }
0x97: {  	_ =	swait.ge [sflag:s24], $0x80  }
0x98: {  	s17 =	sshll.u32 s17, $0x4;
	[sflag:s24] =	ssyncset.done $0x0  }
0x99: {  	s16 =	sand.u32 $0x70, s16;
	s17 =	sand.u32 $0x1FF80, s17;
	[sflag:s24] =	ssyncadd.s32 $0xFFFFFF80  }
0x9a: {  	[tilespmem:s19], [sflag:$0x5] =	stream.indirect.gather [hbm4b:s5+s22], $0x80, s4, s22, $0xb8;
	[tilespmem:$0x1C400] =	vst v63  }
0x9b: {  	s16 =	sor.u32 s16, s17  }
0x9c: {  	[spmem:s2] =	stream.indirect.scatter.add.f32 [tilespmem:s26], [sflag:$0x8], $0x80, s25, s22, $0xb8;
	[tilespmem:$0x1C400] =	vst v63  }
0x9d: {  	s18 =	sadd.s32 s1, s16  }
0x9e: {  	[tilespmem:s22], [sflag:$0x2] =	stream.linear.gather [hbm4b:s18+s4], $0x80, $0x38;
	[tilespmem:$0x1C400] =	vst v63  }
0x9f: {  	s16 =	sadd.s32 s6, s16  }
0xa0: {  	[tilespmem:s23], [sflag:$0x2] =	stream.linear.gather [hbm4b:s16+s4], $0x80, $0x38;
	[tilespmem:$0x1C400] =	vst v63  }
0xa1: {  	_ =	swait.ge [sflag:s28], $0x4000  }
0xa2: {  	[sflag:s28] =	ssyncset.done $0x0  }
0xa3: {  	[sflag:s28] =	ssyncadd.s32 $0xFFFFC000  }
0xa4: {  	_ =	swait.ge [sflag:s29], $0x4000  }
0xa5: {  	[sflag:s29] =	ssyncset.done $0x0  }
0xa6: {  	[sflag:s29] =	ssyncadd.s32 $0xFFFFC000  }
0xa7: {  	_ =	swait.ge [sflag:s30], $0x80  }
0xa8: {  	[sflag:s30] =	ssyncset.done $0x0  }
0xa9: {  	[sflag:s30] =	ssyncadd.s32 $0xFFFFFF80  }
0xaa: {  	_ =	swait.ge [sflag:s30], $0x80  }
0xab: {  	s17 =	smov.u32 s15;
	[sflag:s30] =	ssyncset.done $0x0;
	s18 =	rddreg [dreg:$0x4]  }
0xac: {  	s16 =	sand.u32 $0x40, s17;
	[sflag:s30] =	ssyncadd.s32 $0xFFFFFF80;
	s17 =	sadd.s32 s17, s18  }
0xad: {  	[tilespmem:s26], [sflag:$0x6] =	stream.indirect.gather [hbm4b:s5+s22], $0x80, s22, s22, $0xb8;
	[tilespmem:$0x1C400] =	vst v63  }
0xae: {  	s17 =	sand.u32 $0xFFFFF80, s17  }
0xaf: {  	s16 =	sor.u32 s17, s16  }
0xb0: {  	[spmem:s2] =	stream.indirect.scatter.add.f32 [tilespmem:s19], [sflag:$0x7], $0x80, s21, s22, $0xb8;
	[tilespmem:$0x1C400] =	vst v63  }
0xb1: {  	s17 =	sor.u32 $0x20, s16  }
0xb2: {  	s18 =	sadd.s32 s1, s17  }
0xb3: {  	[tilespmem:s31], [sflag:$0x3] =	stream.linear.gather [hbm4b:s18+s4], $0x80, $0x38;
	[tilespmem:$0x1C400] =	vst v63  }
0xb4: {  	s17 =	sadd.s32 s6, s17  }
0xb5: {  	[tilespmem:s0], [sflag:$0x3] =	stream.linear.gather [hbm4b:s17+s4], $0x80, $0x38;
	[tilespmem:$0x1C400] =	vst v63  }
0xb6: {  	_ =	swait.ge [sflag:s3], $0x4000  }
0xb7: {  	[sflag:s3] =	ssyncset.done $0x0  }
0xb8: {  	[sflag:s3] =	ssyncadd.s32 $0xFFFFC000  }
0xb9: {  	_ =	swait.ge [sflag:s9], $0x4000  }
0xba: {  	[sflag:s9] =	ssyncset.done $0x0  }
0xbb: {  	[sflag:s9] =	ssyncadd.s32 $0xFFFFC000  }
0xbc: {  	_ =	swait.ge [sflag:s10], $0x80  }
0xbd: {  	[sflag:s10] =	ssyncset.done $0x0  }
0xbe: {  	[sflag:s10] =	ssyncadd.s32 $0xFFFFFF80  }
0xbf: {  	_ =	swait.ge [sflag:s10], $0x80  }
0xc0: {  	[sflag:s10] =	ssyncset.done $0x0  }
0xc1: {  	[sflag:s10] =	ssyncadd.s32 $0xFFFFFF80  }
0xc2: {  	[tilespmem:s19], [sflag:$0x5] =	stream.indirect.gather [hbm4b:s5+s22], $0x80, s31, s22, $0xb8;
	[tilespmem:$0x1C400] =	vst v63  }
0xc3: {  	s16 =	sor.u32 $0x30, s16  }
0xc4: {  	[spmem:s2] =	stream.indirect.scatter.add.f32 [tilespmem:s26], [sflag:$0x8], $0x80, s23, s22, $0xb8;
	[tilespmem:$0x1C400] =	vst v63  }
0xc5: {  	s18 =	sadd.s32 s1, s16  }
0xc6: {  	[tilespmem:s11], [sflag:$0x4] =	stream.linear.gather [hbm4b:s18+s4], $0x80, $0x38;
	[tilespmem:$0x1C400] =	vst v63  }
0xc7: {  	s16 =	sadd.s32 s6, s16  }
0xc8: {  	[tilespmem:s25], [sflag:$0x4] =	stream.linear.gather [hbm4b:s16+s4], $0x80, $0x38;
	[tilespmem:$0x1C400] =	vst v63  }
0xc9: {  	_ =	swait.ge [sflag:s28], $0x4000  }
0xca: {  	[sflag:s28] =	ssyncset.done $0x0  }
0xcb: {  	[sflag:s28] =	ssyncadd.s32 $0xFFFFC000  }
0xcc: {  	_ =	swait.ge [sflag:s29], $0x4000  }
0xcd: {  	[sflag:s29] =	ssyncset.done $0x0  }
0xce: {  	[sflag:s29] =	ssyncadd.s32 $0xFFFFC000  }
0xcf: {  	s14 =	sadd.s32 $0x4, s14;
	_ =	swait.ge [sflag:s12], $0x80  }
0xd0: {  	s17 =	smin.u32 s14, $0x4B;
	[sflag:s12] =	ssyncset.done $0x0  }
0xd1: {  	s16 =	sadd.s32 $0x4, s17;
	[sflag:s12] =	ssyncadd.s32 $0xFFFFFF80  }
0xd2: {  	s18 =	sadd.s32 s8, s16;
	_ =	swait.ge [sflag:s12], $0x80  }
0xd3: {  	s16 =	sshll.u32 s16, $0x4;
	s17 =	sshll.u32 s18, $0x4;
	[sflag:s12] =	ssyncset.done $0x0  }
0xd4: {  	s16 =	sand.u32 $0x70, s16;
	s17 =	sand.u32 $0x1FF80, s17;
	[sflag:s12] =	ssyncadd.s32 $0xFFFFFF80  }
0xd5: {  	[tilespmem:s26], [sflag:$0x6] =	stream.indirect.gather [hbm4b:s5+s22], $0x80, s11, s22, $0xb8;
	[tilespmem:$0x1C400] =	vst v63  }
0xd6: {  	s16 =	sor.u32 s16, s17  }
0xd7: {  	[spmem:s2] =	stream.indirect.scatter.add.f32 [tilespmem:s19], [sflag:$0x7], $0x80, s0, s22, $0xb8;
	[tilespmem:$0x1C400] =	vst v63  }
0xd8: {  	s17 =	sadd.s32 s1, s16  }
0xd9: {  	[tilespmem:s4], [sflag:$0x1] =	stream.linear.gather [hbm4b:s17+s4], $0x80, $0x38;
	[tilespmem:$0x1C400] =	vst v63  }
0xda: {  	s16 =	sadd.s32 s6, s16  }
0xdb: {  	[tilespmem:s21], [sflag:$0x1] =	stream.linear.gather [hbm4b:s16+s4], $0x80, $0x38;
	[tilespmem:$0x1C400] =	vst v63  }
0xdc: {  	_ =	swait.ge [sflag:s3], $0x4000  }
0xdd: {  	[sflag:s3] =	ssyncset.done $0x0  }
0xde: {  	p0 =	sne.s32 s15, $0x4C0;
	[sflag:s3] =	ssyncadd.s32 $0xFFFFC000  }
.Ltmp1:
0xdf: {  	_ =	swait.ge [sflag:s9], $0x4000;
	(pc) =	sbr.rel @p0 .LBB2_4-.Ltmp1, $4  }
0xe0: {  	[sflag:s9] =	ssyncset.done $0x0  }
0xe1: {  	s18 =	smin.u32 s14, $0x4A;
	[sflag:s9] =	ssyncadd.s32 $0xFFFFC000  }
0xe2: {  	s15 =	sadd.s32 $0x40, s15;
	s16 =	sadd.s32 $0x5, s18;
	_ =	swait.ge [sflag:s24], $0x80  }
0xe3: {  	s17 =	sadd.s32 s8, s16;
	s16 =	sshll.u32 s16, $0x4;
	[sflag:s24] =	ssyncset.done $0x0  }
0xe4: {  	[sflag:s24] =	ssyncadd.s32 $0xFFFFFF80  }
0xe5: {  	_ =	swait.ge [sflag:s24], $0x80  }
0xe6: {  	s14 =	sshll.u32 s17, $0x4;
	[sflag:s24] =	ssyncset.done $0x0  }
0xe7: {  	s15 =	sand.u32 $0x70, s16;
	s14 =	sand.u32 $0x1FF80, s14;
	[sflag:s24] =	ssyncadd.s32 $0xFFFFFF80  }
0xe8: {  	[tilespmem:s19], [sflag:$0x5] =	stream.indirect.gather [hbm4b:s5+s22], $0x80, s4, s22, $0xb8;
	[tilespmem:$0x1C400] =	vst v63  }
0xe9: {  	s14 =	sor.u32 s15, s14  }
0xea: {  	[spmem:s2] =	stream.indirect.scatter.add.f32 [tilespmem:s26], [sflag:$0x8], $0x80, s25, s22, $0xb8;
	[tilespmem:$0x1C400] =	vst v63  }
0xeb: {  	s15 =	sadd.s32 s1, s14  }
0xec: {  	[tilespmem:s22], [sflag:$0x2] =	stream.linear.gather [hbm4b:s15+s4], $0x80, $0x38;
	[tilespmem:$0x1C400] =	vst v63  }
0xed: {  	s14 =	sadd.s32 s6, s14  }
0xee: {  	[tilespmem:s23], [sflag:$0x2] =	stream.linear.gather [hbm4b:s14+s4], $0x80, $0x38;
	[tilespmem:$0x1C400] =	vst v63  }
0xef: {  	_ =	swait.ge [sflag:s28], $0x4000  }
0xf0: {  	[sflag:s28] =	ssyncset.done $0x0  }
0xf1: {  	[sflag:s28] =	ssyncadd.s32 $0xFFFFC000  }
0xf2: {  	_ =	swait.ge [sflag:s30], $0x80  }
0xf3: {  	[sflag:s30] =	ssyncset.done $0x0  }
0xf4: {  	[sflag:s30] =	ssyncadd.s32 $0xFFFFFF80  }
0xf5: {  	_ =	swait.ge [sflag:s30], $0x80  }
0xf6: {  	[sflag:s30] =	ssyncset.done $0x0  }
0xf7: {  	[sflag:s30] =	ssyncadd.s32 $0xFFFFFF80  }
0xf8: {  	_ =	swait.ge [sflag:s29], $0x4000  }
0xf9: {  	[sflag:s29] =	ssyncset.done $0x0  }
0xfa: {  	s15 =	stileid.u32;
	[sflag:s29] =	ssyncadd.s32 $0xFFFFC000  }
0xfb: {  	s14 =	sshll.u32 s15, $0x6;
	[bflag:$0x0] =	sbarrier.arrive $0xFFFF  }
0xfc: {  	s16 =	sshrl.u32 s7, $0x3;
	s14 =	sor.u32 $0x1C09, s14;
	s17 =	rddreg [dreg:$0x9]  }
0xfd: {  	[hbm:s17], [sflag:s14] =	dma.local [spmem:s16], $0x2800  }
0xfe: {  	_ =	swait.ge [sflag:s20], $0x2800  }
0xff: {  	s13 =	sadd.s32 $0x1, s13;
	s18 =	rddreg [dreg:$0xa]  }
0x100: {  	p0 =	sne.s32 s13, s18  }
.Ltmp2:
0x101: {  	_ = 	snop;
	(pc) =	sbr.rel @p0 .LBB2_1-.Ltmp2, $3  }
0x102: {  	_ =	sdelay $0x1  }
0x103: {  	[sflag:s20] =	ssyncset.done $0x0  }
0x104: {  	[sflag:s20] =	ssyncadd.s32 $0xFFFFD800  }
0x105: {  	_ =	sfence.sel $0x180000  }
0x106: {  	[bflag:$0x0] =	sbarrier.arrive $0xFFFF  }
0x107: {  	_ =	strace $0x9000004A  }
0x108: {  	s0 =	stileid.u32;
	[bflag:$0x2] =	sbarrier.arrive $0xFFFF  }
0x109: {  	p0 =	sne.s32 s0, $0x0;
	s0 =	rddreg [dreg:$0x3]  }
0x10a: {  	s0 =	sadd.s32 @!p0 $0x100000, s0  }
0x10b: {  	[sflag:s0] =	ssyncadd.tile.s32 @!p0 $0x1;
	_ =	shalt  }
.Lfunc_end2:
_tile_overlayer_lowered:
.L_overlay_start_2:
0x10c: {  	(tag) =	ssettag $0x2  }
0x10d: {  	s0 =	rddreg [dreg:$0x0];
	s2 =	stileid.u32  }
0x10e: {  	s1 =	rddreg [dreg:$0x1];
	p0 =	sne.s32 s2, $0x0  }
0x10f: {  	s3 =	rddreg [dreg:$0x2];
	[bflag:$0x3] =	sbarrier.arrive $0xFFFF;
	s2 =	simm.s32 @!p0 $0x1C09  }
0x110: {  	[timem:s3], [sflag:s2] =	dma.local @!p0 [hbm:s0], s1  }
0x111: {  	s0 =	simm.s32 @!p0 $0x9  }
0x112: {  	_ =	swait.ge @!p0 [sflag:s0], s1  }
0x113: {  	s1 =	ssub.s32 @!p0 $0x0, s1;
	[sflag:s0] =	ssyncset.done @!p0 $0x0  }
0x114: {  	[sflag:s0] =	ssyncadd.s32 @!p0 s1  }
0x115: {  	[bflag:$0x3] =	sbarrier.arrive $0xFFFF  }
0x116: {  	_ =	shalt  }

// kernel: kernel.14.cloned.1.call-start
scs
__scs_entry_jumppad:
0x0: {  	(pc) =	sbr.rel $0x88, $3  }
0x1: {  	(tag) =	ssettag $0x0;
	lr =	simm.s32 $0x1  }
0x2: {  	[smem:$0x3F9B] =	sst lr;
	_ =	strace $0xD0000000  }
0x3: {  	_ = 	snop  }
0x4: {  	_ = 	snop  }
0x5: {  	_ = 	snop  }
0x6: {  	_ = 	snop  }
0x7: {  	_ = 	snop  }
__scs_overlays_trampoline_lowered:
0x8: {  	[smem:$0x3FAA] =	sst s0  }
0x9: {  	[smem:$0x3FAB] =	sst s1  }
0xa: {  	[smem:$0x3FAC] =	sst s2  }
0xb: {  	[smem:$0x3FAD] =	sst s3  }
0xc: {  	[smem:$0x3FAE] =	sst s4  }
0xd: {  	[smem:$0x3FAF] =	sst s5  }
0xe: {  	[smem:$0x3FB0] =	sst s6  }
0xf: {  	[smem:$0x3FB1] =	sst s7  }
0x10: {  	[smem:$0x3FB2] =	sst s8  }
0x11: {  	[smem:$0x3FB3] =	sst s9;
	s0 =	simm.s32 @!p0 $0x0  }
0x12: {  	s1 =	sld [smem:$0x3F99];
	s0 =	simm.s32 @p0 $0x1  }
0x13: {  	[smem:$0x3FB4] =	sst s0;
	s0 =	simm.s32 @!p1 $0x0  }
0x14: {  	s2 =	sld [smem:$0x3F98];
	s0 =	simm.s32 @p1 $0x1  }
0x15: {  	[smem:$0x3FB5] =	sst s0;
	s0 =	simm.s32 @!p2 $0x0  }
0x16: {  	s3 =	sld [smem:$0x3FDB];
	s0 =	simm.s32 @p2 $0x1  }
0x17: {  	s4 =	simm.s32 $0x1BF5;
	[smem:$0x3FB7] =	sst s0  }
0x18: {  	s0 =	sld [smem:$0x3F9A];
	_ =	swait.ge [sflag:s4], $0x0  }
0x19: {  	s7 =	sld [smem:$0x3F9B]  }
0x1a: {  	s8 =	sadd.s32 $0xFFFFE003, lr  }
0x1b: {  	s9 =	sadd.s32 $0xFFFFFEF7, lr;
	s5 =	simm.s32 $0xFFFFFFFF;
	p2 =	slt.u32 s8, $0xFFFFF086  }
0x1c: {  	p1 =	slt.u32 s9, $0xF7A;
	s5 =	simm.s32 @!p2 $0x0  }
0x1d: {  	s5 =	simm.s32 @p1 $0x1;
	p0 =	seq.s32 s7, s2  }
0x1e: {  	s7 =	smul.u32 @!p0 $0xF7A, s2;
	p2 =	seq.s32 @!p0 s5, $0x0  }
0x1f: {  	s9 =	smul.u32 $0xF7A, s1;
	s8 =	simm.s32 @!p0 $0x1BF5;
	p2 =	por !p2, p0  }
0x20: {  	[sflag:s8] =	ssyncset.s32 @!p0 $0xFFFFF086;
	s6 =	sadd.s32 @!p0 s3, s7;
	s7 =	simm.s32 @!p0 $0x108  }
0x21: {  	s3 =	sadd.s32 s3, s9;
	s6 =	sadd.s32 @!p0 $0x88, s6;
	s7 =	simm.s32 @p2 $0x1082  }
0x22: {  	[simem:s7], [sflag:s8] =	dma.local @!p0 [hbm:s6], $0xF7A  }
0x23: {  	s9 =	sor.u32 $0xD0000000, s2;
	s6 =	simm.s32 $0x108;
	_ =	swait.ge @!p0 [sflag:s8], $0x0  }
0x24: {  	s3 =	sadd.s32 $0x88, s3;
	s6 =	simm.s32 @!p1 $0x1082;
	[sflag:s4] =	ssyncset.s32 $0xFFFFF086  }
0x25: {  	[simem:s6], [sflag:s4] =	dma.local [hbm:s3], $0xF7A  }
0x26: {  	[smem:$0x3F9B] =	sst s1;
	(tag) =	ssettag s2;
	_ =	strace s9  }
0x27: {  	s1 =	sld [smem:$0x3FAB]  }
0x28: {  	s2 =	sld [smem:$0x3FAC]  }
0x29: {  	s4 =	sld [smem:$0x3FAE]  }
0x2a: {  	p0 =	seq.s32 s5, $0x0;
	s5 =	sld [smem:$0x3FAF]  }
0x2b: {  	s6 =	sld [smem:$0x3FB0]  }
0x2c: {  	s7 =	sld [smem:$0x3FB1]  }
0x2d: {  	s3 =	simm.s32 $0x108;
	s8 =	sld [smem:$0x3FB2]  }
0x2e: {  	s3 =	simm.s32 @!p0 $0x1082;
	s9 =	sld [smem:$0x3FB3]  }
0x2f: {  	lr =	sadd.s32 s0, s3;
	s0 =	sld [smem:$0x3FAA]  }
0x30: {  	s3 =	sld [smem:$0x3FAD]  }
0x31: {  	[smem:$0x3FB6] =	sst s10  }
0x32: {  	s10 =	sld [smem:$0x3FB4];
	_ =	sdelay $0x3  }
0x33: {  	p0 =	seq.s32 s10, $0x1;
	s10 =	sld [smem:$0x3FB6];
	_ =	sdelay $0x3  }
0x34: {  	[smem:$0x3FB6] =	sst s10  }
0x35: {  	s10 =	sld [smem:$0x3FB5];
	_ =	sdelay $0x3  }
0x36: {  	p1 =	seq.s32 s10, $0x1;
	s10 =	sld [smem:$0x3FB6];
	_ =	sdelay $0x3  }
0x37: {  	[smem:$0x3FB6] =	sst s10  }
0x38: {  	s10 =	sld [smem:$0x3FB7]  }
0x39: {  	_ = 	snop;
	(pc) =	sbr.ind lr, $3  }
0x3a: {  	_ = 	snop  }
0x3b: {  	_ = 	snop  }
0x3c: {  	p2 =	seq.s32 s10, $0x1;
	s10 =	sld [smem:$0x3FB6]  }
0x3d: {  	_ =	shalt  }
0x3e: {  	_ =	shalt  }
0x3f: {  	_ =	shalt  }
0x40: {  	_ =	shalt  }
0x41: {  	_ =	shalt  }
0x42: {  	_ =	shalt  }
0x43: {  	_ =	shalt  }
0x44: {  	_ =	shalt  }
0x45: {  	_ =	shalt  }
0x46: {  	_ =	shalt  }
0x47: {  	_ =	shalt  }
0x48: {  	_ =	shalt  }
0x49: {  	_ =	shalt  }
0x4a: {  	_ =	shalt  }
0x4b: {  	_ =	shalt  }
0x4c: {  	_ =	shalt  }
0x4d: {  	_ =	shalt  }
0x4e: {  	_ =	shalt  }
0x4f: {  	_ =	shalt  }
0x50: {  	_ =	shalt  }
0x51: {  	_ =	shalt  }
0x52: {  	_ =	shalt  }
0x53: {  	_ =	shalt  }
0x54: {  	_ =	shalt  }
0x55: {  	_ =	shalt  }
0x56: {  	_ =	shalt  }
0x57: {  	_ =	shalt  }
0x58: {  	_ =	shalt  }
0x59: {  	_ =	shalt  }
0x5a: {  	_ =	shalt  }
0x5b: {  	_ =	shalt  }
0x5c: {  	_ =	shalt  }
0x5d: {  	_ =	shalt  }
0x5e: {  	_ =	shalt  }
0x5f: {  	_ =	shalt  }
0x60: {  	_ =	shalt  }
0x61: {  	_ =	shalt  }
0x62: {  	_ =	shalt  }
0x63: {  	_ =	shalt  }
0x64: {  	_ =	shalt  }
0x65: {  	_ =	shalt  }
0x66: {  	_ =	shalt  }
0x67: {  	_ =	shalt  }
0x68: {  	_ =	shalt  }
0x69: {  	_ =	shalt  }
0x6a: {  	_ =	shalt  }
0x6b: {  	_ =	shalt  }
0x6c: {  	_ =	shalt  }
0x6d: {  	_ =	shalt  }
0x6e: {  	_ =	shalt  }
0x6f: {  	_ =	shalt  }
0x70: {  	_ =	shalt  }
0x71: {  	_ =	shalt  }
0x72: {  	_ =	shalt  }
0x73: {  	_ =	shalt  }
0x74: {  	_ =	shalt  }
0x75: {  	_ =	shalt  }
0x76: {  	_ =	shalt  }
0x77: {  	_ =	shalt  }
0x78: {  	_ =	shalt  }
0x79: {  	_ =	shalt  }
0x7a: {  	_ =	shalt  }
0x7b: {  	_ =	shalt  }
0x7c: {  	_ =	shalt  }
0x7d: {  	_ =	shalt  }
0x7e: {  	_ =	shalt  }
0x7f: {  	_ =	shalt  }
0x80: {  	_ =	shalt  }
0x81: {  	_ =	shalt  }
0x82: {  	_ =	shalt  }
0x83: {  	_ =	shalt  }
0x84: {  	_ =	shalt  }
0x85: {  	_ =	shalt  }
0x86: {  	_ =	shalt  }
0x87: {  	_ =	shalt  }
.Lfunc_end0:
.L_simem_size_0:
called_computation.2_lowered:
.L_overlay_start_0:
0x88: {  	s2 =	sld [smem:$0x3FD9]  }
0x89: {  	s3 =	sld [smem:$0x3FFE];
	_ =	sdelay $0x1  }
0x8a: {  	s1 =	srdreg.scid  }
0x8b: {  	s0 =	sand.u32 $0x1, s1  }
0x8c: {  	s17 =	sshll.u32 s0, $0xA;
	s2 =	sadd.s32 s3, s2  }
0x8d: {  	s2 =	sadd.s32 s2, s17  }
0x8e: {  	[smem:$0x3FC2] =	sst s2  }
0x8f: {  	_ = 	snop  }
0x90: {  	s2 =	sld [smem:$0x3FD0];
	(tm) =	ssettm $0x1  }
0x91: {  	s18 =	sld [smem:$0x3FFB];
	_ =	sdelay $0x3  }
0x92: {  	_ =	strace s18  }
0x93: {  	s3 =	sld [smem:$0x3FFC];
	_ =	sdelay $0x3  }
0x94: {  	_ =	strace s3  }
0x95: {  	s3 =	sld [smem:$0x3FFD];
	_ =	sdelay $0x3  }
0x96: {  	_ =	strace s3  }
0x97: {  	_ =	strace $0x8FFFFFFF  }
0x98: {  	s19 =	sld [smem:$0x3FDB];
	_ =	sdelay $0x1  }
0x99: {  	s4 =	simm.s32 $_scs_section_size  }
0x9a: {  	s5 =	simm.s32 $_size__tile_overlayer_lowered;
	s6 =	simm.s32 $_tile_overlayer_lowered  }
0x9b: {  	s22 =	simm.s32 $0x1BFF;
	s21 =	sshll.u32 s6, $0x1;
	s3 =	sadd.s32 s4, s19  }
0x9c: {  	s7 =	simm.s32 $0x0;
	s20 =	sshll.u32 s5, $0x1;
	s5 =	sadd.s32 s21, s3  }
0x9d: {  	[timem:s7], [sflag:s22] =	dma.local [hbm:s5], s20  }
0x9e: {  	_ =	swait.ge [sflag:s22], s20  }
0x9f: {  	s4 =	ssub.s32 $0x0, s20;
	[sflag:s22] =	ssyncset.done $0x0  }
0xa0: {  	[sflag:s22] =	ssyncadd.s32 s4;
	_ =	sdelay $0x1  }
0xa1: {  	s23 =	simm.s32 $0x1B8B  }
0xa2: {  	_ =	swait.ge [sflag:s23], $0x1  }
0xa3: {  	[sflag:s23] =	ssyncset.done $0x0  }
0xa4: {  	s25 =	simm.s32 $0x1B8E;
	s24 =	sld [smem:$0x3FFE];
	[sflag:s23] =	ssyncadd.s32 $0xFFFFFFFF  }
0xa5: {  	s26 =	simm.s32 $execute0_lowered;
	[smem:$0x3FD2] =	sst s25  }
0xa6: {  	s5 =	sshll.u32 s26, $0x1;
	_ =	strace $0x8000004C;
	[dreg:$0x1] =	wrdreg $0xFFFFFFFF  }
0xa7: {  	s28 =	simm.s32 $_size_execute0_lowered;
	s3 =	sadd.s32 s3, s5;
	[dreg:$0x0] =	wrdreg $0x0  }
0xa8: {  	s5 =	sshll.u32 s28, $0x1;
	[dreg:$0x2] =	wrdreg s3  }
0xa9: {  	[dreg:$0x3] =	wrdreg s5  }
0xaa: {  	[dreg:$0x4] =	wrdreg $0xC0  }
0xab: {  	_ =	task [dreg:s7], $0x5FFFF  }
0xac: {  	[dreg:$0x1] =	wrdreg $0xFFFFFFFF  }
0xad: {  	[dreg:$0x0] =	wrdreg $0x60  }
0xae: {  	[dreg:$0x2] =	wrdreg s24  }
0xaf: {  	[dreg:$0x3] =	wrdreg s2  }
0xb0: {  	[dreg:$0x4] =	wrdreg $0x84000  }
0xb1: {  	[dreg:$0x5] =	wrdreg $0x9  }
0xb2: {  	_ =	task.clear_ibuf [dreg:s7], $0x6FFFF;
	_ =	strace $0x9000004C  }
0xb3: {  	s29 =	simm.s32 $0x9;
	_ =	strace $0x8000004E  }
0xb4: {  	_ =	swait.ge [sflag:s29], $0x1  }
0xb5: {  	[sflag:s29] =	ssyncadd.s32 $0xFFFFFFFF  }
0xb6: {  	_ =	strace $0x9000004E  }
0xb7: {  	_ =	sfence  }
0xb8: {  	s30 =	sld [smem:$0x0];
	_ =	sdelay $0x2  }
0xb9: {  	s31 =	sshll.u32 s1, $0xD;
	s1 =	sshrl.u32 s1, $0x2  }
0xba: {  	s3 =	sand.u32 $0x4000, s31;
	s1 =	sadd.s32 s1, s30  }
0xbb: {  	s0 =	sor.u32 s3, s0;
	s1 =	sshll.u32 s1, $0x11  }
0xbc: {  	s0 =	sor.u32 s1, s0  }
0xbd: {  	s0 =	sadd.s32 $0x8F2B, s0  }
0xbe: {  	[sflag:s0] =	ssyncadd.remote.s32 $0x1  }
0xbf: {  	_ =	sfence.sel $0xFFFF  }
0xc0: {  	[dreg:$0x0] =	wrdreg $0xFFFFFFFF;
	(pc) =	sbr.abs _section_cstart, $3  }
0xc1: {  	[dreg:$0x1] =	wrdreg $0xFFFFFFFF  }
0xc2: {  	_ =	task.clear_ibuf [dreg:s7], $0x2FFFF;
	_ =	strace $0x9FFFFFFF  }
0xc3: {  	(tm) =	ssettm $0x7FFFFFFF  }
tec
execute0_lowered:
.L_overlay_start_1:
0x0: {  	(tag) =	ssettag $0x1  }
0x1: {  	s0 =	rddreg [dreg:$0x0]  }
0x2: {  	s1 =	rddreg [dreg:$0x1]  }
0x3: {  	s2 =	rddreg [dreg:$0x2];
	s3 =	srdreg.scid  }
0x4: {  	s4 =	simm.s32 $0x0;
	s13 =	stileid.u32;
	s28 =	simm.s32 $0x5  }
0x5: {  	s29 =	simm.s32 $0x8;
	s30 =	simm.s32 $0x2;
	s8 =	smul.u32 $0x14000, s13  }
0x6: {  	s31 =	simm.s32 $0x100;
	s3 =	sand.u32 $0x1, s3;
	s10 =	smul.u32 $0x50000, s13  }
0x7: {  	[smem:$0x7FF] =	sst s4;
	s5 =	sadd.s32 $0xC000, s0;
	s20 =	smul.u32 $0xA00, s13  }
0x8: {  	s6 =	sadd.s32 $0x2000, s0;
	s15 =	sshll.u32 s13, $0x1;
	s7 =	smul.u32 $0x140000, s3  }
0x9: {  	s13 =	simm.s32 $0x0;
	_ =	strace $0x8000004D;
	s9 =	ssub.s32 $0x2, s3  }
0xa: {  	s11 =	sshrl.u32 s9, $0x1;
	s16 =	sshrl.u32 s10, $0x2;
	s7 =	sadd.s32 s8, s7  }
0xb: {  	s8 =	sor.u32 s3, s15;
	s9 =	ssub.s32 s9, s11;
	s3 =	smul.u32 $0x500, s3  }
0xc: {  	s11 =	simm.s32 $0x180;
	s7 =	sshrl.u32 s7, $0x3;
	s12 =	smul.u32 $0x500, s8  }
0xd: {  	s8 =	smul.u32 $0x50, s8;
	s21 =	smax.u32 s9, $0x1;
	s9 =	simm.s32 $0x7  }
0xe: {  	s0 =	sadd.s32 s7, s0;
	[dreg:$0xa] =	wrdreg s21;
	s25 =	sadd.s32 s3, s20  }
0xf: {  	s7 =	sadd.s32 s16, s2;
	s17 =	sadd.s32 s1, s12;
	[dreg:$0x4] =	wrdreg s25  }
0x10: {  	s20 =	simm.s32 $0x9;
	s18 =	sadd.s32 s6, s12;
	[dreg:$0x5] =	wrdreg s17  }
0x11: {  	s21 =	simm.s32 $0x200;
	s0 =	sadd.s32 $0x34000, s0;
	[dreg:$0x6] =	wrdreg s18  }
0x12: {  	s3 =	simm.s32 $0x6;
	s22 =	sadd.s32 $0x4000, s7;
	[dreg:$0x9] =	wrdreg s0  }
0x13: {  	s19 =	sor.u32 $0x10, s12;
	s23 =	sadd.s32 $0x8000, s7;
	[dreg:$0xb] =	wrdreg s22  }
0x14: {  	s24 =	sadd.s32 $0xC000, s7;
	s26 =	sadd.s32 $0x10000, s7;
	[dreg:$0xc] =	wrdreg s23  }
0x15: {  	s25 =	simm.s32 $0x380;
	s12 =	sadd.s32 s1, s19;
	[dreg:$0xd] =	wrdreg s24  }
0x16: {  	v8 =	vlaneseq.u32;
	s10 =	sadd.s32 s6, s19;
	[dreg:$0xe] =	wrdreg s26;
	s19 =	simm.s32 $0x400  }
0x17: {  	v0 =	vimm.f32 $0.0e+00;
	v1 =	vor.u32 $0x2720, v8;
	v2 =	vor.u32 $0x2730, v8;
	s22 =	simm.s32 $0x80;
	s23 =	simm.s32 $0x280;
	s24 =	simm.s32 $0x1  }
0x18: {  	v3 =	vor.u32 $0x2740, v8;
	v4 =	vor.u32 $0x2750, v8;
	v5 =	vor.u32 $0x2760, v8;
	s26 =	simm.s32 $0x4400;
	s0 =	simm.s32 $0x300;
	[dreg:$0x7] =	wrdreg s12  }
0x19: {  	v6 =	vor.u32 $0x2770, v8;
	v7 =	vor.u32 $0x2780, v8;
	v8 =	vor.u32 $0x2790, v8;
	[dreg:$0x8] =	wrdreg s10;
	s10 =	simm.s32 $0x3;
	s12 =	simm.s32 $0x4  }
.LBB2_1:
0x1a: {  	s14 =	sand.u32 $0xFE00, s4  }
0x1b: {  	s15 =	sand.u32 $0x70, s4;
	s16 =	sshrl.u32 s14, $0x2  }
0x1c: {  	s14 =	simm.s32 $0x40;
	s16 =	sor.u32 s15, s16;
	s15 =	simm.s32 $0x0  }
.LBB2_2:
0x1d: {  	p0 =	sne.s32 s14, $0xFFC0  }
0x1e: {  	[tilespmem:s16+$0x400] =	vst v0;
	s15 =	sadd.s32 $0x10, s15;
	s16 =	smov.u32 s14;
	s14 =	sadd.s32 $0x40, s14  }
.Ltmp0:
0x1f: {  	(pc) =	sbr.rel @p0 .LBB2_2-.Ltmp0, $4  }
0x20: {  	_ = 	snop  }
0x21: {  	s16 =	sand.u32 $0xFE00, s16  }
0x22: {  	s17 =	sand.u32 $0x70, s15;
	s16 =	sshrl.u32 s16, $0x2  }
0x23: {  	s16 =	sor.u32 s17, s16  }
0x24: {  	[tilespmem:s16+$0x400] =	vst v0  }
0x25: {  	[spmem:s7] =	stream.linear.scatter [tilespmem:s19], [sflag:$0x9], $0x4000, $0x38;
	[tilespmem:$0x1C400] =	vst v63  }
0x26: {  	_ =	swait.ge [sflag:s20], $0x4000  }
0x27: {  	[sflag:s20] =	ssyncset.done $0x0  }
0x28: {  	s14 =	rddreg [dreg:$0xb];
	[sflag:s20] =	ssyncadd.s32 $0xFFFFC000  }
0x29: {  	[spmem:s14] =	stream.linear.scatter [tilespmem:s19], [sflag:$0x9], $0x4000, $0x38;
	[tilespmem:$0x1C400] =	vst v63  }
0x2a: {  	_ =	swait.ge [sflag:s20], $0x4000  }
0x2b: {  	[sflag:s20] =	ssyncset.done $0x0  }
0x2c: {  	s17 =	rddreg [dreg:$0xc];
	[sflag:s20] =	ssyncadd.s32 $0xFFFFC000  }
0x2d: {  	[spmem:s17] =	stream.linear.scatter [tilespmem:s19], [sflag:$0x9], $0x4000, $0x38;
	[tilespmem:$0x1C400] =	vst v63  }
0x2e: {  	_ =	swait.ge [sflag:s20], $0x4000  }
0x2f: {  	[sflag:s20] =	ssyncset.done $0x0  }
0x30: {  	s18 =	rddreg [dreg:$0xd];
	[sflag:s20] =	ssyncadd.s32 $0xFFFFC000  }
0x31: {  	[spmem:s18] =	stream.linear.scatter [tilespmem:s19], [sflag:$0x9], $0x4000, $0x38;
	[tilespmem:$0x1C400] =	vst v63  }
0x32: {  	_ =	swait.ge [sflag:s20], $0x4000  }
0x33: {  	[sflag:s20] =	ssyncset.done $0x0  }
0x34: {  	s15 =	rddreg [dreg:$0xe];
	[sflag:s20] =	ssyncadd.s32 $0xFFFFC000  }
0x35: {  	[spmem:s15] =	stream.linear.scatter [tilespmem:s19], [sflag:$0x9], $0x4000, $0x38;
	[tilespmem:$0x1C400] =	vst v63  }
0x36: {  	_ =	swait.ge [sflag:s20], $0x4000  }
0x37: {  	[sflag:s20] =	ssyncset.done $0x0  }
0x38: {  	[sflag:s20] =	ssyncadd.s32 $0xFFFFC000  }
0x39: {  	[bflag:$0x0] =	sbarrier.arrive $0xFFFF  }
0x3a: {  	s14 =	simm.s32 $0x0;
	s15 =	rddreg [dreg:$0x5]  }
0x3b: {  	[tilespmem:s14], [sflag:$0x1] =	stream.linear.gather [hbm4b:s15+s14], $0x80, $0x38;
	[tilespmem:$0x1C400] =	vst v63  }
0x3c: {  	s16 =	rddreg [dreg:$0x6]  }
0x3d: {  	[tilespmem:s21], [sflag:$0x1] =	stream.linear.gather [hbm4b:s16+s14], $0x80, $0x38;
	[tilespmem:$0x1C400] =	vst v63  }
0x3e: {  	s17 =	rddreg [dreg:$0x7]  }
0x3f: {  	[tilespmem:s22], [sflag:$0x2] =	stream.linear.gather [hbm4b:s17+s14], $0x80, $0x38;
	[tilespmem:$0x1C400] =	vst v63  }
0x40: {  	s18 =	rddreg [dreg:$0x8]  }
0x41: {  	[tilespmem:s23], [sflag:$0x2] =	stream.linear.gather [hbm4b:s18+s14], $0x80, $0x38;
	[tilespmem:$0x1C400] =	vst v63  }
0x42: {  	[tilespmem:$0x380] =	vst v1  }
0x43: {  	[tilespmem:$0x390] =	vst v2  }
0x44: {  	[tilespmem:$0x3A0] =	vst v3  }
0x45: {  	[tilespmem:$0x3B0] =	vst v4  }
0x46: {  	[tilespmem:$0x3C0] =	vst v5  }
0x47: {  	[tilespmem:$0x3D0] =	vst v6  }
0x48: {  	[tilespmem:$0x3E0] =	vst v7  }
0x49: {  	[tilespmem:$0x3F0] =	vst v8  }
0x4a: {  	_ =	swait.ge [sflag:s24], $0x80  }
0x4b: {  	[sflag:s24] =	ssyncset.done $0x0  }
0x4c: {  	[sflag:s24] =	ssyncadd.s32 $0xFFFFFF80  }
0x4d: {  	_ =	swait.ge [sflag:s24], $0x80  }
0x4e: {  	[sflag:s24] =	ssyncset.done $0x0  }
0x4f: {  	[sflag:s24] =	ssyncadd.s32 $0xFFFFFF80  }
0x50: {  	[tilespmem:s19], [sflag:$0x5] =	stream.indirect.gather [hbm4b:s5+s22], $0x80, s14, s22, $0xb8;
	[tilespmem:$0x1C400] =	vst v63  }
0x51: {  	_ = 	snop  }
0x52: {  	[spmem:s2] =	stream.indirect.scatter.add.f32 [tilespmem:s26], [sflag:$0x8], $0x80, s25, s22, $0xb8;
	[tilespmem:$0x1C400] =	vst v63  }
0x53: {  	_ =	swait.ge [sflag:s28], $0x4000  }
0x54: {  	[sflag:s28] =	ssyncset.done $0x0  }
0x55: {  	[sflag:s28] =	ssyncadd.s32 $0xFFFFC000  }
0x56: {  	_ =	swait.ge [sflag:s29], $0x4000  }
0x57: {  	[sflag:s29] =	ssyncset.done $0x0  }
0x58: {  	[sflag:s29] =	ssyncadd.s32 $0xFFFFC000  }
0x59: {  	_ =	swait.ge [sflag:s30], $0x80  }
0x5a: {  	[sflag:s30] =	ssyncset.done $0x0  }
0x5b: {  	[sflag:s30] =	ssyncadd.s32 $0xFFFFFF80  }
0x5c: {  	_ =	swait.ge [sflag:s30], $0x80  }
0x5d: {  	[sflag:s30] =	ssyncset.done $0x0;
	s16 =	rddreg [dreg:$0x4]  }
0x5e: {  	[sflag:s30] =	ssyncadd.s32 $0xFFFFFF80;
	s15 =	sadd.s32 $0x0, s16  }
0x5f: {  	[tilespmem:s26], [sflag:$0x6] =	stream.indirect.gather [hbm4b:s5+s22], $0x80, s22, s22, $0xb8;
	[tilespmem:$0x1C400] =	vst v63  }
0x60: {  	s17 =	sand.u32 $0x40, s14;
	s15 =	sand.u32 $0xFFFFF80, s15  }
0x61: {  	s15 =	sor.u32 s15, s17  }
0x62: {  	[spmem:s2] =	stream.indirect.scatter.add.f32 [tilespmem:s19], [sflag:$0x7], $0x80, s21, s22, $0xb8;
	[tilespmem:$0x1C400] =	vst v63  }
0x63: {  	s16 =	sor.u32 $0x20, s15  }
0x64: {  	s17 =	sadd.s32 s1, s16  }
0x65: {  	[tilespmem:s31], [sflag:$0x3] =	stream.linear.gather [hbm4b:s17+s4], $0x80, $0x38;
	[tilespmem:$0x1C400] =	vst v63  }
0x66: {  	s16 =	sadd.s32 s6, s16  }
0x67: {  	[tilespmem:s0], [sflag:$0x3] =	stream.linear.gather [hbm4b:s16+s4], $0x80, $0x38;
	[tilespmem:$0x1C400] =	vst v63  }
0x68: {  	_ =	swait.ge [sflag:s3], $0x4000  }
0x69: {  	[sflag:s3] =	ssyncset.done $0x0  }
0x6a: {  	[sflag:s3] =	ssyncadd.s32 $0xFFFFC000  }
0x6b: {  	_ =	swait.ge [sflag:s9], $0x4000  }
0x6c: {  	[sflag:s9] =	ssyncset.done $0x0  }
0x6d: {  	[sflag:s9] =	ssyncadd.s32 $0xFFFFC000  }
0x6e: {  	_ =	swait.ge [sflag:s10], $0x80  }
0x6f: {  	[sflag:s10] =	ssyncset.done $0x0  }
0x70: {  	[sflag:s10] =	ssyncadd.s32 $0xFFFFFF80  }
0x71: {  	_ =	swait.ge [sflag:s10], $0x80  }
0x72: {  	[sflag:s10] =	ssyncset.done $0x0  }
0x73: {  	[sflag:s10] =	ssyncadd.s32 $0xFFFFFF80  }
0x74: {  	[tilespmem:s19], [sflag:$0x5] =	stream.indirect.gather [hbm4b:s5+s22], $0x80, s31, s22, $0xb8;
	[tilespmem:$0x1C400] =	vst v63  }
0x75: {  	s15 =	sor.u32 $0x30, s15  }
0x76: {  	[spmem:s2] =	stream.indirect.scatter.add.f32 [tilespmem:s26], [sflag:$0x8], $0x80, s23, s22, $0xb8;
	[tilespmem:$0x1C400] =	vst v63  }
0x77: {  	s18 =	sadd.s32 s1, s15  }
0x78: {  	[tilespmem:s11], [sflag:$0x4] =	stream.linear.gather [hbm4b:s18+s4], $0x80, $0x38;
	[tilespmem:$0x1C400] =	vst v63  }
0x79: {  	s15 =	sadd.s32 s6, s15  }
0x7a: {  	[tilespmem:s25], [sflag:$0x4] =	stream.linear.gather [hbm4b:s15+s4], $0x80, $0x38;
	[tilespmem:$0x1C400] =	vst v63  }
0x7b: {  	_ =	swait.ge [sflag:s28], $0x4000  }
0x7c: {  	[sflag:s28] =	ssyncset.done $0x0  }
0x7d: {  	[sflag:s28] =	ssyncadd.s32 $0xFFFFC000  }
0x7e: {  	_ =	swait.ge [sflag:s29], $0x4000  }
0x7f: {  	[sflag:s29] =	ssyncset.done $0x0  }
0x80: {  	[sflag:s29] =	ssyncadd.s32 $0xFFFFC000  }
0x81: {  	_ =	swait.ge [sflag:s12], $0x80  }
0x82: {  	s16 =	smin.u32 s14, $0x4B;
	[sflag:s12] =	ssyncset.done $0x0  }
0x83: {  	s15 =	sadd.s32 $0x4, s16;
	[sflag:s12] =	ssyncadd.s32 $0xFFFFFF80  }
0x84: {  	s17 =	sadd.s32 s8, s15;
	_ =	swait.ge [sflag:s12], $0x80  }
0x85: {  	s15 =	sshll.u32 s15, $0x4;
	s16 =	sshll.u32 s17, $0x4;
	[sflag:s12] =	ssyncset.done $0x0  }
0x86: {  	s15 =	sand.u32 $0x70, s15;
	s16 =	sand.u32 $0x1FF80, s16;
	[sflag:s12] =	ssyncadd.s32 $0xFFFFFF80  }
0x87: {  	[tilespmem:s26], [sflag:$0x6] =	stream.indirect.gather [hbm4b:s5+s22], $0x80, s11, s22, $0xb8;
	[tilespmem:$0x1C400] =	vst v63  }
0x88: {  	s15 =	sor.u32 s15, s16  }
0x89: {  	[spmem:s2] =	stream.indirect.scatter.add.f32 [tilespmem:s19], [sflag:$0x7], $0x80, s0, s22, $0xb8;
	[tilespmem:$0x1C400] =	vst v63  }
0x8a: {  	s16 =	sadd.s32 s1, s15  }
0x8b: {  	[tilespmem:s4], [sflag:$0x1] =	stream.linear.gather [hbm4b:s16+s4], $0x80, $0x38;
	[tilespmem:$0x1C400] =	vst v63  }
0x8c: {  	s15 =	sadd.s32 s6, s15  }
0x8d: {  	[tilespmem:s21], [sflag:$0x1] =	stream.linear.gather [hbm4b:s15+s4], $0x80, $0x38;
	[tilespmem:$0x1C400] =	vst v63  }
0x8e: {  	_ =	swait.ge [sflag:s3], $0x4000  }
0x8f: {  	[sflag:s3] =	ssyncset.done $0x0  }
0x90: {  	[sflag:s3] =	ssyncadd.s32 $0xFFFFC000  }
0x91: {  	_ =	swait.ge [sflag:s9], $0x4000  }
0x92: {  	s18 =	smin.u32 s14, $0x4A;
	[sflag:s9] =	ssyncset.done $0x0  }
0x93: {  	s16 =	sadd.s32 $0x5, s18;
	[sflag:s9] =	ssyncadd.s32 $0xFFFFC000  }
0x94: {  	s17 =	sadd.s32 s8, s16;
	_ =	swait.ge [sflag:s24], $0x80  }
0x95: {  	s16 =	sshll.u32 s16, $0x4;
	s15 =	simm.s32 $0x40;
	[sflag:s24] =	ssyncset.done $0x0  }
.LBB2_4:
0x96: {  	[sflag:s24] =	ssyncadd.s32 $0xFFFFFF80  }
0x97: {  	_ =	swait.ge [sflag:s24], $0x80  }
0x98: {  	s17 =	sshll.u32 s17, $0x4;
	[sflag:s24] =	ssyncset.done $0x0  }
0x99: {  	s16 =	sand.u32 $0x70, s16;
	s17 =	sand.u32 $0x1FF80, s17;
	[sflag:s24] =	ssyncadd.s32 $0xFFFFFF80  }
0x9a: {  	[tilespmem:s19], [sflag:$0x5] =	stream.indirect.gather [hbm4b:s5+s22], $0x80, s4, s22, $0xb8;
	[tilespmem:$0x1C400] =	vst v63  }
0x9b: {  	s16 =	sor.u32 s16, s17  }
0x9c: {  	[spmem:s2] =	stream.indirect.scatter.add.f32 [tilespmem:s26], [sflag:$0x8], $0x80, s25, s22, $0xb8;
	[tilespmem:$0x1C400] =	vst v63  }
0x9d: {  	s18 =	sadd.s32 s1, s16  }
0x9e: {  	[tilespmem:s22], [sflag:$0x2] =	stream.linear.gather [hbm4b:s18+s4], $0x80, $0x38;
	[tilespmem:$0x1C400] =	vst v63  }
0x9f: {  	s16 =	sadd.s32 s6, s16  }
0xa0: {  	[tilespmem:s23], [sflag:$0x2] =	stream.linear.gather [hbm4b:s16+s4], $0x80, $0x38;
	[tilespmem:$0x1C400] =	vst v63  }
0xa1: {  	_ =	swait.ge [sflag:s28], $0x4000  }
0xa2: {  	[sflag:s28] =	ssyncset.done $0x0  }
0xa3: {  	[sflag:s28] =	ssyncadd.s32 $0xFFFFC000  }
0xa4: {  	_ =	swait.ge [sflag:s29], $0x4000  }
0xa5: {  	[sflag:s29] =	ssyncset.done $0x0  }
0xa6: {  	[sflag:s29] =	ssyncadd.s32 $0xFFFFC000  }
0xa7: {  	_ =	swait.ge [sflag:s30], $0x80  }
0xa8: {  	[sflag:s30] =	ssyncset.done $0x0  }
0xa9: {  	[sflag:s30] =	ssyncadd.s32 $0xFFFFFF80  }
0xaa: {  	_ =	swait.ge [sflag:s30], $0x80  }
0xab: {  	s17 =	smov.u32 s15;
	[sflag:s30] =	ssyncset.done $0x0;
	s18 =	rddreg [dreg:$0x4]  }
0xac: {  	s16 =	sand.u32 $0x40, s17;
	[sflag:s30] =	ssyncadd.s32 $0xFFFFFF80;
	s17 =	sadd.s32 s17, s18  }
0xad: {  	[tilespmem:s26], [sflag:$0x6] =	stream.indirect.gather [hbm4b:s5+s22], $0x80, s22, s22, $0xb8;
	[tilespmem:$0x1C400] =	vst v63  }
0xae: {  	s17 =	sand.u32 $0xFFFFF80, s17  }
0xaf: {  	s16 =	sor.u32 s17, s16  }
0xb0: {  	[spmem:s2] =	stream.indirect.scatter.add.f32 [tilespmem:s19], [sflag:$0x7], $0x80, s21, s22, $0xb8;
	[tilespmem:$0x1C400] =	vst v63  }
0xb1: {  	s17 =	sor.u32 $0x20, s16  }
0xb2: {  	s18 =	sadd.s32 s1, s17  }
0xb3: {  	[tilespmem:s31], [sflag:$0x3] =	stream.linear.gather [hbm4b:s18+s4], $0x80, $0x38;
	[tilespmem:$0x1C400] =	vst v63  }
0xb4: {  	s17 =	sadd.s32 s6, s17  }
0xb5: {  	[tilespmem:s0], [sflag:$0x3] =	stream.linear.gather [hbm4b:s17+s4], $0x80, $0x38;
	[tilespmem:$0x1C400] =	vst v63  }
0xb6: {  	_ =	swait.ge [sflag:s3], $0x4000  }
0xb7: {  	[sflag:s3] =	ssyncset.done $0x0  }
0xb8: {  	[sflag:s3] =	ssyncadd.s32 $0xFFFFC000  }
0xb9: {  	_ =	swait.ge [sflag:s9], $0x4000  }
0xba: {  	[sflag:s9] =	ssyncset.done $0x0  }
0xbb: {  	[sflag:s9] =	ssyncadd.s32 $0xFFFFC000  }
0xbc: {  	_ =	swait.ge [sflag:s10], $0x80  }
0xbd: {  	[sflag:s10] =	ssyncset.done $0x0  }
0xbe: {  	[sflag:s10] =	ssyncadd.s32 $0xFFFFFF80  }
0xbf: {  	_ =	swait.ge [sflag:s10], $0x80  }
0xc0: {  	[sflag:s10] =	ssyncset.done $0x0  }
0xc1: {  	[sflag:s10] =	ssyncadd.s32 $0xFFFFFF80  }
0xc2: {  	[tilespmem:s19], [sflag:$0x5] =	stream.indirect.gather [hbm4b:s5+s22], $0x80, s31, s22, $0xb8;
	[tilespmem:$0x1C400] =	vst v63  }
0xc3: {  	s16 =	sor.u32 $0x30, s16  }
0xc4: {  	[spmem:s2] =	stream.indirect.scatter.add.f32 [tilespmem:s26], [sflag:$0x8], $0x80, s23, s22, $0xb8;
	[tilespmem:$0x1C400] =	vst v63  }
0xc5: {  	s18 =	sadd.s32 s1, s16  }
0xc6: {  	[tilespmem:s11], [sflag:$0x4] =	stream.linear.gather [hbm4b:s18+s4], $0x80, $0x38;
	[tilespmem:$0x1C400] =	vst v63  }
0xc7: {  	s16 =	sadd.s32 s6, s16  }
0xc8: {  	[tilespmem:s25], [sflag:$0x4] =	stream.linear.gather [hbm4b:s16+s4], $0x80, $0x38;
	[tilespmem:$0x1C400] =	vst v63  }
0xc9: {  	_ =	swait.ge [sflag:s28], $0x4000  }
0xca: {  	[sflag:s28] =	ssyncset.done $0x0  }
0xcb: {  	[sflag:s28] =	ssyncadd.s32 $0xFFFFC000  }
0xcc: {  	_ =	swait.ge [sflag:s29], $0x4000  }
0xcd: {  	[sflag:s29] =	ssyncset.done $0x0  }
0xce: {  	[sflag:s29] =	ssyncadd.s32 $0xFFFFC000  }
0xcf: {  	s14 =	sadd.s32 $0x4, s14;
	_ =	swait.ge [sflag:s12], $0x80  }
0xd0: {  	s17 =	smin.u32 s14, $0x4B;
	[sflag:s12] =	ssyncset.done $0x0  }
0xd1: {  	s16 =	sadd.s32 $0x4, s17;
	[sflag:s12] =	ssyncadd.s32 $0xFFFFFF80  }
0xd2: {  	s18 =	sadd.s32 s8, s16;
	_ =	swait.ge [sflag:s12], $0x80  }
0xd3: {  	s16 =	sshll.u32 s16, $0x4;
	s17 =	sshll.u32 s18, $0x4;
	[sflag:s12] =	ssyncset.done $0x0  }
0xd4: {  	s16 =	sand.u32 $0x70, s16;
	s17 =	sand.u32 $0x1FF80, s17;
	[sflag:s12] =	ssyncadd.s32 $0xFFFFFF80  }
0xd5: {  	[tilespmem:s26], [sflag:$0x6] =	stream.indirect.gather [hbm4b:s5+s22], $0x80, s11, s22, $0xb8;
	[tilespmem:$0x1C400] =	vst v63  }
0xd6: {  	s16 =	sor.u32 s16, s17  }
0xd7: {  	[spmem:s2] =	stream.indirect.scatter.add.f32 [tilespmem:s19], [sflag:$0x7], $0x80, s0, s22, $0xb8;
	[tilespmem:$0x1C400] =	vst v63  }
0xd8: {  	s17 =	sadd.s32 s1, s16  }
0xd9: {  	[tilespmem:s4], [sflag:$0x1] =	stream.linear.gather [hbm4b:s17+s4], $0x80, $0x38;
	[tilespmem:$0x1C400] =	vst v63  }
0xda: {  	s16 =	sadd.s32 s6, s16  }
0xdb: {  	[tilespmem:s21], [sflag:$0x1] =	stream.linear.gather [hbm4b:s16+s4], $0x80, $0x38;
	[tilespmem:$0x1C400] =	vst v63  }
0xdc: {  	_ =	swait.ge [sflag:s3], $0x4000  }
0xdd: {  	[sflag:s3] =	ssyncset.done $0x0  }
0xde: {  	p0 =	sne.s32 s15, $0x4C0;
	[sflag:s3] =	ssyncadd.s32 $0xFFFFC000  }
.Ltmp1:
0xdf: {  	_ =	swait.ge [sflag:s9], $0x4000;
	(pc) =	sbr.rel @p0 .LBB2_4-.Ltmp1, $4  }
0xe0: {  	[sflag:s9] =	ssyncset.done $0x0  }
0xe1: {  	s18 =	smin.u32 s14, $0x4A;
	[sflag:s9] =	ssyncadd.s32 $0xFFFFC000  }
0xe2: {  	s15 =	sadd.s32 $0x40, s15;
	s16 =	sadd.s32 $0x5, s18;
	_ =	swait.ge [sflag:s24], $0x80  }
0xe3: {  	s17 =	sadd.s32 s8, s16;
	s16 =	sshll.u32 s16, $0x4;
	[sflag:s24] =	ssyncset.done $0x0  }
0xe4: {  	[sflag:s24] =	ssyncadd.s32 $0xFFFFFF80  }
0xe5: {  	_ =	swait.ge [sflag:s24], $0x80  }
0xe6: {  	s14 =	sshll.u32 s17, $0x4;
	[sflag:s24] =	ssyncset.done $0x0  }
0xe7: {  	s15 =	sand.u32 $0x70, s16;
	s14 =	sand.u32 $0x1FF80, s14;
	[sflag:s24] =	ssyncadd.s32 $0xFFFFFF80  }
0xe8: {  	[tilespmem:s19], [sflag:$0x5] =	stream.indirect.gather [hbm4b:s5+s22], $0x80, s4, s22, $0xb8;
	[tilespmem:$0x1C400] =	vst v63  }
0xe9: {  	s14 =	sor.u32 s15, s14  }
0xea: {  	[spmem:s2] =	stream.indirect.scatter.add.f32 [tilespmem:s26], [sflag:$0x8], $0x80, s25, s22, $0xb8;
	[tilespmem:$0x1C400] =	vst v63  }
0xeb: {  	s15 =	sadd.s32 s1, s14  }
0xec: {  	[tilespmem:s22], [sflag:$0x2] =	stream.linear.gather [hbm4b:s15+s4], $0x80, $0x38;
	[tilespmem:$0x1C400] =	vst v63  }
0xed: {  	s14 =	sadd.s32 s6, s14  }
0xee: {  	[tilespmem:s23], [sflag:$0x2] =	stream.linear.gather [hbm4b:s14+s4], $0x80, $0x38;
	[tilespmem:$0x1C400] =	vst v63  }
0xef: {  	_ =	swait.ge [sflag:s28], $0x4000  }
0xf0: {  	[sflag:s28] =	ssyncset.done $0x0  }
0xf1: {  	[sflag:s28] =	ssyncadd.s32 $0xFFFFC000  }
0xf2: {  	_ =	swait.ge [sflag:s30], $0x80  }
0xf3: {  	[sflag:s30] =	ssyncset.done $0x0  }
0xf4: {  	[sflag:s30] =	ssyncadd.s32 $0xFFFFFF80  }
0xf5: {  	_ =	swait.ge [sflag:s30], $0x80  }
0xf6: {  	[sflag:s30] =	ssyncset.done $0x0  }
0xf7: {  	[sflag:s30] =	ssyncadd.s32 $0xFFFFFF80  }
0xf8: {  	_ =	swait.ge [sflag:s29], $0x4000  }
0xf9: {  	[sflag:s29] =	ssyncset.done $0x0  }
0xfa: {  	s15 =	stileid.u32;
	[sflag:s29] =	ssyncadd.s32 $0xFFFFC000  }
0xfb: {  	s14 =	sshll.u32 s15, $0x6;
	[bflag:$0x0] =	sbarrier.arrive $0xFFFF  }
0xfc: {  	s16 =	sshrl.u32 s7, $0x3;
	s14 =	sor.u32 $0x1C09, s14;
	s17 =	rddreg [dreg:$0x9]  }
0xfd: {  	[hbm:s17], [sflag:s14] =	dma.local [spmem:s16], $0x2800  }
0xfe: {  	_ =	swait.ge [sflag:s20], $0x2800  }
0xff: {  	s13 =	sadd.s32 $0x1, s13;
	s18 =	rddreg [dreg:$0xa]  }
0x100: {  	p0 =	sne.s32 s13, s18  }
.Ltmp2:
0x101: {  	_ = 	snop;
	(pc) =	sbr.rel @p0 .LBB2_1-.Ltmp2, $3  }
0x102: {  	_ =	sdelay $0x1  }
0x103: {  	[sflag:s20] =	ssyncset.done $0x0  }
0x104: {  	[sflag:s20] =	ssyncadd.s32 $0xFFFFD800  }
0x105: {  	_ =	sfence.sel $0x180000  }
0x106: {  	[bflag:$0x0] =	sbarrier.arrive $0xFFFF  }
0x107: {  	_ =	strace $0x9000004D  }
0x108: {  	s0 =	stileid.u32;
	[bflag:$0x2] =	sbarrier.arrive $0xFFFF  }
0x109: {  	p0 =	sne.s32 s0, $0x0;
	s0 =	rddreg [dreg:$0x3]  }
0x10a: {  	s0 =	sadd.s32 @!p0 $0x100000, s0  }
0x10b: {  	[sflag:s0] =	ssyncadd.tile.s32 @!p0 $0x1;
	_ =	shalt  }
.Lfunc_end2:
_tile_overlayer_lowered:
.L_overlay_start_2:
0x10c: {  	(tag) =	ssettag $0x2  }
0x10d: {  	s0 =	rddreg [dreg:$0x0];
	s2 =	stileid.u32  }
0x10e: {  	s1 =	rddreg [dreg:$0x1];
	p0 =	sne.s32 s2, $0x0  }
0x10f: {  	s3 =	rddreg [dreg:$0x2];
	[bflag:$0x3] =	sbarrier.arrive $0xFFFF;
	s2 =	simm.s32 @!p0 $0x1C09  }
0x110: {  	[timem:s3], [sflag:s2] =	dma.local @!p0 [hbm:s0], s1  }
0x111: {  	s0 =	simm.s32 @!p0 $0x9  }
0x112: {  	_ =	swait.ge @!p0 [sflag:s0], s1  }
0x113: {  	s1 =	ssub.s32 @!p0 $0x0, s1;
	[sflag:s0] =	ssyncset.done @!p0 $0x0  }
0x114: {  	[sflag:s0] =	ssyncadd.s32 @!p0 s1  }
0x115: {  	[bflag:$0x3] =	sbarrier.arrive $0xFFFF  }
0x116: {  	_ =	shalt  }

// kernel: kernel.8.cloned.1.call-start
scs
__scs_entry_jumppad:
0x0: {  	(pc) =	sbr.rel $0x88, $3  }
0x1: {  	(tag) =	ssettag $0x0;
	lr =	simm.s32 $0x1  }
0x2: {  	[smem:$0x3F9B] =	sst lr;
	_ =	strace $0xD0000000  }
0x3: {  	_ = 	snop  }
0x4: {  	_ = 	snop  }
0x5: {  	_ = 	snop  }
0x6: {  	_ = 	snop  }
0x7: {  	_ = 	snop  }
__scs_overlays_trampoline_lowered:
0x8: {  	[smem:$0x3FAA] =	sst s0  }
0x9: {  	[smem:$0x3FAB] =	sst s1  }
0xa: {  	[smem:$0x3FAC] =	sst s2  }
0xb: {  	[smem:$0x3FAD] =	sst s3  }
0xc: {  	[smem:$0x3FAE] =	sst s4  }
0xd: {  	[smem:$0x3FAF] =	sst s5  }
0xe: {  	[smem:$0x3FB0] =	sst s6  }
0xf: {  	[smem:$0x3FB1] =	sst s7  }
0x10: {  	[smem:$0x3FB2] =	sst s8  }
0x11: {  	[smem:$0x3FB3] =	sst s9;
	s0 =	simm.s32 @!p0 $0x0  }
0x12: {  	s1 =	sld [smem:$0x3F99];
	s0 =	simm.s32 @p0 $0x1  }
0x13: {  	[smem:$0x3FB4] =	sst s0;
	s0 =	simm.s32 @!p1 $0x0  }
0x14: {  	s2 =	sld [smem:$0x3F98];
	s0 =	simm.s32 @p1 $0x1  }
0x15: {  	[smem:$0x3FB5] =	sst s0;
	s0 =	simm.s32 @!p2 $0x0  }
0x16: {  	s3 =	sld [smem:$0x3FDB];
	s0 =	simm.s32 @p2 $0x1  }
0x17: {  	s4 =	simm.s32 $0x1BF5;
	[smem:$0x3FB7] =	sst s0  }
0x18: {  	s0 =	sld [smem:$0x3F9A];
	_ =	swait.ge [sflag:s4], $0x0  }
0x19: {  	s7 =	sld [smem:$0x3F9B]  }
0x1a: {  	s8 =	sadd.s32 $0xFFFFE003, lr  }
0x1b: {  	s9 =	sadd.s32 $0xFFFFFEF7, lr;
	s5 =	simm.s32 $0xFFFFFFFF;
	p2 =	slt.u32 s8, $0xFFFFF086  }
0x1c: {  	p1 =	slt.u32 s9, $0xF7A;
	s5 =	simm.s32 @!p2 $0x0  }
0x1d: {  	s5 =	simm.s32 @p1 $0x1;
	p0 =	seq.s32 s7, s2  }
0x1e: {  	s7 =	smul.u32 @!p0 $0xF7A, s2;
	p2 =	seq.s32 @!p0 s5, $0x0  }
0x1f: {  	s9 =	smul.u32 $0xF7A, s1;
	s8 =	simm.s32 @!p0 $0x1BF5;
	p2 =	por !p2, p0  }
0x20: {  	[sflag:s8] =	ssyncset.s32 @!p0 $0xFFFFF086;
	s6 =	sadd.s32 @!p0 s3, s7;
	s7 =	simm.s32 @!p0 $0x108  }
0x21: {  	s3 =	sadd.s32 s3, s9;
	s6 =	sadd.s32 @!p0 $0x88, s6;
	s7 =	simm.s32 @p2 $0x1082  }
0x22: {  	[simem:s7], [sflag:s8] =	dma.local @!p0 [hbm:s6], $0xF7A  }
0x23: {  	s9 =	sor.u32 $0xD0000000, s2;
	s6 =	simm.s32 $0x108;
	_ =	swait.ge @!p0 [sflag:s8], $0x0  }
0x24: {  	s3 =	sadd.s32 $0x88, s3;
	s6 =	simm.s32 @!p1 $0x1082;
	[sflag:s4] =	ssyncset.s32 $0xFFFFF086  }
0x25: {  	[simem:s6], [sflag:s4] =	dma.local [hbm:s3], $0xF7A  }
0x26: {  	[smem:$0x3F9B] =	sst s1;
	(tag) =	ssettag s2;
	_ =	strace s9  }
0x27: {  	s1 =	sld [smem:$0x3FAB]  }
0x28: {  	s2 =	sld [smem:$0x3FAC]  }
0x29: {  	s4 =	sld [smem:$0x3FAE]  }
0x2a: {  	p0 =	seq.s32 s5, $0x0;
	s5 =	sld [smem:$0x3FAF]  }
0x2b: {  	s6 =	sld [smem:$0x3FB0]  }
0x2c: {  	s7 =	sld [smem:$0x3FB1]  }
0x2d: {  	s3 =	simm.s32 $0x108;
	s8 =	sld [smem:$0x3FB2]  }
0x2e: {  	s3 =	simm.s32 @!p0 $0x1082;
	s9 =	sld [smem:$0x3FB3]  }
0x2f: {  	lr =	sadd.s32 s0, s3;
	s0 =	sld [smem:$0x3FAA]  }
0x30: {  	s3 =	sld [smem:$0x3FAD]  }
0x31: {  	[smem:$0x3FB6] =	sst s10  }
0x32: {  	s10 =	sld [smem:$0x3FB4];
	_ =	sdelay $0x3  }
0x33: {  	p0 =	seq.s32 s10, $0x1;
	s10 =	sld [smem:$0x3FB6];
	_ =	sdelay $0x3  }
0x34: {  	[smem:$0x3FB6] =	sst s10  }
0x35: {  	s10 =	sld [smem:$0x3FB5];
	_ =	sdelay $0x3  }
0x36: {  	p1 =	seq.s32 s10, $0x1;
	s10 =	sld [smem:$0x3FB6];
	_ =	sdelay $0x3  }
0x37: {  	[smem:$0x3FB6] =	sst s10  }
0x38: {  	s10 =	sld [smem:$0x3FB7]  }
0x39: {  	_ = 	snop;
	(pc) =	sbr.ind lr, $3  }
0x3a: {  	_ = 	snop  }
0x3b: {  	_ = 	snop  }
0x3c: {  	p2 =	seq.s32 s10, $0x1;
	s10 =	sld [smem:$0x3FB6]  }
0x3d: {  	_ =	shalt  }
0x3e: {  	_ =	shalt  }
0x3f: {  	_ =	shalt  }
0x40: {  	_ =	shalt  }
0x41: {  	_ =	shalt  }
0x42: {  	_ =	shalt  }
0x43: {  	_ =	shalt  }
0x44: {  	_ =	shalt  }
0x45: {  	_ =	shalt  }
0x46: {  	_ =	shalt  }
0x47: {  	_ =	shalt  }
0x48: {  	_ =	shalt  }
0x49: {  	_ =	shalt  }
0x4a: {  	_ =	shalt  }
0x4b: {  	_ =	shalt  }
0x4c: {  	_ =	shalt  }
0x4d: {  	_ =	shalt  }
0x4e: {  	_ =	shalt  }
0x4f: {  	_ =	shalt  }
0x50: {  	_ =	shalt  }
0x51: {  	_ =	shalt  }
0x52: {  	_ =	shalt  }
0x53: {  	_ =	shalt  }
0x54: {  	_ =	shalt  }
0x55: {  	_ =	shalt  }
0x56: {  	_ =	shalt  }
0x57: {  	_ =	shalt  }
0x58: {  	_ =	shalt  }
0x59: {  	_ =	shalt  }
0x5a: {  	_ =	shalt  }
0x5b: {  	_ =	shalt  }
0x5c: {  	_ =	shalt  }
0x5d: {  	_ =	shalt  }
0x5e: {  	_ =	shalt  }
0x5f: {  	_ =	shalt  }
0x60: {  	_ =	shalt  }
0x61: {  	_ =	shalt  }
0x62: {  	_ =	shalt  }
0x63: {  	_ =	shalt  }
0x64: {  	_ =	shalt  }
0x65: {  	_ =	shalt  }
0x66: {  	_ =	shalt  }
0x67: {  	_ =	shalt  }
0x68: {  	_ =	shalt  }
0x69: {  	_ =	shalt  }
0x6a: {  	_ =	shalt  }
0x6b: {  	_ =	shalt  }
0x6c: {  	_ =	shalt  }
0x6d: {  	_ =	shalt  }
0x6e: {  	_ =	shalt  }
0x6f: {  	_ =	shalt  }
0x70: {  	_ =	shalt  }
0x71: {  	_ =	shalt  }
0x72: {  	_ =	shalt  }
0x73: {  	_ =	shalt  }
0x74: {  	_ =	shalt  }
0x75: {  	_ =	shalt  }
0x76: {  	_ =	shalt  }
0x77: {  	_ =	shalt  }
0x78: {  	_ =	shalt  }
0x79: {  	_ =	shalt  }
0x7a: {  	_ =	shalt  }
0x7b: {  	_ =	shalt  }
0x7c: {  	_ =	shalt  }
0x7d: {  	_ =	shalt  }
0x7e: {  	_ =	shalt  }
0x7f: {  	_ =	shalt  }
0x80: {  	_ =	shalt  }
0x81: {  	_ =	shalt  }
0x82: {  	_ =	shalt  }
0x83: {  	_ =	shalt  }
0x84: {  	_ =	shalt  }
0x85: {  	_ =	shalt  }
0x86: {  	_ =	shalt  }
0x87: {  	_ =	shalt  }
.Lfunc_end0:
.L_simem_size_0:
called_computation_lowered:
.L_overlay_start_0:
0x88: {  	s2 =	sld [smem:$0x3FD9]  }
0x89: {  	s3 =	sld [smem:$0x3FFE];
	_ =	sdelay $0x1  }
0x8a: {  	s1 =	srdreg.scid  }
0x8b: {  	s0 =	sand.u32 $0x1, s1  }
0x8c: {  	s17 =	sshll.u32 s0, $0xA;
	s2 =	sadd.s32 s3, s2  }
0x8d: {  	s2 =	sadd.s32 s2, s17  }
0x8e: {  	[smem:$0x3FC2] =	sst s2  }
0x8f: {  	_ = 	snop  }
0x90: {  	s2 =	sld [smem:$0x3FD0];
	(tm) =	ssettm $0x1  }
0x91: {  	s18 =	sld [smem:$0x3FFB];
	_ =	sdelay $0x3  }
0x92: {  	_ =	strace s18  }
0x93: {  	s3 =	sld [smem:$0x3FFC];
	_ =	sdelay $0x3  }
0x94: {  	_ =	strace s3  }
0x95: {  	s3 =	sld [smem:$0x3FFD];
	_ =	sdelay $0x3  }
0x96: {  	_ =	strace s3  }
0x97: {  	_ =	strace $0x8FFFFFFF  }
0x98: {  	s19 =	sld [smem:$0x3FDB];
	_ =	sdelay $0x1  }
0x99: {  	s4 =	simm.s32 $_scs_section_size  }
0x9a: {  	s5 =	simm.s32 $_size__tile_overlayer_lowered;
	s6 =	simm.s32 $_tile_overlayer_lowered  }
0x9b: {  	s22 =	simm.s32 $0x1BFF;
	s21 =	sshll.u32 s6, $0x1;
	s3 =	sadd.s32 s4, s19  }
0x9c: {  	s7 =	simm.s32 $0x0;
	s20 =	sshll.u32 s5, $0x1;
	s5 =	sadd.s32 s21, s3  }
0x9d: {  	[timem:s7], [sflag:s22] =	dma.local [hbm:s5], s20  }
0x9e: {  	_ =	swait.ge [sflag:s22], s20  }
0x9f: {  	s4 =	ssub.s32 $0x0, s20;
	[sflag:s22] =	ssyncset.done $0x0  }
0xa0: {  	[sflag:s22] =	ssyncadd.s32 s4;
	_ =	sdelay $0x1  }
0xa1: {  	s23 =	simm.s32 $0x1B8B  }
0xa2: {  	_ =	swait.ge [sflag:s23], $0x1  }
0xa3: {  	[sflag:s23] =	ssyncset.done $0x0  }
0xa4: {  	s25 =	simm.s32 $0x1B8E;
	s24 =	sld [smem:$0x3FFE];
	[sflag:s23] =	ssyncadd.s32 $0xFFFFFFFF  }
0xa5: {  	s26 =	simm.s32 $execute0_lowered;
	[smem:$0x3FD2] =	sst s25  }
0xa6: {  	s5 =	sshll.u32 s26, $0x1;
	_ =	strace $0x80000046;
	[dreg:$0x1] =	wrdreg $0xFFFFFFFF  }
0xa7: {  	s28 =	simm.s32 $_size_execute0_lowered;
	s3 =	sadd.s32 s3, s5;
	[dreg:$0x0] =	wrdreg $0x0  }
0xa8: {  	s5 =	sshll.u32 s28, $0x1;
	[dreg:$0x2] =	wrdreg s3  }
0xa9: {  	[dreg:$0x3] =	wrdreg s5  }
0xaa: {  	[dreg:$0x4] =	wrdreg $0xC0  }
0xab: {  	_ =	task [dreg:s7], $0x5FFFF  }
0xac: {  	[dreg:$0x1] =	wrdreg $0xFFFFFFFF  }
0xad: {  	[dreg:$0x0] =	wrdreg $0x60  }
0xae: {  	[dreg:$0x2] =	wrdreg s24  }
0xaf: {  	[dreg:$0x3] =	wrdreg s2  }
0xb0: {  	[dreg:$0x4] =	wrdreg $0x84000  }
0xb1: {  	[dreg:$0x5] =	wrdreg $0x9  }
0xb2: {  	_ =	task.clear_ibuf [dreg:s7], $0x6FFFF;
	_ =	strace $0x90000046  }
0xb3: {  	s29 =	simm.s32 $0x9;
	_ =	strace $0x80000048  }
0xb4: {  	_ =	swait.ge [sflag:s29], $0x1  }
0xb5: {  	[sflag:s29] =	ssyncadd.s32 $0xFFFFFFFF  }
0xb6: {  	_ =	strace $0x90000048  }
0xb7: {  	_ =	sfence  }
0xb8: {  	s30 =	sld [smem:$0x0];
	_ =	sdelay $0x2  }
0xb9: {  	s31 =	sshll.u32 s1, $0xD;
	s1 =	sshrl.u32 s1, $0x2  }
0xba: {  	s3 =	sand.u32 $0x4000, s31;
	s1 =	sadd.s32 s1, s30  }
0xbb: {  	s0 =	sor.u32 s3, s0;
	s1 =	sshll.u32 s1, $0x11  }
0xbc: {  	s0 =	sor.u32 s1, s0  }
0xbd: {  	s0 =	sadd.s32 $0x8F2B, s0  }
0xbe: {  	[sflag:s0] =	ssyncadd.remote.s32 $0x1  }
0xbf: {  	_ =	sfence.sel $0xFFFF  }
0xc0: {  	[dreg:$0x0] =	wrdreg $0xFFFFFFFF;
	(pc) =	sbr.abs _section_cstart, $3  }
0xc1: {  	[dreg:$0x1] =	wrdreg $0xFFFFFFFF  }
0xc2: {  	_ =	task.clear_ibuf [dreg:s7], $0x2FFFF;
	_ =	strace $0x9FFFFFFF  }
0xc3: {  	(tm) =	ssettm $0x7FFFFFFF  }
tec
execute0_lowered:
.L_overlay_start_1:
0x0: {  	(tag) =	ssettag $0x1  }
0x1: {  	s0 =	rddreg [dreg:$0x0]  }
0x2: {  	s1 =	rddreg [dreg:$0x1]  }
0x3: {  	s2 =	rddreg [dreg:$0x2];
	s3 =	srdreg.scid  }
0x4: {  	s4 =	simm.s32 $0x0;
	s13 =	stileid.u32;
	s28 =	simm.s32 $0x5  }
0x5: {  	s29 =	simm.s32 $0x8;
	s30 =	simm.s32 $0x2;
	s8 =	smul.u32 $0x14000, s13  }
0x6: {  	s31 =	simm.s32 $0x100;
	s3 =	sand.u32 $0x1, s3;
	s10 =	smul.u32 $0x50000, s13  }
0x7: {  	[smem:$0x7FF] =	sst s4;
	s5 =	sadd.s32 $0xC000, s0;
	s20 =	smul.u32 $0xA00, s13  }
0x8: {  	s6 =	sadd.s32 $0x2000, s0;
	s15 =	sshll.u32 s13, $0x1;
	s7 =	smul.u32 $0x140000, s3  }
0x9: {  	s13 =	simm.s32 $0x0;
	_ =	strace $0x80000047;
	s9 =	ssub.s32 $0x2, s3  }
0xa: {  	s11 =	sshrl.u32 s9, $0x1;
	s16 =	sshrl.u32 s10, $0x2;
	s7 =	sadd.s32 s8, s7  }
0xb: {  	s8 =	sor.u32 s3, s15;
	s9 =	ssub.s32 s9, s11;
	s3 =	smul.u32 $0x500, s3  }
0xc: {  	s11 =	simm.s32 $0x180;
	s7 =	sshrl.u32 s7, $0x3;
	s12 =	smul.u32 $0x500, s8  }
0xd: {  	s8 =	smul.u32 $0x50, s8;
	s21 =	smax.u32 s9, $0x1;
	s9 =	simm.s32 $0x7  }
0xe: {  	s0 =	sadd.s32 s7, s0;
	[dreg:$0xa] =	wrdreg s21;
	s25 =	sadd.s32 s3, s20  }
0xf: {  	s7 =	sadd.s32 s16, s2;
	s17 =	sadd.s32 s1, s12;
	[dreg:$0x4] =	wrdreg s25  }
0x10: {  	s20 =	simm.s32 $0x9;
	s18 =	sadd.s32 s6, s12;
	[dreg:$0x5] =	wrdreg s17  }
0x11: {  	s21 =	simm.s32 $0x200;
	s0 =	sadd.s32 $0x34000, s0;
	[dreg:$0x6] =	wrdreg s18  }
0x12: {  	s3 =	simm.s32 $0x6;
	s22 =	sadd.s32 $0x4000, s7;
	[dreg:$0x9] =	wrdreg s0  }
0x13: {  	s19 =	sor.u32 $0x10, s12;
	s23 =	sadd.s32 $0x8000, s7;
	[dreg:$0xb] =	wrdreg s22  }
0x14: {  	s24 =	sadd.s32 $0xC000, s7;
	s26 =	sadd.s32 $0x10000, s7;
	[dreg:$0xc] =	wrdreg s23  }
0x15: {  	s25 =	simm.s32 $0x380;
	s12 =	sadd.s32 s1, s19;
	[dreg:$0xd] =	wrdreg s24  }
0x16: {  	v8 =	vlaneseq.u32;
	s10 =	sadd.s32 s6, s19;
	[dreg:$0xe] =	wrdreg s26;
	s19 =	simm.s32 $0x400  }
0x17: {  	v0 =	vimm.f32 $0.0e+00;
	v1 =	vor.u32 $0x2720, v8;
	v2 =	vor.u32 $0x2730, v8;
	s22 =	simm.s32 $0x80;
	s23 =	simm.s32 $0x280;
	s24 =	simm.s32 $0x1  }
0x18: {  	v3 =	vor.u32 $0x2740, v8;
	v4 =	vor.u32 $0x2750, v8;
	v5 =	vor.u32 $0x2760, v8;
	s26 =	simm.s32 $0x4400;
	s0 =	simm.s32 $0x300;
	[dreg:$0x7] =	wrdreg s12  }
0x19: {  	v6 =	vor.u32 $0x2770, v8;
	v7 =	vor.u32 $0x2780, v8;
	v8 =	vor.u32 $0x2790, v8;
	[dreg:$0x8] =	wrdreg s10;
	s10 =	simm.s32 $0x3;
	s12 =	simm.s32 $0x4  }
.LBB2_1:
0x1a: {  	s14 =	sand.u32 $0xFE00, s4  }
0x1b: {  	s15 =	sand.u32 $0x70, s4;
	s16 =	sshrl.u32 s14, $0x2  }
0x1c: {  	s14 =	simm.s32 $0x40;
	s16 =	sor.u32 s15, s16;
	s15 =	simm.s32 $0x0  }
.LBB2_2:
0x1d: {  	p0 =	sne.s32 s14, $0xFFC0  }
0x1e: {  	[tilespmem:s16+$0x400] =	vst v0;
	s15 =	sadd.s32 $0x10, s15;
	s16 =	smov.u32 s14;
	s14 =	sadd.s32 $0x40, s14  }
.Ltmp0:
0x1f: {  	(pc) =	sbr.rel @p0 .LBB2_2-.Ltmp0, $4  }
0x20: {  	_ = 	snop  }
0x21: {  	s16 =	sand.u32 $0xFE00, s16  }
0x22: {  	s17 =	sand.u32 $0x70, s15;
	s16 =	sshrl.u32 s16, $0x2  }
0x23: {  	s16 =	sor.u32 s17, s16  }
0x24: {  	[tilespmem:s16+$0x400] =	vst v0  }
0x25: {  	[spmem:s7] =	stream.linear.scatter [tilespmem:s19], [sflag:$0x9], $0x4000, $0x38;
	[tilespmem:$0x1C400] =	vst v63  }
0x26: {  	_ =	swait.ge [sflag:s20], $0x4000  }
0x27: {  	[sflag:s20] =	ssyncset.done $0x0  }
0x28: {  	s14 =	rddreg [dreg:$0xb];
	[sflag:s20] =	ssyncadd.s32 $0xFFFFC000  }
0x29: {  	[spmem:s14] =	stream.linear.scatter [tilespmem:s19], [sflag:$0x9], $0x4000, $0x38;
	[tilespmem:$0x1C400] =	vst v63  }
0x2a: {  	_ =	swait.ge [sflag:s20], $0x4000  }
0x2b: {  	[sflag:s20] =	ssyncset.done $0x0  }
0x2c: {  	s17 =	rddreg [dreg:$0xc];
	[sflag:s20] =	ssyncadd.s32 $0xFFFFC000  }
0x2d: {  	[spmem:s17] =	stream.linear.scatter [tilespmem:s19], [sflag:$0x9], $0x4000, $0x38;
	[tilespmem:$0x1C400] =	vst v63  }
0x2e: {  	_ =	swait.ge [sflag:s20], $0x4000  }
0x2f: {  	[sflag:s20] =	ssyncset.done $0x0  }
0x30: {  	s18 =	rddreg [dreg:$0xd];
	[sflag:s20] =	ssyncadd.s32 $0xFFFFC000  }
0x31: {  	[spmem:s18] =	stream.linear.scatter [tilespmem:s19], [sflag:$0x9], $0x4000, $0x38;
	[tilespmem:$0x1C400] =	vst v63  }
0x32: {  	_ =	swait.ge [sflag:s20], $0x4000  }
0x33: {  	[sflag:s20] =	ssyncset.done $0x0  }
0x34: {  	s15 =	rddreg [dreg:$0xe];
	[sflag:s20] =	ssyncadd.s32 $0xFFFFC000  }
0x35: {  	[spmem:s15] =	stream.linear.scatter [tilespmem:s19], [sflag:$0x9], $0x4000, $0x38;
	[tilespmem:$0x1C400] =	vst v63  }
0x36: {  	_ =	swait.ge [sflag:s20], $0x4000  }
0x37: {  	[sflag:s20] =	ssyncset.done $0x0  }
0x38: {  	[sflag:s20] =	ssyncadd.s32 $0xFFFFC000  }
0x39: {  	[bflag:$0x0] =	sbarrier.arrive $0xFFFF  }
0x3a: {  	s14 =	simm.s32 $0x0;
	s15 =	rddreg [dreg:$0x5]  }
0x3b: {  	[tilespmem:s14], [sflag:$0x1] =	stream.linear.gather [hbm4b:s15+s14], $0x80, $0x38;
	[tilespmem:$0x1C400] =	vst v63  }
0x3c: {  	s16 =	rddreg [dreg:$0x6]  }
0x3d: {  	[tilespmem:s21], [sflag:$0x1] =	stream.linear.gather [hbm4b:s16+s14], $0x80, $0x38;
	[tilespmem:$0x1C400] =	vst v63  }
0x3e: {  	s17 =	rddreg [dreg:$0x7]  }
0x3f: {  	[tilespmem:s22], [sflag:$0x2] =	stream.linear.gather [hbm4b:s17+s14], $0x80, $0x38;
	[tilespmem:$0x1C400] =	vst v63  }
0x40: {  	s18 =	rddreg [dreg:$0x8]  }
0x41: {  	[tilespmem:s23], [sflag:$0x2] =	stream.linear.gather [hbm4b:s18+s14], $0x80, $0x38;
	[tilespmem:$0x1C400] =	vst v63  }
0x42: {  	[tilespmem:$0x380] =	vst v1  }
0x43: {  	[tilespmem:$0x390] =	vst v2  }
0x44: {  	[tilespmem:$0x3A0] =	vst v3  }
0x45: {  	[tilespmem:$0x3B0] =	vst v4  }
0x46: {  	[tilespmem:$0x3C0] =	vst v5  }
0x47: {  	[tilespmem:$0x3D0] =	vst v6  }
0x48: {  	[tilespmem:$0x3E0] =	vst v7  }
0x49: {  	[tilespmem:$0x3F0] =	vst v8  }
0x4a: {  	_ =	swait.ge [sflag:s24], $0x80  }
0x4b: {  	[sflag:s24] =	ssyncset.done $0x0  }
0x4c: {  	[sflag:s24] =	ssyncadd.s32 $0xFFFFFF80  }
0x4d: {  	_ =	swait.ge [sflag:s24], $0x80  }
0x4e: {  	[sflag:s24] =	ssyncset.done $0x0  }
0x4f: {  	[sflag:s24] =	ssyncadd.s32 $0xFFFFFF80  }
0x50: {  	[tilespmem:s19], [sflag:$0x5] =	stream.indirect.gather [hbm4b:s5+s22], $0x80, s14, s22, $0xb8;
	[tilespmem:$0x1C400] =	vst v63  }
0x51: {  	_ = 	snop  }
0x52: {  	[spmem:s2] =	stream.indirect.scatter.add.f32 [tilespmem:s26], [sflag:$0x8], $0x80, s25, s22, $0xb8;
	[tilespmem:$0x1C400] =	vst v63  }
0x53: {  	_ =	swait.ge [sflag:s28], $0x4000  }
0x54: {  	[sflag:s28] =	ssyncset.done $0x0  }
0x55: {  	[sflag:s28] =	ssyncadd.s32 $0xFFFFC000  }
0x56: {  	_ =	swait.ge [sflag:s29], $0x4000  }
0x57: {  	[sflag:s29] =	ssyncset.done $0x0  }
0x58: {  	[sflag:s29] =	ssyncadd.s32 $0xFFFFC000  }
0x59: {  	_ =	swait.ge [sflag:s30], $0x80  }
0x5a: {  	[sflag:s30] =	ssyncset.done $0x0  }
0x5b: {  	[sflag:s30] =	ssyncadd.s32 $0xFFFFFF80  }
0x5c: {  	_ =	swait.ge [sflag:s30], $0x80  }
0x5d: {  	[sflag:s30] =	ssyncset.done $0x0;
	s16 =	rddreg [dreg:$0x4]  }
0x5e: {  	[sflag:s30] =	ssyncadd.s32 $0xFFFFFF80;
	s15 =	sadd.s32 $0x0, s16  }
0x5f: {  	[tilespmem:s26], [sflag:$0x6] =	stream.indirect.gather [hbm4b:s5+s22], $0x80, s22, s22, $0xb8;
	[tilespmem:$0x1C400] =	vst v63  }
0x60: {  	s17 =	sand.u32 $0x40, s14;
	s15 =	sand.u32 $0xFFFFF80, s15  }
0x61: {  	s15 =	sor.u32 s15, s17  }
0x62: {  	[spmem:s2] =	stream.indirect.scatter.add.f32 [tilespmem:s19], [sflag:$0x7], $0x80, s21, s22, $0xb8;
	[tilespmem:$0x1C400] =	vst v63  }
0x63: {  	s16 =	sor.u32 $0x20, s15  }
0x64: {  	s17 =	sadd.s32 s1, s16  }
0x65: {  	[tilespmem:s31], [sflag:$0x3] =	stream.linear.gather [hbm4b:s17+s4], $0x80, $0x38;
	[tilespmem:$0x1C400] =	vst v63  }
0x66: {  	s16 =	sadd.s32 s6, s16  }
0x67: {  	[tilespmem:s0], [sflag:$0x3] =	stream.linear.gather [hbm4b:s16+s4], $0x80, $0x38;
	[tilespmem:$0x1C400] =	vst v63  }
0x68: {  	_ =	swait.ge [sflag:s3], $0x4000  }
0x69: {  	[sflag:s3] =	ssyncset.done $0x0  }
0x6a: {  	[sflag:s3] =	ssyncadd.s32 $0xFFFFC000  }
0x6b: {  	_ =	swait.ge [sflag:s9], $0x4000  }
0x6c: {  	[sflag:s9] =	ssyncset.done $0x0  }
0x6d: {  	[sflag:s9] =	ssyncadd.s32 $0xFFFFC000  }
0x6e: {  	_ =	swait.ge [sflag:s10], $0x80  }
0x6f: {  	[sflag:s10] =	ssyncset.done $0x0  }
0x70: {  	[sflag:s10] =	ssyncadd.s32 $0xFFFFFF80  }
0x71: {  	_ =	swait.ge [sflag:s10], $0x80  }
0x72: {  	[sflag:s10] =	ssyncset.done $0x0  }
0x73: {  	[sflag:s10] =	ssyncadd.s32 $0xFFFFFF80  }
0x74: {  	[tilespmem:s19], [sflag:$0x5] =	stream.indirect.gather [hbm4b:s5+s22], $0x80, s31, s22, $0xb8;
	[tilespmem:$0x1C400] =	vst v63  }
0x75: {  	s15 =	sor.u32 $0x30, s15  }
0x76: {  	[spmem:s2] =	stream.indirect.scatter.add.f32 [tilespmem:s26], [sflag:$0x8], $0x80, s23, s22, $0xb8;
	[tilespmem:$0x1C400] =	vst v63  }
0x77: {  	s18 =	sadd.s32 s1, s15  }
0x78: {  	[tilespmem:s11], [sflag:$0x4] =	stream.linear.gather [hbm4b:s18+s4], $0x80, $0x38;
	[tilespmem:$0x1C400] =	vst v63  }
0x79: {  	s15 =	sadd.s32 s6, s15  }
0x7a: {  	[tilespmem:s25], [sflag:$0x4] =	stream.linear.gather [hbm4b:s15+s4], $0x80, $0x38;
	[tilespmem:$0x1C400] =	vst v63  }
0x7b: {  	_ =	swait.ge [sflag:s28], $0x4000  }
0x7c: {  	[sflag:s28] =	ssyncset.done $0x0  }
0x7d: {  	[sflag:s28] =	ssyncadd.s32 $0xFFFFC000  }
0x7e: {  	_ =	swait.ge [sflag:s29], $0x4000  }
0x7f: {  	[sflag:s29] =	ssyncset.done $0x0  }
0x80: {  	[sflag:s29] =	ssyncadd.s32 $0xFFFFC000  }
0x81: {  	_ =	swait.ge [sflag:s12], $0x80  }
0x82: {  	s16 =	smin.u32 s14, $0x4B;
	[sflag:s12] =	ssyncset.done $0x0  }
0x83: {  	s15 =	sadd.s32 $0x4, s16;
	[sflag:s12] =	ssyncadd.s32 $0xFFFFFF80  }
0x84: {  	s17 =	sadd.s32 s8, s15;
	_ =	swait.ge [sflag:s12], $0x80  }
0x85: {  	s15 =	sshll.u32 s15, $0x4;
	s16 =	sshll.u32 s17, $0x4;
	[sflag:s12] =	ssyncset.done $0x0  }
0x86: {  	s15 =	sand.u32 $0x70, s15;
	s16 =	sand.u32 $0x1FF80, s16;
	[sflag:s12] =	ssyncadd.s32 $0xFFFFFF80  }
0x87: {  	[tilespmem:s26], [sflag:$0x6] =	stream.indirect.gather [hbm4b:s5+s22], $0x80, s11, s22, $0xb8;
	[tilespmem:$0x1C400] =	vst v63  }
0x88: {  	s15 =	sor.u32 s15, s16  }
0x89: {  	[spmem:s2] =	stream.indirect.scatter.add.f32 [tilespmem:s19], [sflag:$0x7], $0x80, s0, s22, $0xb8;
	[tilespmem:$0x1C400] =	vst v63  }
0x8a: {  	s16 =	sadd.s32 s1, s15  }
0x8b: {  	[tilespmem:s4], [sflag:$0x1] =	stream.linear.gather [hbm4b:s16+s4], $0x80, $0x38;
	[tilespmem:$0x1C400] =	vst v63  }
0x8c: {  	s15 =	sadd.s32 s6, s15  }
0x8d: {  	[tilespmem:s21], [sflag:$0x1] =	stream.linear.gather [hbm4b:s15+s4], $0x80, $0x38;
	[tilespmem:$0x1C400] =	vst v63  }
0x8e: {  	_ =	swait.ge [sflag:s3], $0x4000  }
0x8f: {  	[sflag:s3] =	ssyncset.done $0x0  }
0x90: {  	[sflag:s3] =	ssyncadd.s32 $0xFFFFC000  }
0x91: {  	_ =	swait.ge [sflag:s9], $0x4000  }
0x92: {  	s18 =	smin.u32 s14, $0x4A;
	[sflag:s9] =	ssyncset.done $0x0  }
0x93: {  	s16 =	sadd.s32 $0x5, s18;
	[sflag:s9] =	ssyncadd.s32 $0xFFFFC000  }
0x94: {  	s17 =	sadd.s32 s8, s16;
	_ =	swait.ge [sflag:s24], $0x80  }
0x95: {  	s16 =	sshll.u32 s16, $0x4;
	s15 =	simm.s32 $0x40;
	[sflag:s24] =	ssyncset.done $0x0  }
.LBB2_4:
0x96: {  	[sflag:s24] =	ssyncadd.s32 $0xFFFFFF80  }
0x97: {  	_ =	swait.ge [sflag:s24], $0x80  }
0x98: {  	s17 =	sshll.u32 s17, $0x4;
	[sflag:s24] =	ssyncset.done $0x0  }
0x99: {  	s16 =	sand.u32 $0x70, s16;
	s17 =	sand.u32 $0x1FF80, s17;
	[sflag:s24] =	ssyncadd.s32 $0xFFFFFF80  }
0x9a: {  	[tilespmem:s19], [sflag:$0x5] =	stream.indirect.gather [hbm4b:s5+s22], $0x80, s4, s22, $0xb8;
	[tilespmem:$0x1C400] =	vst v63  }
0x9b: {  	s16 =	sor.u32 s16, s17  }
0x9c: {  	[spmem:s2] =	stream.indirect.scatter.add.f32 [tilespmem:s26], [sflag:$0x8], $0x80, s25, s22, $0xb8;
	[tilespmem:$0x1C400] =	vst v63  }
0x9d: {  	s18 =	sadd.s32 s1, s16  }
0x9e: {  	[tilespmem:s22], [sflag:$0x2] =	stream.linear.gather [hbm4b:s18+s4], $0x80, $0x38;
	[tilespmem:$0x1C400] =	vst v63  }
0x9f: {  	s16 =	sadd.s32 s6, s16  }
0xa0: {  	[tilespmem:s23], [sflag:$0x2] =	stream.linear.gather [hbm4b:s16+s4], $0x80, $0x38;
	[tilespmem:$0x1C400] =	vst v63  }
0xa1: {  	_ =	swait.ge [sflag:s28], $0x4000  }
0xa2: {  	[sflag:s28] =	ssyncset.done $0x0  }
0xa3: {  	[sflag:s28] =	ssyncadd.s32 $0xFFFFC000  }
0xa4: {  	_ =	swait.ge [sflag:s29], $0x4000  }
0xa5: {  	[sflag:s29] =	ssyncset.done $0x0  }
0xa6: {  	[sflag:s29] =	ssyncadd.s32 $0xFFFFC000  }
0xa7: {  	_ =	swait.ge [sflag:s30], $0x80  }
0xa8: {  	[sflag:s30] =	ssyncset.done $0x0  }
0xa9: {  	[sflag:s30] =	ssyncadd.s32 $0xFFFFFF80  }
0xaa: {  	_ =	swait.ge [sflag:s30], $0x80  }
0xab: {  	s17 =	smov.u32 s15;
	[sflag:s30] =	ssyncset.done $0x0;
	s18 =	rddreg [dreg:$0x4]  }
0xac: {  	s16 =	sand.u32 $0x40, s17;
	[sflag:s30] =	ssyncadd.s32 $0xFFFFFF80;
	s17 =	sadd.s32 s17, s18  }
0xad: {  	[tilespmem:s26], [sflag:$0x6] =	stream.indirect.gather [hbm4b:s5+s22], $0x80, s22, s22, $0xb8;
	[tilespmem:$0x1C400] =	vst v63  }
0xae: {  	s17 =	sand.u32 $0xFFFFF80, s17  }
0xaf: {  	s16 =	sor.u32 s17, s16  }
0xb0: {  	[spmem:s2] =	stream.indirect.scatter.add.f32 [tilespmem:s19], [sflag:$0x7], $0x80, s21, s22, $0xb8;
	[tilespmem:$0x1C400] =	vst v63  }
0xb1: {  	s17 =	sor.u32 $0x20, s16  }
0xb2: {  	s18 =	sadd.s32 s1, s17  }
0xb3: {  	[tilespmem:s31], [sflag:$0x3] =	stream.linear.gather [hbm4b:s18+s4], $0x80, $0x38;
	[tilespmem:$0x1C400] =	vst v63  }
0xb4: {  	s17 =	sadd.s32 s6, s17  }
0xb5: {  	[tilespmem:s0], [sflag:$0x3] =	stream.linear.gather [hbm4b:s17+s4], $0x80, $0x38;
	[tilespmem:$0x1C400] =	vst v63  }
0xb6: {  	_ =	swait.ge [sflag:s3], $0x4000  }
0xb7: {  	[sflag:s3] =	ssyncset.done $0x0  }
0xb8: {  	[sflag:s3] =	ssyncadd.s32 $0xFFFFC000  }
0xb9: {  	_ =	swait.ge [sflag:s9], $0x4000  }
0xba: {  	[sflag:s9] =	ssyncset.done $0x0  }
0xbb: {  	[sflag:s9] =	ssyncadd.s32 $0xFFFFC000  }
0xbc: {  	_ =	swait.ge [sflag:s10], $0x80  }
0xbd: {  	[sflag:s10] =	ssyncset.done $0x0  }
0xbe: {  	[sflag:s10] =	ssyncadd.s32 $0xFFFFFF80  }
0xbf: {  	_ =	swait.ge [sflag:s10], $0x80  }
0xc0: {  	[sflag:s10] =	ssyncset.done $0x0  }
0xc1: {  	[sflag:s10] =	ssyncadd.s32 $0xFFFFFF80  }
0xc2: {  	[tilespmem:s19], [sflag:$0x5] =	stream.indirect.gather [hbm4b:s5+s22], $0x80, s31, s22, $0xb8;
	[tilespmem:$0x1C400] =	vst v63  }
0xc3: {  	s16 =	sor.u32 $0x30, s16  }
0xc4: {  	[spmem:s2] =	stream.indirect.scatter.add.f32 [tilespmem:s26], [sflag:$0x8], $0x80, s23, s22, $0xb8;
	[tilespmem:$0x1C400] =	vst v63  }
0xc5: {  	s18 =	sadd.s32 s1, s16  }
0xc6: {  	[tilespmem:s11], [sflag:$0x4] =	stream.linear.gather [hbm4b:s18+s4], $0x80, $0x38;
	[tilespmem:$0x1C400] =	vst v63  }
0xc7: {  	s16 =	sadd.s32 s6, s16  }
0xc8: {  	[tilespmem:s25], [sflag:$0x4] =	stream.linear.gather [hbm4b:s16+s4], $0x80, $0x38;
	[tilespmem:$0x1C400] =	vst v63  }
0xc9: {  	_ =	swait.ge [sflag:s28], $0x4000  }
0xca: {  	[sflag:s28] =	ssyncset.done $0x0  }
0xcb: {  	[sflag:s28] =	ssyncadd.s32 $0xFFFFC000  }
0xcc: {  	_ =	swait.ge [sflag:s29], $0x4000  }
0xcd: {  	[sflag:s29] =	ssyncset.done $0x0  }
0xce: {  	[sflag:s29] =	ssyncadd.s32 $0xFFFFC000  }
0xcf: {  	s14 =	sadd.s32 $0x4, s14;
	_ =	swait.ge [sflag:s12], $0x80  }
0xd0: {  	s17 =	smin.u32 s14, $0x4B;
	[sflag:s12] =	ssyncset.done $0x0  }
0xd1: {  	s16 =	sadd.s32 $0x4, s17;
	[sflag:s12] =	ssyncadd.s32 $0xFFFFFF80  }
0xd2: {  	s18 =	sadd.s32 s8, s16;
	_ =	swait.ge [sflag:s12], $0x80  }
0xd3: {  	s16 =	sshll.u32 s16, $0x4;
	s17 =	sshll.u32 s18, $0x4;
	[sflag:s12] =	ssyncset.done $0x0  }
0xd4: {  	s16 =	sand.u32 $0x70, s16;
	s17 =	sand.u32 $0x1FF80, s17;
	[sflag:s12] =	ssyncadd.s32 $0xFFFFFF80  }
0xd5: {  	[tilespmem:s26], [sflag:$0x6] =	stream.indirect.gather [hbm4b:s5+s22], $0x80, s11, s22, $0xb8;
	[tilespmem:$0x1C400] =	vst v63  }
0xd6: {  	s16 =	sor.u32 s16, s17  }
0xd7: {  	[spmem:s2] =	stream.indirect.scatter.add.f32 [tilespmem:s19], [sflag:$0x7], $0x80, s0, s22, $0xb8;
	[tilespmem:$0x1C400] =	vst v63  }
0xd8: {  	s17 =	sadd.s32 s1, s16  }
0xd9: {  	[tilespmem:s4], [sflag:$0x1] =	stream.linear.gather [hbm4b:s17+s4], $0x80, $0x38;
	[tilespmem:$0x1C400] =	vst v63  }
0xda: {  	s16 =	sadd.s32 s6, s16  }
0xdb: {  	[tilespmem:s21], [sflag:$0x1] =	stream.linear.gather [hbm4b:s16+s4], $0x80, $0x38;
	[tilespmem:$0x1C400] =	vst v63  }
0xdc: {  	_ =	swait.ge [sflag:s3], $0x4000  }
0xdd: {  	[sflag:s3] =	ssyncset.done $0x0  }
0xde: {  	p0 =	sne.s32 s15, $0x4C0;
	[sflag:s3] =	ssyncadd.s32 $0xFFFFC000  }
.Ltmp1:
0xdf: {  	_ =	swait.ge [sflag:s9], $0x4000;
	(pc) =	sbr.rel @p0 .LBB2_4-.Ltmp1, $4  }
0xe0: {  	[sflag:s9] =	ssyncset.done $0x0  }
0xe1: {  	s18 =	smin.u32 s14, $0x4A;
	[sflag:s9] =	ssyncadd.s32 $0xFFFFC000  }
0xe2: {  	s15 =	sadd.s32 $0x40, s15;
	s16 =	sadd.s32 $0x5, s18;
	_ =	swait.ge [sflag:s24], $0x80  }
0xe3: {  	s17 =	sadd.s32 s8, s16;
	s16 =	sshll.u32 s16, $0x4;
	[sflag:s24] =	ssyncset.done $0x0  }
0xe4: {  	[sflag:s24] =	ssyncadd.s32 $0xFFFFFF80  }
0xe5: {  	_ =	swait.ge [sflag:s24], $0x80  }
0xe6: {  	s14 =	sshll.u32 s17, $0x4;
	[sflag:s24] =	ssyncset.done $0x0  }
0xe7: {  	s15 =	sand.u32 $0x70, s16;
	s14 =	sand.u32 $0x1FF80, s14;
	[sflag:s24] =	ssyncadd.s32 $0xFFFFFF80  }
0xe8: {  	[tilespmem:s19], [sflag:$0x5] =	stream.indirect.gather [hbm4b:s5+s22], $0x80, s4, s22, $0xb8;
	[tilespmem:$0x1C400] =	vst v63  }
0xe9: {  	s14 =	sor.u32 s15, s14  }
0xea: {  	[spmem:s2] =	stream.indirect.scatter.add.f32 [tilespmem:s26], [sflag:$0x8], $0x80, s25, s22, $0xb8;
	[tilespmem:$0x1C400] =	vst v63  }
0xeb: {  	s15 =	sadd.s32 s1, s14  }
0xec: {  	[tilespmem:s22], [sflag:$0x2] =	stream.linear.gather [hbm4b:s15+s4], $0x80, $0x38;
	[tilespmem:$0x1C400] =	vst v63  }
0xed: {  	s14 =	sadd.s32 s6, s14  }
0xee: {  	[tilespmem:s23], [sflag:$0x2] =	stream.linear.gather [hbm4b:s14+s4], $0x80, $0x38;
	[tilespmem:$0x1C400] =	vst v63  }
0xef: {  	_ =	swait.ge [sflag:s28], $0x4000  }
0xf0: {  	[sflag:s28] =	ssyncset.done $0x0  }
0xf1: {  	[sflag:s28] =	ssyncadd.s32 $0xFFFFC000  }
0xf2: {  	_ =	swait.ge [sflag:s30], $0x80  }
0xf3: {  	[sflag:s30] =	ssyncset.done $0x0  }
0xf4: {  	[sflag:s30] =	ssyncadd.s32 $0xFFFFFF80  }
0xf5: {  	_ =	swait.ge [sflag:s30], $0x80  }
0xf6: {  	[sflag:s30] =	ssyncset.done $0x0  }
0xf7: {  	[sflag:s30] =	ssyncadd.s32 $0xFFFFFF80  }
0xf8: {  	_ =	swait.ge [sflag:s29], $0x4000  }
0xf9: {  	[sflag:s29] =	ssyncset.done $0x0  }
0xfa: {  	s15 =	stileid.u32;
	[sflag:s29] =	ssyncadd.s32 $0xFFFFC000  }
0xfb: {  	s14 =	sshll.u32 s15, $0x6;
	[bflag:$0x0] =	sbarrier.arrive $0xFFFF  }
0xfc: {  	s16 =	sshrl.u32 s7, $0x3;
	s14 =	sor.u32 $0x1C09, s14;
	s17 =	rddreg [dreg:$0x9]  }
0xfd: {  	[hbm:s17], [sflag:s14] =	dma.local [spmem:s16], $0x2800  }
0xfe: {  	_ =	swait.ge [sflag:s20], $0x2800  }
0xff: {  	s13 =	sadd.s32 $0x1, s13;
	s18 =	rddreg [dreg:$0xa]  }
0x100: {  	p0 =	sne.s32 s13, s18  }
.Ltmp2:
0x101: {  	_ = 	snop;
	(pc) =	sbr.rel @p0 .LBB2_1-.Ltmp2, $3  }
0x102: {  	_ =	sdelay $0x1  }
0x103: {  	[sflag:s20] =	ssyncset.done $0x0  }
0x104: {  	[sflag:s20] =	ssyncadd.s32 $0xFFFFD800  }
0x105: {  	_ =	sfence.sel $0x180000  }
0x106: {  	[bflag:$0x0] =	sbarrier.arrive $0xFFFF  }
0x107: {  	_ =	strace $0x90000047  }
0x108: {  	s0 =	stileid.u32;
	[bflag:$0x2] =	sbarrier.arrive $0xFFFF  }
0x109: {  	p0 =	sne.s32 s0, $0x0;
	s0 =	rddreg [dreg:$0x3]  }
0x10a: {  	s0 =	sadd.s32 @!p0 $0x100000, s0  }
0x10b: {  	[sflag:s0] =	ssyncadd.tile.s32 @!p0 $0x1;
	_ =	shalt  }
.Lfunc_end2:
_tile_overlayer_lowered:
.L_overlay_start_2:
0x10c: {  	(tag) =	ssettag $0x2  }
0x10d: {  	s0 =	rddreg [dreg:$0x0];
	s2 =	stileid.u32  }
0x10e: {  	s1 =	rddreg [dreg:$0x1];
	p0 =	sne.s32 s2, $0x0  }
0x10f: {  	s3 =	rddreg [dreg:$0x2];
	[bflag:$0x3] =	sbarrier.arrive $0xFFFF;
	s2 =	simm.s32 @!p0 $0x1C09  }
0x110: {  	[timem:s3], [sflag:s2] =	dma.local @!p0 [hbm:s0], s1  }
0x111: {  	s0 =	simm.s32 @!p0 $0x9  }
0x112: {  	_ =	swait.ge @!p0 [sflag:s0], s1  }
0x113: {  	s1 =	ssub.s32 @!p0 $0x0, s1;
	[sflag:s0] =	ssyncset.done @!p0 $0x0  }
0x114: {  	[sflag:s0] =	ssyncadd.s32 @!p0 s1  }
0x115: {  	[bflag:$0x3] =	sbarrier.arrive $0xFFFF  }
0x116: {  	_ =	shalt  }

</sc_bundles>
